<compile_context>
chip_gen: v7x
topology: tpu7x:2x2x1
jax: 0.10.2.dev20260603
libtpu: 0.0.44.dev20260713+nightly
codegen_flags: <defaults>
</compile_context>

<pallas_src>
import functools
import jax
import jax.numpy as jnp
from jax import lax
from jax.experimental import pallas as pl
from jax.experimental.pallas import tpu as pltpu
from jax.experimental.pallas import tpu_sc as plsc

B, N, M, C, K = 2, 4096, 4096, 64, 32
R2 = 0.04
RADIUS = 0.2
TN = 128
TE = TN * K
D = 128
NC, NS = 2, 16
NW = NC * NS


def _p1_body(q_ref, sT_ref, m_ref, idx_ref, nm_ref, nn_ref):
    b = pl.program_id(0)
    q = q_ref[0]
    sT = sT_ref[0]
    msk = m_ref[0]

    acc = jnp.zeros((TN, M), jnp.float32)
    for d in range(3):
        diff = q[:, d:d + 1] - sT[d:d + 1, :]
        acc = acc + diff * diff

    maskb = msk > 0.0
    valid = (acc < R2) & maskb

    iota = lax.broadcasted_iota(jnp.int32, (TN, M), 1)
    dm = jnp.where(maskb, acc, jnp.inf)
    minv = jnp.min(dm, axis=1, keepdims=True)
    nn = jnp.min(jnp.where(dm == minv, iota, M), axis=1, keepdims=True)
    nn_ref[0] = nn + b * M

    iotaK = lax.broadcasted_iota(jnp.int32, (1, K), 1)
    vf = valid.astype(jnp.float32)
    v2 = vf.reshape(TN * 32, 128)
    ioA = lax.broadcasted_iota(jnp.int32, (128, 128), 0)
    ioB = lax.broadcasted_iota(jnp.int32, (128, 128), 1)
    U128 = (ioA <= ioB).astype(jnp.float32)
    wr = jnp.dot(v2, U128, preferred_element_type=jnp.float32)
    t = wr[:, 127:128].reshape(TN, 32)
    ioC = lax.broadcasted_iota(jnp.int32, (32, 32), 0)
    ioD = lax.broadcasted_iota(jnp.int32, (32, 32), 1)
    SU = (ioC < ioD).astype(jnp.float32)
    offs = jnp.dot(t, SU, preferred_element_type=jnp.float32)
    rank = (wr.reshape(TN, 32, 128) + offs[:, :, None]).reshape(TN, M)
    idxs = jnp.zeros((TN, K), jnp.int32)
    for k in range(K):
        cnt = jnp.sum(jnp.where(rank <= float(k), 1.0, 0.0), axis=1,
                      keepdims=True).astype(jnp.int32)
        idxs = idxs + jnp.where(iotaK == k, cnt, 0)

    nmv = idxs < M
    safe0 = jnp.where(nmv[:, 0:1], idxs[:, 0:1], 0)
    idxf = jnp.where(nmv, idxs, safe0)
    idx_ref[0] = idxf + b * M
    nm_ref[0] = nmv.astype(jnp.float32)


def _run_p1(query_xyz, sxyzT, maskR):
    grid = (B, N // TN)
    return pl.pallas_call(
        _p1_body,
        grid=grid,
        in_specs=[
            pl.BlockSpec((1, TN, 3), lambda b, i: (b, i, 0)),
            pl.BlockSpec((1, 3, M), lambda b, i: (b, 0, 0)),
            pl.BlockSpec((1, 1, M), lambda b, i: (b, 0, 0)),
        ],
        out_specs=[
            pl.BlockSpec((1, TN, K), lambda b, i: (b, i, 0)),
            pl.BlockSpec((1, TN, K), lambda b, i: (b, i, 0)),
            pl.BlockSpec((1, TN, 1), lambda b, i: (b, i, 0)),
        ],
        out_shape=[
            jax.ShapeDtypeStruct((B, N, K), jnp.int32),
            jax.ShapeDtypeStruct((B, N, K), jnp.float32),
            jax.ShapeDtypeStruct((B, N, 1), jnp.int32),
        ],
    )(query_xyz, sxyzT, maskR)


def _make_sc_gather(n_rows, chunk):
    n_iters = n_rows // (NW * chunk)
    per_w = n_rows // NW
    mesh = plsc.VectorSubcoreMesh(core_axis_name="c", subcore_axis_name="s")

    @functools.partial(
        pl.kernel, mesh=mesh,
        out_type=jax.ShapeDtypeStruct((n_rows, D), jnp.float32),
        scratch_types=[
            pltpu.VMEM((per_w,), jnp.int32),
            pltpu.VMEM((chunk, D), jnp.float32),
            pltpu.SemaphoreType.DMA,
        ],
    )
    def gather(table_hbm, idx_hbm, out_hbm, idx_v, rows_v, sem):
        wid = lax.axis_index("s") * NC + lax.axis_index("c")
        base = wid * per_w
        pltpu.sync_copy(idx_hbm.at[pl.ds(base, per_w)], idx_v)
        for j in range(n_iters):
            off = j * chunk
            pltpu.async_copy(
                table_hbm.at[idx_v.at[pl.ds(off, chunk)]], rows_v, sem
            ).wait()
            pltpu.sync_copy(rows_v, out_hbm.at[pl.ds(base + off, chunk)])

    return gather


def _p3a_body(ge_ref, q_ref, wT_ref, be_ref, o_ref):
    rows = ge_ref[0]
    q = q_ref[0]
    xyz = rows[:, :, 64:67]
    pos = (xyz - q[:, None, :]) / RADIUS
    pos2 = pos.reshape(TE, 3)
    y1 = jnp.dot(pos2, wT_ref[...], preferred_element_type=jnp.float32) + be_ref[...]
    s1 = jnp.sum(y1, axis=0, keepdims=True)
    s2 = jnp.sum(y1 * y1, axis=0, keepdims=True)
    o_ref[0, 0] = jnp.concatenate([s1, s2], axis=0)


def _run_p3a(ge, query_xyz, WeffT, beff):
    grid = (B, N // TN)
    return pl.pallas_call(
        _p3a_body,
        grid=grid,
        in_specs=[
            pl.BlockSpec((1, TN, K, D), lambda b, i: (b, i, 0, 0)),
            pl.BlockSpec((1, TN, 3), lambda b, i: (b, i, 0)),
            pl.BlockSpec((3, C), lambda b, i: (0, 0)),
            pl.BlockSpec((1, C), lambda b, i: (0, 0)),
        ],
        out_specs=pl.BlockSpec((1, 1, 2, C), lambda b, i: (b, i, 0, 0)),
        out_shape=jax.ShapeDtypeStruct((B, N // TN, 2, C), jnp.float32),
    )(ge.reshape(B, N, K, D), query_xyz, WeffT, beff)


def _p3b_body(ge_ref, gi_ref, q_ref, a1T_ref, c1_ref, phiT_ref, bphi_ref,
              psiT_ref, bpsi_ref, geffT_ref, geffb_ref, o_ref):
    rows = ge_ref[0]
    q = q_ref[0]
    xyz = rows[:, :, 64:67]
    pos = ((xyz - q[:, None, :]) / RADIUS).reshape(TE, 3)
    delta = jnp.maximum(
        jnp.dot(pos, a1T_ref[...], preferred_element_type=jnp.float32)
        + c1_ref[...], 0.0)
    xj = rows[:, :, 0:64].reshape(TE, C)
    lin_j = jnp.dot(xj, psiT_ref[...], preferred_element_type=jnp.float32) + bpsi_ref[...]
    xi = gi_ref[0][:, 0:64]
    lin_i = jnp.dot(xi, phiT_ref[...], preferred_element_type=jnp.float32) + bphi_ref[...]
    rel3 = lin_i[:, None, :] - lin_j.reshape(TN, K, C) + delta.reshape(TN, K, C)
    rel = rel3.reshape(TE, C)
    y2 = jnp.dot(rel, geffT_ref[...], preferred_element_type=jnp.float32) + geffb_ref[...]
    s1 = jnp.sum(y2, axis=0, keepdims=True)
    s2 = jnp.sum(y2 * y2, axis=0, keepdims=True)
    o_ref[0, 0] = jnp.concatenate([s1, s2], axis=0)


def _run_p3b(ge, gi, query_xyz, A1T, C1, phiT, bphi, psiT, bpsi, GeffT, geffb):
    grid = (B, N // TN)
    vec = lambda b, i: (0, 0)
    return pl.pallas_call(
        _p3b_body,
        grid=grid,
        in_specs=[
            pl.BlockSpec((1, TN, K, D), lambda b, i: (b, i, 0, 0)),
            pl.BlockSpec((1, TN, D), lambda b, i: (b, i, 0)),
            pl.BlockSpec((1, TN, 3), lambda b, i: (b, i, 0)),
            pl.BlockSpec((3, C), vec),
            pl.BlockSpec((1, C), vec),
            pl.BlockSpec((C, C), vec),
            pl.BlockSpec((1, C), vec),
            pl.BlockSpec((C, C), vec),
            pl.BlockSpec((1, C), vec),
            pl.BlockSpec((C, C), vec),
            pl.BlockSpec((1, C), vec),
        ],
        out_specs=pl.BlockSpec((1, 1, 2, C), lambda b, i: (b, i, 0, 0)),
        out_shape=jax.ShapeDtypeStruct((B, N // TN, 2, C), jnp.float32),
    )(ge.reshape(B, N, K, D), gi.reshape(B, N, D), query_xyz,
      A1T, C1, phiT, bphi, psiT, bpsi, GeffT, geffb)


def _p3c_body(ge_ref, gi_ref, q_ref, qm_ref, nm_ref, a1T_ref, c1_ref,
              phiT_ref, bphi_ref, psiT_ref, bpsi_ref, a2T_ref, c2_ref,
              alphaT_ref, balpha_ref, o_ref):
    rows = ge_ref[0]
    q = q_ref[0]
    xyz = rows[:, :, 64:67]
    pos = ((xyz - q[:, None, :]) / RADIUS).reshape(TE, 3)
    delta = jnp.maximum(
        jnp.dot(pos, a1T_ref[...], preferred_element_type=jnp.float32)
        + c1_ref[...], 0.0)
    xj = rows[:, :, 0:64].reshape(TE, C)
    lin_j = jnp.dot(xj, psiT_ref[...], preferred_element_type=jnp.float32) + bpsi_ref[...]
    xi = gi_ref[0][:, 0:64]
    lin_i = jnp.dot(xi, phiT_ref[...], preferred_element_type=jnp.float32) + bphi_ref[...]
    rel3 = lin_i[:, None, :] - lin_j.reshape(TN, K, C) + delta.reshape(TN, K, C)
    rel = rel3.reshape(TE, C)
    s = jnp.maximum(
        jnp.dot(rel, a2T_ref[...], preferred_element_type=jnp.float32)
        + c2_ref[...], 0.0)
    s3 = s.reshape(TN, K, C)
    mx = jnp.max(s3, axis=1, keepdims=True)
    e = jnp.exp(s3 - mx)
    w = e / jnp.sum(e, axis=1, keepdims=True)
    feats = (jnp.dot(xj, alphaT_ref[...], preferred_element_type=jnp.float32)
             + balpha_ref[...] + delta).reshape(TN, K, C)
    fm = nm_ref[0] + (1.0 - qm_ref[0])
    feats = feats * fm[:, :, None]
    o_ref[0] = jnp.sum(w * feats, axis=1)


def _run_p3c(ge, gi, query_xyz, qmaskR, nmask, A1T, C1, phiT, bphi, psiT,
             bpsi, A2T, C2, alphaT, balpha):
    grid = (B, N // TN)
    vec = lambda b, i: (0, 0)
    return pl.pallas_call(
        _p3c_body,
        grid=grid,
        in_specs=[
            pl.BlockSpec((1, TN, K, D), lambda b, i: (b, i, 0, 0)),
            pl.BlockSpec((1, TN, D), lambda b, i: (b, i, 0)),
            pl.BlockSpec((1, TN, 3), lambda b, i: (b, i, 0)),
            pl.BlockSpec((1, TN, 1), lambda b, i: (b, i, 0)),
            pl.BlockSpec((1, TN, K), lambda b, i: (b, i, 0)),
            pl.BlockSpec((3, C), vec),
            pl.BlockSpec((1, C), vec),
            pl.BlockSpec((C, C), vec),
            pl.BlockSpec((1, C), vec),
            pl.BlockSpec((C, C), vec),
            pl.BlockSpec((1, C), vec),
            pl.BlockSpec((C, C), vec),
            pl.BlockSpec((1, C), vec),
            pl.BlockSpec((C, C), vec),
            pl.BlockSpec((1, C), vec),
        ],
        out_specs=pl.BlockSpec((1, TN, C), lambda b, i: (b, i, 0)),
        out_shape=jax.ShapeDtypeStruct((B, N, C), jnp.float32),
    )(ge.reshape(B, N, K, D), gi.reshape(B, N, D), query_xyz, qmaskR, nmask,
      A1T, C1, phiT, bphi, psiT, bpsi, A2T, C2, alphaT, balpha)


def _bn_affine(sums, count, g, b):
    mu = sums[0] / count
    var = sums[1] / count - mu * mu
    a = g / jnp.sqrt(var + 1e-5)
    return a, mu


@jax.jit
def kernel(query_xyz, support_xyz, query_mask, support_mask, support_features,
           W_theta1, b_theta1, W_theta2, b_theta2, g_bn_theta, b_bn_theta,
           W_phi, b_phi, W_psi, b_psi, W_alpha, b_alpha,
           W_g1, b_g1, W_g2, b_g2, g_bn_g, b_bn_g):
    f32 = jnp.float32
    sxyzT = jnp.transpose(support_xyz, (0, 2, 1))
    maskR = support_mask.reshape(B, 1, M)
    Weff = jnp.dot(W_theta2, W_theta1)
    beff = jnp.dot(W_theta2, b_theta1) + b_theta2
    Geff = jnp.dot(W_g2, W_g1)
    geffb = jnp.dot(W_g2, b_g1) + b_g2

    idxg, nmask, nng = _run_p1(query_xyz, sxyzT, maskR)

    table = jnp.concatenate(
        [jnp.transpose(support_features, (0, 2, 1)),
         support_xyz,
         jnp.zeros((B, M, D - C - 3), f32)], axis=-1).reshape(B * M, D)
    ge = _make_sc_gather(B * N * K, 512)(table, idxg.reshape(-1))
    gi = _make_sc_gather(B * N, 256)(table, nng.reshape(-1))

    cnt_e = float(B * N * K)
    p1 = _run_p3a(ge, query_xyz, Weff.T, beff.reshape(1, C))
    s = p1.sum(axis=(0, 1))
    a1, mu1 = _bn_affine(s, cnt_e, g_bn_theta, None)
    A1 = a1[:, None] * Weff
    C1 = (a1 * (beff - mu1) + b_bn_theta).reshape(1, C)

    p2 = _run_p3b(ge, gi, query_xyz, A1.T, C1, W_phi.T, b_phi.reshape(1, C),
                  W_psi.T, b_psi.reshape(1, C), Geff.T, geffb.reshape(1, C))
    s2 = p2.sum(axis=(0, 1))
    a2, mu2 = _bn_affine(s2, cnt_e, g_bn_g, None)
    A2 = a2[:, None] * Geff
    C2 = (a2 * (geffb - mu2) + b_bn_g).reshape(1, C)

    out = _run_p3c(ge, gi, query_xyz, query_mask.reshape(B, N, 1), nmask,
                   A1.T, C1, W_phi.T, b_phi.reshape(1, C),
                   W_psi.T, b_psi.reshape(1, C), A2.T, C2,
                   W_alpha.T, b_alpha.reshape(1, C))
    return jnp.transpose(out, (0, 2, 1))

# --- scband reference (transcript-rebuilt; emitter-appended) ---
"""Pipeline reference for scband-point-transformer-12446815224298 (READ-ONLY COPY).

The authoritative reference and input builder live on the scoring server;
editing this copy changes nothing except your own understanding.
"""

import jax, jax.numpy as jnp
import numpy as np

RADIUS = 0.2
NSAMPLE = 32


def conv1x1(x, W, b):
    # x: [B, Cin, N, K], W: [Cout, Cin], b: [Cout]
    return jnp.einsum('oi,bink->bonk', W, x) + b[None, :, None, None]


def batchnorm2d(x, g, b, eps=1e-5):
    m = jnp.mean(x, axis=(0, 2, 3), keepdims=True)
    v = jnp.var(x, axis=(0, 2, 3), keepdims=True)
    return (x - m) / jnp.sqrt(v + eps) * g[None, :, None, None] + b[None, :, None, None]


def ball_group(query_xyz, support_xyz, support_mask, features, radius, nsample):
    # masked ordered ball query: first `nsample` valid support points (by index order)
    diff = query_xyz[:, :, None, :] - support_xyz[:, None, :, :]
    dist2 = jnp.sum(diff * diff, axis=-1)  # [B, N, M]
    M = support_xyz.shape[1]
    valid = (dist2 < radius * radius) & (support_mask[:, None, :] > 0)
    key = jnp.where(valid, jnp.arange(M)[None, None, :], M)
    idx = jnp.argsort(key, axis=-1)[:, :, :nsample]  # [B, N, K]
    nmask = jnp.take_along_axis(valid, idx, axis=-1)
    # pad empty slots with first found index (0 if no neighbor at all)
    idx = jnp.where(nmask, idx, jnp.where(nmask[:, :, :1], idx[:, :, :1], 0))
    g_xyz = jax.vmap(lambda xyz, i: xyz[i])(support_xyz, idx)  # [B, N, K, 3]
    g_xyz = (g_xyz - query_xyz[:, :, None, :]) / radius  # normalize_xyz=True
    g_xyz = jnp.transpose(g_xyz, (0, 3, 1, 2))  # [B, 3, N, K]
    g_feat = jax.vmap(lambda f, i: f[:, i])(features, idx)  # [B, C, N, K]
    return g_feat, g_xyz, nmask.astype(jnp.float32)


def nn_group(query_xyz, support_xyz, support_mask, features):
    diff = query_xyz[:, :, None, :] - support_xyz[:, None, :, :]
    dist2 = jnp.sum(diff * diff, axis=-1)
    dist2 = jnp.where(support_mask[:, None, :] > 0, dist2, jnp.inf)
    idx = jnp.argmin(dist2, axis=-1)[:, :, None]  # [B, N, 1]
    g_feat = jax.vmap(lambda f, i: f[:, i])(features, idx)  # [B, C, N, 1]
    return g_feat


def setup_inputs(seed: int = 0):
    key = jax.random.key(seed)
    ks = jax.random.split(key, 16)
    B, N, M, C = 2, 4096, 4096, 64
    inp = {}
    inp['query_xyz'] = jax.random.uniform(ks[0], (B, N, 3), dtype=jnp.float32)
    inp['support_xyz'] = jax.random.uniform(ks[1], (B, M, 3), dtype=jnp.float32)
    inp['query_mask'] = jnp.ones((B, N), jnp.float32)
    inp['support_mask'] = jnp.ones((B, M), jnp.float32)
    inp['support_features'] = jax.random.normal(ks[2], (B, C, M), dtype=jnp.float32) * 0.1

    def w(k, o, i):
        return jax.random.normal(k, (o, i), dtype=jnp.float32) * 0.05
    inp['W_theta1'] = w(ks[3], C, 3); inp['b_theta1'] = jnp.zeros((C,), jnp.float32)
    inp['W_theta2'] = w(ks[4], C, C); inp['b_theta2'] = jnp.zeros((C,), jnp.float32)
    inp['g_bn_theta'] = jnp.ones((C,), jnp.float32); inp['b_bn_theta'] = jnp.zeros((C,), jnp.float32)
    inp['W_phi'] = w(ks[5], C, C); inp['b_phi'] = jnp.zeros((C,), jnp.float32)
    inp['W_psi'] = w(ks[6], C, C); inp['b_psi'] = jnp.zeros((C,), jnp.float32)
    inp['W_alpha'] = w(ks[7], C, C); inp['b_alpha'] = jnp.zeros((C,), jnp.float32)
    inp['W_g1'] = w(ks[8], C, C); inp['b_g1'] = jnp.zeros((C,), jnp.float32)
    inp['W_g2'] = w(ks[9], C, C); inp['b_g2'] = jnp.zeros((C,), jnp.float32)
    inp['g_bn_g'] = jnp.ones((C,), jnp.float32); inp['b_bn_g'] = jnp.zeros((C,), jnp.float32)
    return inp


def reference(query_xyz, support_xyz, query_mask, support_mask, support_features,
              W_theta1, b_theta1, W_theta2, b_theta2, g_bn_theta, b_bn_theta,
              W_phi, b_phi, W_psi, b_psi, W_alpha, b_alpha,
              W_g1, b_g1, W_g2, b_g2, g_bn_g, b_bn_g):
    x_j, pos, nmask = ball_group(query_xyz, support_xyz, support_mask, support_features, RADIUS, NSAMPLE)
    x_i = nn_group(query_xyz, support_xyz, support_mask, support_features)[..., 0]  # [B, C, N]
    delta = jax.nn.relu(batchnorm2d(conv1x1(conv1x1(pos, W_theta1, b_theta1), W_theta2, b_theta2), g_bn_theta, b_bn_theta))
    x_i4 = jnp.repeat(x_i[..., None], x_j.shape[-1], axis=-1)  # [B, C, N, K]
    lin_i = conv1x1(x_i4, W_phi, b_phi)
    lin_j = conv1x1(x_j, W_psi, b_psi)
    rel = lin_i - lin_j + delta
    rel = jax.nn.relu(batchnorm2d(conv1x1(conv1x1(rel, W_g1, b_g1), W_g2, b_g2), g_bn_g, b_bn_g))
    weights = jax.nn.softmax(rel, axis=-1)
    feats = conv1x1(x_j, W_alpha, b_alpha) + delta
    fmask = nmask + (1.0 - query_mask[:, :, None])  # [B, N, K]
    feats = feats * fmask[:, None, :, :]
    f_out = jnp.sum(weights * feats, axis=-1)  # [B, C, N]
    return f_out

if __name__ == "__main__":
    import jax
    _d = setup_inputs()
    print(jax.jit(kernel)(*tuple(_d.values())))

</pallas_src>

<mosaic_0001>
#map = affine_map<(d0, d1) -> (0, 0)>
#map1 = affine_map<(d0, d1) -> (0)>
module attributes {stable_mosaic.version = 14 : i64} {
  func.func @gather(%arg0: i32, %arg1: i32, %arg2: memref<8192x128xf32, #tpu.memory_space<hbm>>, %arg3: memref<262144xi32, #tpu.memory_space<hbm>>, %arg4: memref<262144x128xf32, #tpu.memory_space<hbm>>, %arg5: memref<8192xi32, #tpu.memory_space<vmem>>, %arg6: memref<512x128xf32, #tpu.memory_space<vmem>>, %arg7: memref<!tpu.dma_semaphore, #tpu.memory_space<semaphore_mem>>) attributes {dimension_semantics = [#tpu.dimension_semantics<core_parallel>, #tpu.dimension_semantics<subcore_parallel>], iteration_bounds = array<i64: 2, 16>, scalar_prefetch = 0 : i64, scratch_operands = 3 : i64, tpu.core_type = #tpu.core_type<sc_vector_subcore>, window_params = [{transform_indices = #map}, {transform_indices = #map1}, {transform_indices = #map}]} {
    %mul3A = arith.constant 2 : i32
    %mul3A_0 = arith.muli %arg1, %mul3A : i32
    %add3A = arith.addi %mul3A_0, %arg0 : i32
    %mul3A_1 = arith.constant 8192 : i32
    %mul3A_2 = arith.muli %add3A, %mul3A_1 : i32
    "tpu.region"() ({
      %run_scoped3A = tpu.sem_alloc : memref<!tpu.dma_semaphore, #tpu.memory_space<semaphore_mem>>
      %dma_start3A_193 = tpu.memref_slice %arg3[%mul3A_2] : memref<262144xi32, #tpu.memory_space<hbm>> -> memref<8192xi32, #tpu.memory_space<hbm>>
      %dma_start3A_194 = tpu.memref_slice %arg3[%mul3A_2] : memref<262144xi32, #tpu.memory_space<hbm>> -> memref<8192xi32, #tpu.memory_space<hbm>>
      tpu.enqueue_dma source(%dma_start3A_194 : memref<8192xi32, #tpu.memory_space<hbm>>) target(%arg5 : memref<8192xi32, #tpu.memory_space<vmem>>) target_semaphore(%run_scoped3A : memref<!tpu.dma_semaphore, #tpu.memory_space<semaphore_mem>>)
      %dma_wait3A_195 = tpu.memref_slice %arg3[%mul3A_2] : memref<262144xi32, #tpu.memory_space<hbm>> -> memref<8192xi32, #tpu.memory_space<hbm>>
      %dma_wait3A_196 = tpu.memref_slice %arg3[%mul3A_2] : memref<262144xi32, #tpu.memory_space<hbm>> -> memref<8192xi32, #tpu.memory_space<hbm>>
      tpu.wait_dma2 semaphore(%run_scoped3A : memref<!tpu.dma_semaphore, #tpu.memory_space<semaphore_mem>>) src(%dma_wait3A_196 : memref<8192xi32, #tpu.memory_space<hbm>>) dst(%arg5 : memref<8192xi32, #tpu.memory_space<vmem>>)
      tpu.yield
    }) : () -> ()
    %dma_start3A = arith.constant 0 : i32
    %dma_start3A_3 = tpu.memref_slice %arg5[%dma_start3A] : memref<8192xi32, #tpu.memory_space<vmem>> -> memref<512xi32, #tpu.memory_space<vmem>>
    %dma_start3A_4 = arith.constant 0 : i32
    %dma_start3A_5 = arith.constant 0 : i32
    %dma_start3A_6 = tpu.memref_slice %arg2[%dma_start3A_4, %dma_start3A_5] : memref<8192x128xf32, #tpu.memory_space<hbm>> -> memref<8192x128xf32, #tpu.memory_space<hbm>>
    tpu.enqueue_indirect_dma source(%dma_start3A_6 : memref<8192x128xf32, #tpu.memory_space<hbm>>) target(%arg6 : memref<512x128xf32, #tpu.memory_space<vmem>>) offsets(%dma_start3A_3 : memref<512xi32, #tpu.memory_space<vmem>>) semaphore(%arg7 : memref<!tpu.dma_semaphore, #tpu.memory_space<semaphore_mem>>)
    %dma_wait3A = arith.constant 0 : i32
    %dma_wait3A_7 = tpu.memref_slice %arg5[%dma_wait3A] : memref<8192xi32, #tpu.memory_space<vmem>> -> memref<512xi32, #tpu.memory_space<vmem>>
    %dma_wait3A_8 = arith.constant 0 : i32
    %dma_wait3A_9 = arith.constant 0 : i32
    %dma_wait3A_10 = tpu.memref_slice %arg2[%dma_wait3A_8, %dma_wait3A_9] : memref<8192x128xf32, #tpu.memory_space<hbm>> -> memref<8192x128xf32, #tpu.memory_space<hbm>>
    tpu.wait_indirect_dma semaphore(%arg7 : memref<!tpu.dma_semaphore, #tpu.memory_space<semaphore_mem>>) src(%dma_wait3A_10 : memref<8192x128xf32, #tpu.memory_space<hbm>>) dst(%arg6 : memref<512x128xf32, #tpu.memory_space<vmem>>)
    %add3A_11 = arith.constant 0 : i32
    %add3A_12 = arith.addi %mul3A_2, %add3A_11 : i32
    "tpu.region"() ({
      %run_scoped3A = tpu.sem_alloc : memref<!tpu.dma_semaphore, #tpu.memory_space<semaphore_mem>>
      %dma_start3A_193 = arith.constant 0 : i32
      %dma_start3A_194 = tpu.memref_slice %arg4[%add3A_12, %dma_start3A_193] : memref<262144x128xf32, #tpu.memory_space<hbm>> -> memref<512x128xf32, #tpu.memory_space<hbm>>
      %dma_start3A_195 = arith.constant 0 : i32
      %dma_start3A_196 = tpu.memref_slice %arg4[%add3A_12, %dma_start3A_195] : memref<262144x128xf32, #tpu.memory_space<hbm>> -> memref<512x128xf32, #tpu.memory_space<hbm>>
      tpu.enqueue_dma source(%arg6 : memref<512x128xf32, #tpu.memory_space<vmem>>) target(%dma_start3A_196 : memref<512x128xf32, #tpu.memory_space<hbm>>) target_semaphore(%run_scoped3A : memref<!tpu.dma_semaphore, #tpu.memory_space<semaphore_mem>>)
      %dma_wait3A_197 = arith.constant 0 : i32
      %dma_wait3A_198 = tpu.memref_slice %arg4[%add3A_12, %dma_wait3A_197] : memref<262144x128xf32, #tpu.memory_space<hbm>> -> memref<512x128xf32, #tpu.memory_space<hbm>>
      %dma_wait3A_199 = arith.constant 0 : i32
      %dma_wait3A_200 = tpu.memref_slice %arg4[%add3A_12, %dma_wait3A_199] : memref<262144x128xf32, #tpu.memory_space<hbm>> -> memref<512x128xf32, #tpu.memory_space<hbm>>
      tpu.wait_dma2 semaphore(%run_scoped3A : memref<!tpu.dma_semaphore, #tpu.memory_space<semaphore_mem>>) src(%arg6 : memref<512x128xf32, #tpu.memory_space<vmem>>) dst(%dma_wait3A_200 : memref<512x128xf32, #tpu.memory_space<hbm>>)
      tpu.yield
    }) : () -> ()
    %dma_start3A_13 = arith.constant 512 : i32
    %dma_start3A_14 = tpu.memref_slice %arg5[%dma_start3A_13] : memref<8192xi32, #tpu.memory_space<vmem>> -> memref<512xi32, #tpu.memory_space<vmem>>
    %dma_start3A_15 = arith.constant 0 : i32
    %dma_start3A_16 = arith.constant 0 : i32
    %dma_start3A_17 = tpu.memref_slice %arg2[%dma_start3A_15, %dma_start3A_16] : memref<8192x128xf32, #tpu.memory_space<hbm>> -> memref<8192x128xf32, #tpu.memory_space<hbm>>
    tpu.enqueue_indirect_dma source(%dma_start3A_17 : memref<8192x128xf32, #tpu.memory_space<hbm>>) target(%arg6 : memref<512x128xf32, #tpu.memory_space<vmem>>) offsets(%dma_start3A_14 : memref<512xi32, #tpu.memory_space<vmem>>) semaphore(%arg7 : memref<!tpu.dma_semaphore, #tpu.memory_space<semaphore_mem>>)
    %dma_wait3A_18 = arith.constant 512 : i32
    %dma_wait3A_19 = tpu.memref_slice %arg5[%dma_wait3A_18] : memref<8192xi32, #tpu.memory_space<vmem>> -> memref<512xi32, #tpu.memory_space<vmem>>
    %dma_wait3A_20 = arith.constant 0 : i32
    %dma_wait3A_21 = arith.constant 0 : i32
    %dma_wait3A_22 = tpu.memref_slice %arg2[%dma_wait3A_20, %dma_wait3A_21] : memref<8192x128xf32, #tpu.memory_space<hbm>> -> memref<8192x128xf32, #tpu.memory_space<hbm>>
    tpu.wait_indirect_dma semaphore(%arg7 : memref<!tpu.dma_semaphore, #tpu.memory_space<semaphore_mem>>) src(%dma_wait3A_22 : memref<8192x128xf32, #tpu.memory_space<hbm>>) dst(%arg6 : memref<512x128xf32, #tpu.memory_space<vmem>>)
    %add3A_23 = arith.constant 512 : i32
    %add3A_24 = arith.addi %mul3A_2, %add3A_23 : i32
    "tpu.region"() ({
      %run_scoped3A = tpu.sem_alloc : memref<!tpu.dma_semaphore, #tpu.memory_space<semaphore_mem>>
      %dma_start3A_193 = arith.constant 0 : i32
      %dma_start3A_194 = tpu.memref_slice %arg4[%add3A_24, %dma_start3A_193] : memref<262144x128xf32, #tpu.memory_space<hbm>> -> memref<512x128xf32, #tpu.memory_space<hbm>>
      %dma_start3A_195 = arith.constant 0 : i32
      %dma_start3A_196 = tpu.memref_slice %arg4[%add3A_24, %dma_start3A_195] : memref<262144x128xf32, #tpu.memory_space<hbm>> -> memref<512x128xf32, #tpu.memory_space<hbm>>
      tpu.enqueue_dma source(%arg6 : memref<512x128xf32, #tpu.memory_space<vmem>>) target(%dma_start3A_196 : memref<512x128xf32, #tpu.memory_space<hbm>>) target_semaphore(%run_scoped3A : memref<!tpu.dma_semaphore, #tpu.memory_space<semaphore_mem>>)
      %dma_wait3A_197 = arith.constant 0 : i32
      %dma_wait3A_198 = tpu.memref_slice %arg4[%add3A_24, %dma_wait3A_197] : memref<262144x128xf32, #tpu.memory_space<hbm>> -> memref<512x128xf32, #tpu.memory_space<hbm>>
      %dma_wait3A_199 = arith.constant 0 : i32
      %dma_wait3A_200 = tpu.memref_slice %arg4[%add3A_24, %dma_wait3A_199] : memref<262144x128xf32, #tpu.memory_space<hbm>> -> memref<512x128xf32, #tpu.memory_space<hbm>>
      tpu.wait_dma2 semaphore(%run_scoped3A : memref<!tpu.dma_semaphore, #tpu.memory_space<semaphore_mem>>) src(%arg6 : memref<512x128xf32, #tpu.memory_space<vmem>>) dst(%dma_wait3A_200 : memref<512x128xf32, #tpu.memory_space<hbm>>)
      tpu.yield
    }) : () -> ()
    %dma_start3A_25 = arith.constant 1024 : i32
    %dma_start3A_26 = tpu.memref_slice %arg5[%dma_start3A_25] : memref<8192xi32, #tpu.memory_space<vmem>> -> memref<512xi32, #tpu.memory_space<vmem>>
    %dma_start3A_27 = arith.constant 0 : i32
    %dma_start3A_28 = arith.constant 0 : i32
    %dma_start3A_29 = tpu.memref_slice %arg2[%dma_start3A_27, %dma_start3A_28] : memref<8192x128xf32, #tpu.memory_space<hbm>> -> memref<8192x128xf32, #tpu.memory_space<hbm>>
    tpu.enqueue_indirect_dma source(%dma_start3A_29 : memref<8192x128xf32, #tpu.memory_space<hbm>>) target(%arg6 : memref<512x128xf32, #tpu.memory_space<vmem>>) offsets(%dma_start3A_26 : memref<512xi32, #tpu.memory_space<vmem>>) semaphore(%arg7 : memref<!tpu.dma_semaphore, #tpu.memory_space<semaphore_mem>>)
    %dma_wait3A_30 = arith.constant 1024 : i32
    %dma_wait3A_31 = tpu.memref_slice %arg5[%dma_wait3A_30] : memref<8192xi32, #tpu.memory_space<vmem>> -> memref<512xi32, #tpu.memory_space<vmem>>
    %dma_wait3A_32 = arith.constant 0 : i32
    %dma_wait3A_33 = arith.constant 0 : i32
    %dma_wait3A_34 = tpu.memref_slice %arg2[%dma_wait3A_32, %dma_wait3A_33] : memref<8192x128xf32, #tpu.memory_space<hbm>> -> memref<8192x128xf32, #tpu.memory_space<hbm>>
    tpu.wait_indirect_dma semaphore(%arg7 : memref<!tpu.dma_semaphore, #tpu.memory_space<semaphore_mem>>) src(%dma_wait3A_34 : memref<8192x128xf32, #tpu.memory_space<hbm>>) dst(%arg6 : memref<512x128xf32, #tpu.memory_space<vmem>>)
    %add3A_35 = arith.constant 1024 : i32
    %add3A_36 = arith.addi %mul3A_2, %add3A_35 : i32
    "tpu.region"() ({
      %run_scoped3A = tpu.sem_alloc : memref<!tpu.dma_semaphore, #tpu.memory_space<semaphore_mem>>
      %dma_start3A_193 = arith.constant 0 : i32
      %dma_start3A_194 = tpu.memref_slice %arg4[%add3A_36, %dma_start3A_193] : memref<262144x128xf32, #tpu.memory_space<hbm>> -> memref<512x128xf32, #tpu.memory_space<hbm>>
      %dma_start3A_195 = arith.constant 0 : i32
      %dma_start3A_196 = tpu.memref_slice %arg4[%add3A_36, %dma_start3A_195] : memref<262144x128xf32, #tpu.memory_space<hbm>> -> memref<512x128xf32, #tpu.memory_space<hbm>>
      tpu.enqueue_dma source(%arg6 : memref<512x128xf32, #tpu.memory_space<vmem>>) target(%dma_start3A_196 : memref<512x128xf32, #tpu.memory_space<hbm>>) target_semaphore(%run_scoped3A : memref<!tpu.dma_semaphore, #tpu.memory_space<semaphore_mem>>)
      %dma_wait3A_197 = arith.constant 0 : i32
      %dma_wait3A_198 = tpu.memref_slice %arg4[%add3A_36, %dma_wait3A_197] : memref<262144x128xf32, #tpu.memory_space<hbm>> -> memref<512x128xf32, #tpu.memory_space<hbm>>
      %dma_wait3A_199 = arith.constant 0 : i32
      %dma_wait3A_200 = tpu.memref_slice %arg4[%add3A_36, %dma_wait3A_199] : memref<262144x128xf32, #tpu.memory_space<hbm>> -> memref<512x128xf32, #tpu.memory_space<hbm>>
      tpu.wait_dma2 semaphore(%run_scoped3A : memref<!tpu.dma_semaphore, #tpu.memory_space<semaphore_mem>>) src(%arg6 : memref<512x128xf32, #tpu.memory_space<vmem>>) dst(%dma_wait3A_200 : memref<512x128xf32, #tpu.memory_space<hbm>>)
      tpu.yield
    }) : () -> ()
    %dma_start3A_37 = arith.constant 1536 : i32
    %dma_start3A_38 = tpu.memref_slice %arg5[%dma_start3A_37] : memref<8192xi32, #tpu.memory_space<vmem>> -> memref<512xi32, #tpu.memory_space<vmem>>
    %dma_start3A_39 = arith.constant 0 : i32
    %dma_start3A_40 = arith.constant 0 : i32
    %dma_start3A_41 = tpu.memref_slice %arg2[%dma_start3A_39, %dma_start3A_40] : memref<8192x128xf32, #tpu.memory_space<hbm>> -> memref<8192x128xf32, #tpu.memory_space<hbm>>
    tpu.enqueue_indirect_dma source(%dma_start3A_41 : memref<8192x128xf32, #tpu.memory_space<hbm>>) target(%arg6 : memref<512x128xf32, #tpu.memory_space<vmem>>) offsets(%dma_start3A_38 : memref<512xi32, #tpu.memory_space<vmem>>) semaphore(%arg7 : memref<!tpu.dma_semaphore, #tpu.memory_space<semaphore_mem>>)
    %dma_wait3A_42 = arith.constant 1536 : i32
    %dma_wait3A_43 = tpu.memref_slice %arg5[%dma_wait3A_42] : memref<8192xi32, #tpu.memory_space<vmem>> -> memref<512xi32, #tpu.memory_space<vmem>>
    %dma_wait3A_44 = arith.constant 0 : i32
    %dma_wait3A_45 = arith.constant 0 : i32
    %dma_wait3A_46 = tpu.memref_slice %arg2[%dma_wait3A_44, %dma_wait3A_45] : memref<8192x128xf32, #tpu.memory_space<hbm>> -> memref<8192x128xf32, #tpu.memory_space<hbm>>
    tpu.wait_indirect_dma semaphore(%arg7 : memref<!tpu.dma_semaphore, #tpu.memory_space<semaphore_mem>>) src(%dma_wait3A_46 : memref<8192x128xf32, #tpu.memory_space<hbm>>) dst(%arg6 : memref<512x128xf32, #tpu.memory_space<vmem>>)
    %add3A_47 = arith.constant 1536 : i32
    %add3A_48 = arith.addi %mul3A_2, %add3A_47 : i32
    "tpu.region"() ({
      %run_scoped3A = tpu.sem_alloc : memref<!tpu.dma_semaphore, #tpu.memory_space<semaphore_mem>>
      %dma_start3A_193 = arith.constant 0 : i32
      %dma_start3A_194 = tpu.memref_slice %arg4[%add3A_48, %dma_start3A_193] : memref<262144x128xf32, #tpu.memory_space<hbm>> -> memref<512x128xf32, #tpu.memory_space<hbm>>
      %dma_start3A_195 = arith.constant 0 : i32
      %dma_start3A_196 = tpu.memref_slice %arg4[%add3A_48, %dma_start3A_195] : memref<262144x128xf32, #tpu.memory_space<hbm>> -> memref<512x128xf32, #tpu.memory_space<hbm>>
      tpu.enqueue_dma source(%arg6 : memref<512x128xf32, #tpu.memory_space<vmem>>) target(%dma_start3A_196 : memref<512x128xf32, #tpu.memory_space<hbm>>) target_semaphore(%run_scoped3A : memref<!tpu.dma_semaphore, #tpu.memory_space<semaphore_mem>>)
      %dma_wait3A_197 = arith.constant 0 : i32
      %dma_wait3A_198 = tpu.memref_slice %arg4[%add3A_48, %dma_wait3A_197] : memref<262144x128xf32, #tpu.memory_space<hbm>> -> memref<512x128xf32, #tpu.memory_space<hbm>>
      %dma_wait3A_199 = arith.constant 0 : i32
      %dma_wait3A_200 = tpu.memref_slice %arg4[%add3A_48, %dma_wait3A_199] : memref<262144x128xf32, #tpu.memory_space<hbm>> -> memref<512x128xf32, #tpu.memory_space<hbm>>
      tpu.wait_dma2 semaphore(%run_scoped3A : memref<!tpu.dma_semaphore, #tpu.memory_space<semaphore_mem>>) src(%arg6 : memref<512x128xf32, #tpu.memory_space<vmem>>) dst(%dma_wait3A_200 : memref<512x128xf32, #tpu.memory_space<hbm>>)
      tpu.yield
    }) : () -> ()
    %dma_start3A_49 = arith.constant 2048 : i32
    %dma_start3A_50 = tpu.memref_slice %arg5[%dma_start3A_49] : memref<8192xi32, #tpu.memory_space<vmem>> -> memref<512xi32, #tpu.memory_space<vmem>>
    %dma_start3A_51 = arith.constant 0 : i32
    %dma_start3A_52 = arith.constant 0 : i32
    %dma_start3A_53 = tpu.memref_slice %arg2[%dma_start3A_51, %dma_start3A_52] : memref<8192x128xf32, #tpu.memory_space<hbm>> -> memref<8192x128xf32, #tpu.memory_space<hbm>>
    tpu.enqueue_indirect_dma source(%dma_start3A_53 : memref<8192x128xf32, #tpu.memory_space<hbm>>) target(%arg6 : memref<512x128xf32, #tpu.memory_space<vmem>>) offsets(%dma_start3A_50 : memref<512xi32, #tpu.memory_space<vmem>>) semaphore(%arg7 : memref<!tpu.dma_semaphore, #tpu.memory_space<semaphore_mem>>)
    %dma_wait3A_54 = arith.constant 2048 : i32
    %dma_wait3A_55 = tpu.memref_slice %arg5[%dma_wait3A_54] : memref<8192xi32, #tpu.memory_space<vmem>> -> memref<512xi32, #tpu.memory_space<vmem>>
    %dma_wait3A_56 = arith.constant 0 : i32
    %dma_wait3A_57 = arith.constant 0 : i32
    %dma_wait3A_58 = tpu.memref_slice %arg2[%dma_wait3A_56, %dma_wait3A_57] : memref<8192x128xf32, #tpu.memory_space<hbm>> -> memref<8192x128xf32, #tpu.memory_space<hbm>>
    tpu.wait_indirect_dma semaphore(%arg7 : memref<!tpu.dma_semaphore, #tpu.memory_space<semaphore_mem>>) src(%dma_wait3A_58 : memref<8192x128xf32, #tpu.memory_space<hbm>>) dst(%arg6 : memref<512x128xf32, #tpu.memory_space<vmem>>)
    %add3A_59 = arith.constant 2048 : i32
    %add3A_60 = arith.addi %mul3A_2, %add3A_59 : i32
    "tpu.region"() ({
      %run_scoped3A = tpu.sem_alloc : memref<!tpu.dma_semaphore, #tpu.memory_space<semaphore_mem>>
      %dma_start3A_193 = arith.constant 0 : i32
      %dma_start3A_194 = tpu.memref_slice %arg4[%add3A_60, %dma_start3A_193] : memref<262144x128xf32, #tpu.memory_space<hbm>> -> memref<512x128xf32, #tpu.memory_space<hbm>>
      %dma_start3A_195 = arith.constant 0 : i32
      %dma_start3A_196 = tpu.memref_slice %arg4[%add3A_60, %dma_start3A_195] : memref<262144x128xf32, #tpu.memory_space<hbm>> -> memref<512x128xf32, #tpu.memory_space<hbm>>
      tpu.enqueue_dma source(%arg6 : memref<512x128xf32, #tpu.memory_space<vmem>>) target(%dma_start3A_196 : memref<512x128xf32, #tpu.memory_space<hbm>>) target_semaphore(%run_scoped3A : memref<!tpu.dma_semaphore, #tpu.memory_space<semaphore_mem>>)
      %dma_wait3A_197 = arith.constant 0 : i32
      %dma_wait3A_198 = tpu.memref_slice %arg4[%add3A_60, %dma_wait3A_197] : memref<262144x128xf32, #tpu.memory_space<hbm>> -> memref<512x128xf32, #tpu.memory_space<hbm>>
      %dma_wait3A_199 = arith.constant 0 : i32
      %dma_wait3A_200 = tpu.memref_slice %arg4[%add3A_60, %dma_wait3A_199] : memref<262144x128xf32, #tpu.memory_space<hbm>> -> memref<512x128xf32, #tpu.memory_space<hbm>>
      tpu.wait_dma2 semaphore(%run_scoped3A : memref<!tpu.dma_semaphore, #tpu.memory_space<semaphore_mem>>) src(%arg6 : memref<512x128xf32, #tpu.memory_space<vmem>>) dst(%dma_wait3A_200 : memref<512x128xf32, #tpu.memory_space<hbm>>)
      tpu.yield
    }) : () -> ()
    %dma_start3A_61 = arith.constant 2560 : i32
    %dma_start3A_62 = tpu.memref_slice %arg5[%dma_start3A_61] : memref<8192xi32, #tpu.memory_space<vmem>> -> memref<512xi32, #tpu.memory_space<vmem>>
    %dma_start3A_63 = arith.constant 0 : i32
    %dma_start3A_64 = arith.constant 0 : i32
    %dma_start3A_65 = tpu.memref_slice %arg2[%dma_start3A_63, %dma_start3A_64] : memref<8192x128xf32, #tpu.memory_space<hbm>> -> memref<8192x128xf32, #tpu.memory_space<hbm>>
    tpu.enqueue_indirect_dma source(%dma_start3A_65 : memref<8192x128xf32, #tpu.memory_space<hbm>>) target(%arg6 : memref<512x128xf32, #tpu.memory_space<vmem>>) offsets(%dma_start3A_62 : memref<512xi32, #tpu.memory_space<vmem>>) semaphore(%arg7 : memref<!tpu.dma_semaphore, #tpu.memory_space<semaphore_mem>>)
    %dma_wait3A_66 = arith.constant 2560 : i32
    %dma_wait3A_67 = tpu.memref_slice %arg5[%dma_wait3A_66] : memref<8192xi32, #tpu.memory_space<vmem>> -> memref<512xi32, #tpu.memory_space<vmem>>
    %dma_wait3A_68 = arith.constant 0 : i32
    %dma_wait3A_69 = arith.constant 0 : i32
    %dma_wait3A_70 = tpu.memref_slice %arg2[%dma_wait3A_68, %dma_wait3A_69] : memref<8192x128xf32, #tpu.memory_space<hbm>> -> memref<8192x128xf32, #tpu.memory_space<hbm>>
    tpu.wait_indirect_dma semaphore(%arg7 : memref<!tpu.dma_semaphore, #tpu.memory_space<semaphore_mem>>) src(%dma_wait3A_70 : memref<8192x128xf32, #tpu.memory_space<hbm>>) dst(%arg6 : memref<512x128xf32, #tpu.memory_space<vmem>>)
    %add3A_71 = arith.constant 2560 : i32
    %add3A_72 = arith.addi %mul3A_2, %add3A_71 : i32
    "tpu.region"() ({
      %run_scoped3A = tpu.sem_alloc : memref<!tpu.dma_semaphore, #tpu.memory_space<semaphore_mem>>
      %dma_start3A_193 = arith.constant 0 : i32
      %dma_start3A_194 = tpu.memref_slice %arg4[%add3A_72, %dma_start3A_193] : memref<262144x128xf32, #tpu.memory_space<hbm>> -> memref<512x128xf32, #tpu.memory_space<hbm>>
      %dma_start3A_195 = arith.constant 0 : i32
      %dma_start3A_196 = tpu.memref_slice %arg4[%add3A_72, %dma_start3A_195] : memref<262144x128xf32, #tpu.memory_space<hbm>> -> memref<512x128xf32, #tpu.memory_space<hbm>>
      tpu.enqueue_dma source(%arg6 : memref<512x128xf32, #tpu.memory_space<vmem>>) target(%dma_start3A_196 : memref<512x128xf32, #tpu.memory_space<hbm>>) target_semaphore(%run_scoped3A : memref<!tpu.dma_semaphore, #tpu.memory_space<semaphore_mem>>)
      %dma_wait3A_197 = arith.constant 0 : i32
      %dma_wait3A_198 = tpu.memref_slice %arg4[%add3A_72, %dma_wait3A_197] : memref<262144x128xf32, #tpu.memory_space<hbm>> -> memref<512x128xf32, #tpu.memory_space<hbm>>
      %dma_wait3A_199 = arith.constant 0 : i32
      %dma_wait3A_200 = tpu.memref_slice %arg4[%add3A_72, %dma_wait3A_199] : memref<262144x128xf32, #tpu.memory_space<hbm>> -> memref<512x128xf32, #tpu.memory_space<hbm>>
      tpu.wait_dma2 semaphore(%run_scoped3A : memref<!tpu.dma_semaphore, #tpu.memory_space<semaphore_mem>>) src(%arg6 : memref<512x128xf32, #tpu.memory_space<vmem>>) dst(%dma_wait3A_200 : memref<512x128xf32, #tpu.memory_space<hbm>>)
      tpu.yield
    }) : () -> ()
    %dma_start3A_73 = arith.constant 3072 : i32
    %dma_start3A_74 = tpu.memref_slice %arg5[%dma_start3A_73] : memref<8192xi32, #tpu.memory_space<vmem>> -> memref<512xi32, #tpu.memory_space<vmem>>
    %dma_start3A_75 = arith.constant 0 : i32
    %dma_start3A_76 = arith.constant 0 : i32
    %dma_start3A_77 = tpu.memref_slice %arg2[%dma_start3A_75, %dma_start3A_76] : memref<8192x128xf32, #tpu.memory_space<hbm>> -> memref<8192x128xf32, #tpu.memory_space<hbm>>
    tpu.enqueue_indirect_dma source(%dma_start3A_77 : memref<8192x128xf32, #tpu.memory_space<hbm>>) target(%arg6 : memref<512x128xf32, #tpu.memory_space<vmem>>) offsets(%dma_start3A_74 : memref<512xi32, #tpu.memory_space<vmem>>) semaphore(%arg7 : memref<!tpu.dma_semaphore, #tpu.memory_space<semaphore_mem>>)
    %dma_wait3A_78 = arith.constant 3072 : i32
    %dma_wait3A_79 = tpu.memref_slice %arg5[%dma_wait3A_78] : memref<8192xi32, #tpu.memory_space<vmem>> -> memref<512xi32, #tpu.memory_space<vmem>>
    %dma_wait3A_80 = arith.constant 0 : i32
    %dma_wait3A_81 = arith.constant 0 : i32
    %dma_wait3A_82 = tpu.memref_slice %arg2[%dma_wait3A_80, %dma_wait3A_81] : memref<8192x128xf32, #tpu.memory_space<hbm>> -> memref<8192x128xf32, #tpu.memory_space<hbm>>
    tpu.wait_indirect_dma semaphore(%arg7 : memref<!tpu.dma_semaphore, #tpu.memory_space<semaphore_mem>>) src(%dma_wait3A_82 : memref<8192x128xf32, #tpu.memory_space<hbm>>) dst(%arg6 : memref<512x128xf32, #tpu.memory_space<vmem>>)
    %add3A_83 = arith.constant 3072 : i32
    %add3A_84 = arith.addi %mul3A_2, %add3A_83 : i32
    "tpu.region"() ({
      %run_scoped3A = tpu.sem_alloc : memref<!tpu.dma_semaphore, #tpu.memory_space<semaphore_mem>>
      %dma_start3A_193 = arith.constant 0 : i32
      %dma_start3A_194 = tpu.memref_slice %arg4[%add3A_84, %dma_start3A_193] : memref<262144x128xf32, #tpu.memory_space<hbm>> -> memref<512x128xf32, #tpu.memory_space<hbm>>
      %dma_start3A_195 = arith.constant 0 : i32
      %dma_start3A_196 = tpu.memref_slice %arg4[%add3A_84, %dma_start3A_195] : memref<262144x128xf32, #tpu.memory_space<hbm>> -> memref<512x128xf32, #tpu.memory_space<hbm>>
      tpu.enqueue_dma source(%arg6 : memref<512x128xf32, #tpu.memory_space<vmem>>) target(%dma_start3A_196 : memref<512x128xf32, #tpu.memory_space<hbm>>) target_semaphore(%run_scoped3A : memref<!tpu.dma_semaphore, #tpu.memory_space<semaphore_mem>>)
      %dma_wait3A_197 = arith.constant 0 : i32
      %dma_wait3A_198 = tpu.memref_slice %arg4[%add3A_84, %dma_wait3A_197] : memref<262144x128xf32, #tpu.memory_space<hbm>> -> memref<512x128xf32, #tpu.memory_space<hbm>>
      %dma_wait3A_199 = arith.constant 0 : i32
      %dma_wait3A_200 = tpu.memref_slice %arg4[%add3A_84, %dma_wait3A_199] : memref<262144x128xf32, #tpu.memory_space<hbm>> -> memref<512x128xf32, #tpu.memory_space<hbm>>
      tpu.wait_dma2 semaphore(%run_scoped3A : memref<!tpu.dma_semaphore, #tpu.memory_space<semaphore_mem>>) src(%arg6 : memref<512x128xf32, #tpu.memory_space<vmem>>) dst(%dma_wait3A_200 : memref<512x128xf32, #tpu.memory_space<hbm>>)
      tpu.yield
    }) : () -> ()
    %dma_start3A_85 = arith.constant 3584 : i32
    %dma_start3A_86 = tpu.memref_slice %arg5[%dma_start3A_85] : memref<8192xi32, #tpu.memory_space<vmem>> -> memref<512xi32, #tpu.memory_space<vmem>>
    %dma_start3A_87 = arith.constant 0 : i32
    %dma_start3A_88 = arith.constant 0 : i32
    %dma_start3A_89 = tpu.memref_slice %arg2[%dma_start3A_87, %dma_start3A_88] : memref<8192x128xf32, #tpu.memory_space<hbm>> -> memref<8192x128xf32, #tpu.memory_space<hbm>>
    tpu.enqueue_indirect_dma source(%dma_start3A_89 : memref<8192x128xf32, #tpu.memory_space<hbm>>) target(%arg6 : memref<512x128xf32, #tpu.memory_space<vmem>>) offsets(%dma_start3A_86 : memref<512xi32, #tpu.memory_space<vmem>>) semaphore(%arg7 : memref<!tpu.dma_semaphore, #tpu.memory_space<semaphore_mem>>)
    %dma_wait3A_90 = arith.constant 3584 : i32
    %dma_wait3A_91 = tpu.memref_slice %arg5[%dma_wait3A_90] : memref<8192xi32, #tpu.memory_space<vmem>> -> memref<512xi32, #tpu.memory_space<vmem>>
    %dma_wait3A_92 = arith.constant 0 : i32
    %dma_wait3A_93 = arith.constant 0 : i32
    %dma_wait3A_94 = tpu.memref_slice %arg2[%dma_wait3A_92, %dma_wait3A_93] : memref<8192x128xf32, #tpu.memory_space<hbm>> -> memref<8192x128xf32, #tpu.memory_space<hbm>>
    tpu.wait_indirect_dma semaphore(%arg7 : memref<!tpu.dma_semaphore, #tpu.memory_space<semaphore_mem>>) src(%dma_wait3A_94 : memref<8192x128xf32, #tpu.memory_space<hbm>>) dst(%arg6 : memref<512x128xf32, #tpu.memory_space<vmem>>)
    %add3A_95 = arith.constant 3584 : i32
    %add3A_96 = arith.addi %mul3A_2, %add3A_95 : i32
    "tpu.region"() ({
      %run_scoped3A = tpu.sem_alloc : memref<!tpu.dma_semaphore, #tpu.memory_space<semaphore_mem>>
      %dma_start3A_193 = arith.constant 0 : i32
      %dma_start3A_194 = tpu.memref_slice %arg4[%add3A_96, %dma_start3A_193] : memref<262144x128xf32, #tpu.memory_space<hbm>> -> memref<512x128xf32, #tpu.memory_space<hbm>>
      %dma_start3A_195 = arith.constant 0 : i32
      %dma_start3A_196 = tpu.memref_slice %arg4[%add3A_96, %dma_start3A_195] : memref<262144x128xf32, #tpu.memory_space<hbm>> -> memref<512x128xf32, #tpu.memory_space<hbm>>
      tpu.enqueue_dma source(%arg6 : memref<512x128xf32, #tpu.memory_space<vmem>>) target(%dma_start3A_196 : memref<512x128xf32, #tpu.memory_space<hbm>>) target_semaphore(%run_scoped3A : memref<!tpu.dma_semaphore, #tpu.memory_space<semaphore_mem>>)
      %dma_wait3A_197 = arith.constant 0 : i32
      %dma_wait3A_198 = tpu.memref_slice %arg4[%add3A_96, %dma_wait3A_197] : memref<262144x128xf32, #tpu.memory_space<hbm>> -> memref<512x128xf32, #tpu.memory_space<hbm>>
      %dma_wait3A_199 = arith.constant 0 : i32
      %dma_wait3A_200 = tpu.memref_slice %arg4[%add3A_96, %dma_wait3A_199] : memref<262144x128xf32, #tpu.memory_space<hbm>> -> memref<512x128xf32, #tpu.memory_space<hbm>>
      tpu.wait_dma2 semaphore(%run_scoped3A : memref<!tpu.dma_semaphore, #tpu.memory_space<semaphore_mem>>) src(%arg6 : memref<512x128xf32, #tpu.memory_space<vmem>>) dst(%dma_wait3A_200 : memref<512x128xf32, #tpu.memory_space<hbm>>)
      tpu.yield
    }) : () -> ()
    %dma_start3A_97 = arith.constant 4096 : i32
    %dma_start3A_98 = tpu.memref_slice %arg5[%dma_start3A_97] : memref<8192xi32, #tpu.memory_space<vmem>> -> memref<512xi32, #tpu.memory_space<vmem>>
    %dma_start3A_99 = arith.constant 0 : i32
    %dma_start3A_100 = arith.constant 0 : i32
    %dma_start3A_101 = tpu.memref_slice %arg2[%dma_start3A_99, %dma_start3A_100] : memref<8192x128xf32, #tpu.memory_space<hbm>> -> memref<8192x128xf32, #tpu.memory_space<hbm>>
    tpu.enqueue_indirect_dma source(%dma_start3A_101 : memref<8192x128xf32, #tpu.memory_space<hbm>>) target(%arg6 : memref<512x128xf32, #tpu.memory_space<vmem>>) offsets(%dma_start3A_98 : memref<512xi32, #tpu.memory_space<vmem>>) semaphore(%arg7 : memref<!tpu.dma_semaphore, #tpu.memory_space<semaphore_mem>>)
    %dma_wait3A_102 = arith.constant 4096 : i32
    %dma_wait3A_103 = tpu.memref_slice %arg5[%dma_wait3A_102] : memref<8192xi32, #tpu.memory_space<vmem>> -> memref<512xi32, #tpu.memory_space<vmem>>
    %dma_wait3A_104 = arith.constant 0 : i32
    %dma_wait3A_105 = arith.constant 0 : i32
    %dma_wait3A_106 = tpu.memref_slice %arg2[%dma_wait3A_104, %dma_wait3A_105] : memref<8192x128xf32, #tpu.memory_space<hbm>> -> memref<8192x128xf32, #tpu.memory_space<hbm>>
    tpu.wait_indirect_dma semaphore(%arg7 : memref<!tpu.dma_semaphore, #tpu.memory_space<semaphore_mem>>) src(%dma_wait3A_106 : memref<8192x128xf32, #tpu.memory_space<hbm>>) dst(%arg6 : memref<512x128xf32, #tpu.memory_space<vmem>>)
    %add3A_107 = arith.constant 4096 : i32
    %add3A_108 = arith.addi %mul3A_2, %add3A_107 : i32
    "tpu.region"() ({
      %run_scoped3A = tpu.sem_alloc : memref<!tpu.dma_semaphore, #tpu.memory_space<semaphore_mem>>
      %dma_start3A_193 = arith.constant 0 : i32
      %dma_start3A_194 = tpu.memref_slice %arg4[%add3A_108, %dma_start3A_193] : memref<262144x128xf32, #tpu.memory_space<hbm>> -> memref<512x128xf32, #tpu.memory_space<hbm>>
      %dma_start3A_195 = arith.constant 0 : i32
      %dma_start3A_196 = tpu.memref_slice %arg4[%add3A_108, %dma_start3A_195] : memref<262144x128xf32, #tpu.memory_space<hbm>> -> memref<512x128xf32, #tpu.memory_space<hbm>>
      tpu.enqueue_dma source(%arg6 : memref<512x128xf32, #tpu.memory_space<vmem>>) target(%dma_start3A_196 : memref<512x128xf32, #tpu.memory_space<hbm>>) target_semaphore(%run_scoped3A : memref<!tpu.dma_semaphore, #tpu.memory_space<semaphore_mem>>)
      %dma_wait3A_197 = arith.constant 0 : i32
      %dma_wait3A_198 = tpu.memref_slice %arg4[%add3A_108, %dma_wait3A_197] : memref<262144x128xf32, #tpu.memory_space<hbm>> -> memref<512x128xf32, #tpu.memory_space<hbm>>
      %dma_wait3A_199 = arith.constant 0 : i32
      %dma_wait3A_200 = tpu.memref_slice %arg4[%add3A_108, %dma_wait3A_199] : memref<262144x128xf32, #tpu.memory_space<hbm>> -> memref<512x128xf32, #tpu.memory_space<hbm>>
      tpu.wait_dma2 semaphore(%run_scoped3A : memref<!tpu.dma_semaphore, #tpu.memory_space<semaphore_mem>>) src(%arg6 : memref<512x128xf32, #tpu.memory_space<vmem>>) dst(%dma_wait3A_200 : memref<512x128xf32, #tpu.memory_space<hbm>>)
      tpu.yield
    }) : () -> ()
    %dma_start3A_109 = arith.constant 4608 : i32
    %dma_start3A_110 = tpu.memref_slice %arg5[%dma_start3A_109] : memref<8192xi32, #tpu.memory_space<vmem>> -> memref<512xi32, #tpu.memory_space<vmem>>
    %dma_start3A_111 = arith.constant 0 : i32
    %dma_start3A_112 = arith.constant 0 : i32
    %dma_start3A_113 = tpu.memref_slice %arg2[%dma_start3A_111, %dma_start3A_112] : memref<8192x128xf32, #tpu.memory_space<hbm>> -> memref<8192x128xf32, #tpu.memory_space<hbm>>
    tpu.enqueue_indirect_dma source(%dma_start3A_113 : memref<8192x128xf32, #tpu.memory_space<hbm>>) target(%arg6 : memref<512x128xf32, #tpu.memory_space<vmem>>) offsets(%dma_start3A_110 : memref<512xi32, #tpu.memory_space<vmem>>) semaphore(%arg7 : memref<!tpu.dma_semaphore, #tpu.memory_space<semaphore_mem>>)
    %dma_wait3A_114 = arith.constant 4608 : i32
    %dma_wait3A_115 = tpu.memref_slice %arg5[%dma_wait3A_114] : memref<8192xi32, #tpu.memory_space<vmem>> -> memref<512xi32, #tpu.memory_space<vmem>>
    %dma_wait3A_116 = arith.constant 0 : i32
    %dma_wait3A_117 = arith.constant 0 : i32
    %dma_wait3A_118 = tpu.memref_slice %arg2[%dma_wait3A_116, %dma_wait3A_117] : memref<8192x128xf32, #tpu.memory_space<hbm>> -> memref<8192x128xf32, #tpu.memory_space<hbm>>
    tpu.wait_indirect_dma semaphore(%arg7 : memref<!tpu.dma_semaphore, #tpu.memory_space<semaphore_mem>>) src(%dma_wait3A_118 : memref<8192x128xf32, #tpu.memory_space<hbm>>) dst(%arg6 : memref<512x128xf32, #tpu.memory_space<vmem>>)
    %add3A_119 = arith.constant 4608 : i32
    %add3A_120 = arith.addi %mul3A_2, %add3A_119 : i32
    "tpu.region"() ({
      %run_scoped3A = tpu.sem_alloc : memref<!tpu.dma_semaphore, #tpu.memory_space<semaphore_mem>>
      %dma_start3A_193 = arith.constant 0 : i32
      %dma_start3A_194 = tpu.memref_slice %arg4[%add3A_120, %dma_start3A_193] : memref<262144x128xf32, #tpu.memory_space<hbm>> -> memref<512x128xf32, #tpu.memory_space<hbm>>
      %dma_start3A_195 = arith.constant 0 : i32
      %dma_start3A_196 = tpu.memref_slice %arg4[%add3A_120, %dma_start3A_195] : memref<262144x128xf32, #tpu.memory_space<hbm>> -> memref<512x128xf32, #tpu.memory_space<hbm>>
      tpu.enqueue_dma source(%arg6 : memref<512x128xf32, #tpu.memory_space<vmem>>) target(%dma_start3A_196 : memref<512x128xf32, #tpu.memory_space<hbm>>) target_semaphore(%run_scoped3A : memref<!tpu.dma_semaphore, #tpu.memory_space<semaphore_mem>>)
      %dma_wait3A_197 = arith.constant 0 : i32
      %dma_wait3A_198 = tpu.memref_slice %arg4[%add3A_120, %dma_wait3A_197] : memref<262144x128xf32, #tpu.memory_space<hbm>> -> memref<512x128xf32, #tpu.memory_space<hbm>>
      %dma_wait3A_199 = arith.constant 0 : i32
      %dma_wait3A_200 = tpu.memref_slice %arg4[%add3A_120, %dma_wait3A_199] : memref<262144x128xf32, #tpu.memory_space<hbm>> -> memref<512x128xf32, #tpu.memory_space<hbm>>
      tpu.wait_dma2 semaphore(%run_scoped3A : memref<!tpu.dma_semaphore, #tpu.memory_space<semaphore_mem>>) src(%arg6 : memref<512x128xf32, #tpu.memory_space<vmem>>) dst(%dma_wait3A_200 : memref<512x128xf32, #tpu.memory_space<hbm>>)
      tpu.yield
    }) : () -> ()
    %dma_start3A_121 = arith.constant 5120 : i32
    %dma_start3A_122 = tpu.memref_slice %arg5[%dma_start3A_121] : memref<8192xi32, #tpu.memory_space<vmem>> -> memref<512xi32, #tpu.memory_space<vmem>>
    %dma_start3A_123 = arith.constant 0 : i32
    %dma_start3A_124 = arith.constant 0 : i32
    %dma_start3A_125 = tpu.memref_slice %arg2[%dma_start3A_123, %dma_start3A_124] : memref<8192x128xf32, #tpu.memory_space<hbm>> -> memref<8192x128xf32, #tpu.memory_space<hbm>>
    tpu.enqueue_indirect_dma source(%dma_start3A_125 : memref<8192x128xf32, #tpu.memory_space<hbm>>) target(%arg6 : memref<512x128xf32, #tpu.memory_space<vmem>>) offsets(%dma_start3A_122 : memref<512xi32, #tpu.memory_space<vmem>>) semaphore(%arg7 : memref<!tpu.dma_semaphore, #tpu.memory_space<semaphore_mem>>)
    %dma_wait3A_126 = arith.constant 5120 : i32
    %dma_wait3A_127 = tpu.memref_slice %arg5[%dma_wait3A_126] : memref<8192xi32, #tpu.memory_space<vmem>> -> memref<512xi32, #tpu.memory_space<vmem>>
    %dma_wait3A_128 = arith.constant 0 : i32
    %dma_wait3A_129 = arith.constant 0 : i32
    %dma_wait3A_130 = tpu.memref_slice %arg2[%dma_wait3A_128, %dma_wait3A_129] : memref<8192x128xf32, #tpu.memory_space<hbm>> -> memref<8192x128xf32, #tpu.memory_space<hbm>>
    tpu.wait_indirect_dma semaphore(%arg7 : memref<!tpu.dma_semaphore, #tpu.memory_space<semaphore_mem>>) src(%dma_wait3A_130 : memref<8192x128xf32, #tpu.memory_space<hbm>>) dst(%arg6 : memref<512x128xf32, #tpu.memory_space<vmem>>)
    %add3A_131 = arith.constant 5120 : i32
    %add3A_132 = arith.addi %mul3A_2, %add3A_131 : i32
    "tpu.region"() ({
      %run_scoped3A = tpu.sem_alloc : memref<!tpu.dma_semaphore, #tpu.memory_space<semaphore_mem>>
      %dma_start3A_193 = arith.constant 0 : i32
      %dma_start3A_194 = tpu.memref_slice %arg4[%add3A_132, %dma_start3A_193] : memref<262144x128xf32, #tpu.memory_space<hbm>> -> memref<512x128xf32, #tpu.memory_space<hbm>>
      %dma_start3A_195 = arith.constant 0 : i32
      %dma_start3A_196 = tpu.memref_slice %arg4[%add3A_132, %dma_start3A_195] : memref<262144x128xf32, #tpu.memory_space<hbm>> -> memref<512x128xf32, #tpu.memory_space<hbm>>
      tpu.enqueue_dma source(%arg6 : memref<512x128xf32, #tpu.memory_space<vmem>>) target(%dma_start3A_196 : memref<512x128xf32, #tpu.memory_space<hbm>>) target_semaphore(%run_scoped3A : memref<!tpu.dma_semaphore, #tpu.memory_space<semaphore_mem>>)
      %dma_wait3A_197 = arith.constant 0 : i32
      %dma_wait3A_198 = tpu.memref_slice %arg4[%add3A_132, %dma_wait3A_197] : memref<262144x128xf32, #tpu.memory_space<hbm>> -> memref<512x128xf32, #tpu.memory_space<hbm>>
      %dma_wait3A_199 = arith.constant 0 : i32
      %dma_wait3A_200 = tpu.memref_slice %arg4[%add3A_132, %dma_wait3A_199] : memref<262144x128xf32, #tpu.memory_space<hbm>> -> memref<512x128xf32, #tpu.memory_space<hbm>>
      tpu.wait_dma2 semaphore(%run_scoped3A : memref<!tpu.dma_semaphore, #tpu.memory_space<semaphore_mem>>) src(%arg6 : memref<512x128xf32, #tpu.memory_space<vmem>>) dst(%dma_wait3A_200 : memref<512x128xf32, #tpu.memory_space<hbm>>)
      tpu.yield
    }) : () -> ()
    %dma_start3A_133 = arith.constant 5632 : i32
    %dma_start3A_134 = tpu.memref_slice %arg5[%dma_start3A_133] : memref<8192xi32, #tpu.memory_space<vmem>> -> memref<512xi32, #tpu.memory_space<vmem>>
    %dma_start3A_135 = arith.constant 0 : i32
    %dma_start3A_136 = arith.constant 0 : i32
    %dma_start3A_137 = tpu.memref_slice %arg2[%dma_start3A_135, %dma_start3A_136] : memref<8192x128xf32, #tpu.memory_space<hbm>> -> memref<8192x128xf32, #tpu.memory_space<hbm>>
    tpu.enqueue_indirect_dma source(%dma_start3A_137 : memref<8192x128xf32, #tpu.memory_space<hbm>>) target(%arg6 : memref<512x128xf32, #tpu.memory_space<vmem>>) offsets(%dma_start3A_134 : memref<512xi32, #tpu.memory_space<vmem>>) semaphore(%arg7 : memref<!tpu.dma_semaphore, #tpu.memory_space<semaphore_mem>>)
    %dma_wait3A_138 = arith.constant 5632 : i32
    %dma_wait3A_139 = tpu.memref_slice %arg5[%dma_wait3A_138] : memref<8192xi32, #tpu.memory_space<vmem>> -> memref<512xi32, #tpu.memory_space<vmem>>
    %dma_wait3A_140 = arith.constant 0 : i32
    %dma_wait3A_141 = arith.constant 0 : i32
    %dma_wait3A_142 = tpu.memref_slice %arg2[%dma_wait3A_140, %dma_wait3A_141] : memref<8192x128xf32, #tpu.memory_space<hbm>> -> memref<8192x128xf32, #tpu.memory_space<hbm>>
    tpu.wait_indirect_dma semaphore(%arg7 : memref<!tpu.dma_semaphore, #tpu.memory_space<semaphore_mem>>) src(%dma_wait3A_142 : memref<8192x128xf32, #tpu.memory_space<hbm>>) dst(%arg6 : memref<512x128xf32, #tpu.memory_space<vmem>>)
    %add3A_143 = arith.constant 5632 : i32
    %add3A_144 = arith.addi %mul3A_2, %add3A_143 : i32
    "tpu.region"() ({
      %run_scoped3A = tpu.sem_alloc : memref<!tpu.dma_semaphore, #tpu.memory_space<semaphore_mem>>
      %dma_start3A_193 = arith.constant 0 : i32
      %dma_start3A_194 = tpu.memref_slice %arg4[%add3A_144, %dma_start3A_193] : memref<262144x128xf32, #tpu.memory_space<hbm>> -> memref<512x128xf32, #tpu.memory_space<hbm>>
      %dma_start3A_195 = arith.constant 0 : i32
      %dma_start3A_196 = tpu.memref_slice %arg4[%add3A_144, %dma_start3A_195] : memref<262144x128xf32, #tpu.memory_space<hbm>> -> memref<512x128xf32, #tpu.memory_space<hbm>>
      tpu.enqueue_dma source(%arg6 : memref<512x128xf32, #tpu.memory_space<vmem>>) target(%dma_start3A_196 : memref<512x128xf32, #tpu.memory_space<hbm>>) target_semaphore(%run_scoped3A : memref<!tpu.dma_semaphore, #tpu.memory_space<semaphore_mem>>)
      %dma_wait3A_197 = arith.constant 0 : i32
      %dma_wait3A_198 = tpu.memref_slice %arg4[%add3A_144, %dma_wait3A_197] : memref<262144x128xf32, #tpu.memory_space<hbm>> -> memref<512x128xf32, #tpu.memory_space<hbm>>
      %dma_wait3A_199 = arith.constant 0 : i32
      %dma_wait3A_200 = tpu.memref_slice %arg4[%add3A_144, %dma_wait3A_199] : memref<262144x128xf32, #tpu.memory_space<hbm>> -> memref<512x128xf32, #tpu.memory_space<hbm>>
      tpu.wait_dma2 semaphore(%run_scoped3A : memref<!tpu.dma_semaphore, #tpu.memory_space<semaphore_mem>>) src(%arg6 : memref<512x128xf32, #tpu.memory_space<vmem>>) dst(%dma_wait3A_200 : memref<512x128xf32, #tpu.memory_space<hbm>>)
      tpu.yield
    }) : () -> ()
    %dma_start3A_145 = arith.constant 6144 : i32
    %dma_start3A_146 = tpu.memref_slice %arg5[%dma_start3A_145] : memref<8192xi32, #tpu.memory_space<vmem>> -> memref<512xi32, #tpu.memory_space<vmem>>
    %dma_start3A_147 = arith.constant 0 : i32
    %dma_start3A_148 = arith.constant 0 : i32
    %dma_start3A_149 = tpu.memref_slice %arg2[%dma_start3A_147, %dma_start3A_148] : memref<8192x128xf32, #tpu.memory_space<hbm>> -> memref<8192x128xf32, #tpu.memory_space<hbm>>
    tpu.enqueue_indirect_dma source(%dma_start3A_149 : memref<8192x128xf32, #tpu.memory_space<hbm>>) target(%arg6 : memref<512x128xf32, #tpu.memory_space<vmem>>) offsets(%dma_start3A_146 : memref<512xi32, #tpu.memory_space<vmem>>) semaphore(%arg7 : memref<!tpu.dma_semaphore, #tpu.memory_space<semaphore_mem>>)
    %dma_wait3A_150 = arith.constant 6144 : i32
    %dma_wait3A_151 = tpu.memref_slice %arg5[%dma_wait3A_150] : memref<8192xi32, #tpu.memory_space<vmem>> -> memref<512xi32, #tpu.memory_space<vmem>>
    %dma_wait3A_152 = arith.constant 0 : i32
    %dma_wait3A_153 = arith.constant 0 : i32
    %dma_wait3A_154 = tpu.memref_slice %arg2[%dma_wait3A_152, %dma_wait3A_153] : memref<8192x128xf32, #tpu.memory_space<hbm>> -> memref<8192x128xf32, #tpu.memory_space<hbm>>
    tpu.wait_indirect_dma semaphore(%arg7 : memref<!tpu.dma_semaphore, #tpu.memory_space<semaphore_mem>>) src(%dma_wait3A_154 : memref<8192x128xf32, #tpu.memory_space<hbm>>) dst(%arg6 : memref<512x128xf32, #tpu.memory_space<vmem>>)
    %add3A_155 = arith.constant 6144 : i32
    %add3A_156 = arith.addi %mul3A_2, %add3A_155 : i32
    "tpu.region"() ({
      %run_scoped3A = tpu.sem_alloc : memref<!tpu.dma_semaphore, #tpu.memory_space<semaphore_mem>>
      %dma_start3A_193 = arith.constant 0 : i32
      %dma_start3A_194 = tpu.memref_slice %arg4[%add3A_156, %dma_start3A_193] : memref<262144x128xf32, #tpu.memory_space<hbm>> -> memref<512x128xf32, #tpu.memory_space<hbm>>
      %dma_start3A_195 = arith.constant 0 : i32
      %dma_start3A_196 = tpu.memref_slice %arg4[%add3A_156, %dma_start3A_195] : memref<262144x128xf32, #tpu.memory_space<hbm>> -> memref<512x128xf32, #tpu.memory_space<hbm>>
      tpu.enqueue_dma source(%arg6 : memref<512x128xf32, #tpu.memory_space<vmem>>) target(%dma_start3A_196 : memref<512x128xf32, #tpu.memory_space<hbm>>) target_semaphore(%run_scoped3A : memref<!tpu.dma_semaphore, #tpu.memory_space<semaphore_mem>>)
      %dma_wait3A_197 = arith.constant 0 : i32
      %dma_wait3A_198 = tpu.memref_slice %arg4[%add3A_156, %dma_wait3A_197] : memref<262144x128xf32, #tpu.memory_space<hbm>> -> memref<512x128xf32, #tpu.memory_space<hbm>>
      %dma_wait3A_199 = arith.constant 0 : i32
      %dma_wait3A_200 = tpu.memref_slice %arg4[%add3A_156, %dma_wait3A_199] : memref<262144x128xf32, #tpu.memory_space<hbm>> -> memref<512x128xf32, #tpu.memory_space<hbm>>
      tpu.wait_dma2 semaphore(%run_scoped3A : memref<!tpu.dma_semaphore, #tpu.memory_space<semaphore_mem>>) src(%arg6 : memref<512x128xf32, #tpu.memory_space<vmem>>) dst(%dma_wait3A_200 : memref<512x128xf32, #tpu.memory_space<hbm>>)
      tpu.yield
    }) : () -> ()
    %dma_start3A_157 = arith.constant 6656 : i32
    %dma_start3A_158 = tpu.memref_slice %arg5[%dma_start3A_157] : memref<8192xi32, #tpu.memory_space<vmem>> -> memref<512xi32, #tpu.memory_space<vmem>>
    %dma_start3A_159 = arith.constant 0 : i32
    %dma_start3A_160 = arith.constant 0 : i32
    %dma_start3A_161 = tpu.memref_slice %arg2[%dma_start3A_159, %dma_start3A_160] : memref<8192x128xf32, #tpu.memory_space<hbm>> -> memref<8192x128xf32, #tpu.memory_space<hbm>>
    tpu.enqueue_indirect_dma source(%dma_start3A_161 : memref<8192x128xf32, #tpu.memory_space<hbm>>) target(%arg6 : memref<512x128xf32, #tpu.memory_space<vmem>>) offsets(%dma_start3A_158 : memref<512xi32, #tpu.memory_space<vmem>>) semaphore(%arg7 : memref<!tpu.dma_semaphore, #tpu.memory_space<semaphore_mem>>)
    %dma_wait3A_162 = arith.constant 6656 : i32
    %dma_wait3A_163 = tpu.memref_slice %arg5[%dma_wait3A_162] : memref<8192xi32, #tpu.memory_space<vmem>> -> memref<512xi32, #tpu.memory_space<vmem>>
    %dma_wait3A_164 = arith.constant 0 : i32
    %dma_wait3A_165 = arith.constant 0 : i32
    %dma_wait3A_166 = tpu.memref_slice %arg2[%dma_wait3A_164, %dma_wait3A_165] : memref<8192x128xf32, #tpu.memory_space<hbm>> -> memref<8192x128xf32, #tpu.memory_space<hbm>>
    tpu.wait_indirect_dma semaphore(%arg7 : memref<!tpu.dma_semaphore, #tpu.memory_space<semaphore_mem>>) src(%dma_wait3A_166 : memref<8192x128xf32, #tpu.memory_space<hbm>>) dst(%arg6 : memref<512x128xf32, #tpu.memory_space<vmem>>)
    %add3A_167 = arith.constant 6656 : i32
    %add3A_168 = arith.addi %mul3A_2, %add3A_167 : i32
    "tpu.region"() ({
      %run_scoped3A = tpu.sem_alloc : memref<!tpu.dma_semaphore, #tpu.memory_space<semaphore_mem>>
      %dma_start3A_193 = arith.constant 0 : i32
      %dma_start3A_194 = tpu.memref_slice %arg4[%add3A_168, %dma_start3A_193] : memref<262144x128xf32, #tpu.memory_space<hbm>> -> memref<512x128xf32, #tpu.memory_space<hbm>>
      %dma_start3A_195 = arith.constant 0 : i32
      %dma_start3A_196 = tpu.memref_slice %arg4[%add3A_168, %dma_start3A_195] : memref<262144x128xf32, #tpu.memory_space<hbm>> -> memref<512x128xf32, #tpu.memory_space<hbm>>
      tpu.enqueue_dma source(%arg6 : memref<512x128xf32, #tpu.memory_space<vmem>>) target(%dma_start3A_196 : memref<512x128xf32, #tpu.memory_space<hbm>>) target_semaphore(%run_scoped3A : memref<!tpu.dma_semaphore, #tpu.memory_space<semaphore_mem>>)
      %dma_wait3A_197 = arith.constant 0 : i32
      %dma_wait3A_198 = tpu.memref_slice %arg4[%add3A_168, %dma_wait3A_197] : memref<262144x128xf32, #tpu.memory_space<hbm>> -> memref<512x128xf32, #tpu.memory_space<hbm>>
      %dma_wait3A_199 = arith.constant 0 : i32
      %dma_wait3A_200 = tpu.memref_slice %arg4[%add3A_168, %dma_wait3A_199] : memref<262144x128xf32, #tpu.memory_space<hbm>> -> memref<512x128xf32, #tpu.memory_space<hbm>>
      tpu.wait_dma2 semaphore(%run_scoped3A : memref<!tpu.dma_semaphore, #tpu.memory_space<semaphore_mem>>) src(%arg6 : memref<512x128xf32, #tpu.memory_space<vmem>>) dst(%dma_wait3A_200 : memref<512x128xf32, #tpu.memory_space<hbm>>)
      tpu.yield
    }) : () -> ()
    %dma_start3A_169 = arith.constant 7168 : i32
    %dma_start3A_170 = tpu.memref_slice %arg5[%dma_start3A_169] : memref<8192xi32, #tpu.memory_space<vmem>> -> memref<512xi32, #tpu.memory_space<vmem>>
    %dma_start3A_171 = arith.constant 0 : i32
    %dma_start3A_172 = arith.constant 0 : i32
    %dma_start3A_173 = tpu.memref_slice %arg2[%dma_start3A_171, %dma_start3A_172] : memref<8192x128xf32, #tpu.memory_space<hbm>> -> memref<8192x128xf32, #tpu.memory_space<hbm>>
    tpu.enqueue_indirect_dma source(%dma_start3A_173 : memref<8192x128xf32, #tpu.memory_space<hbm>>) target(%arg6 : memref<512x128xf32, #tpu.memory_space<vmem>>) offsets(%dma_start3A_170 : memref<512xi32, #tpu.memory_space<vmem>>) semaphore(%arg7 : memref<!tpu.dma_semaphore, #tpu.memory_space<semaphore_mem>>)
    %dma_wait3A_174 = arith.constant 7168 : i32
    %dma_wait3A_175 = tpu.memref_slice %arg5[%dma_wait3A_174] : memref<8192xi32, #tpu.memory_space<vmem>> -> memref<512xi32, #tpu.memory_space<vmem>>
    %dma_wait3A_176 = arith.constant 0 : i32
    %dma_wait3A_177 = arith.constant 0 : i32
    %dma_wait3A_178 = tpu.memref_slice %arg2[%dma_wait3A_176, %dma_wait3A_177] : memref<8192x128xf32, #tpu.memory_space<hbm>> -> memref<8192x128xf32, #tpu.memory_space<hbm>>
    tpu.wait_indirect_dma semaphore(%arg7 : memref<!tpu.dma_semaphore, #tpu.memory_space<semaphore_mem>>) src(%dma_wait3A_178 : memref<8192x128xf32, #tpu.memory_space<hbm>>) dst(%arg6 : memref<512x128xf32, #tpu.memory_space<vmem>>)
    %add3A_179 = arith.constant 7168 : i32
    %add3A_180 = arith.addi %mul3A_2, %add3A_179 : i32
    "tpu.region"() ({
      %run_scoped3A = tpu.sem_alloc : memref<!tpu.dma_semaphore, #tpu.memory_space<semaphore_mem>>
      %dma_start3A_193 = arith.constant 0 : i32
      %dma_start3A_194 = tpu.memref_slice %arg4[%add3A_180, %dma_start3A_193] : memref<262144x128xf32, #tpu.memory_space<hbm>> -> memref<512x128xf32, #tpu.memory_space<hbm>>
      %dma_start3A_195 = arith.constant 0 : i32
      %dma_start3A_196 = tpu.memref_slice %arg4[%add3A_180, %dma_start3A_195] : memref<262144x128xf32, #tpu.memory_space<hbm>> -> memref<512x128xf32, #tpu.memory_space<hbm>>
      tpu.enqueue_dma source(%arg6 : memref<512x128xf32, #tpu.memory_space<vmem>>) target(%dma_start3A_196 : memref<512x128xf32, #tpu.memory_space<hbm>>) target_semaphore(%run_scoped3A : memref<!tpu.dma_semaphore, #tpu.memory_space<semaphore_mem>>)
      %dma_wait3A_197 = arith.constant 0 : i32
      %dma_wait3A_198 = tpu.memref_slice %arg4[%add3A_180, %dma_wait3A_197] : memref<262144x128xf32, #tpu.memory_space<hbm>> -> memref<512x128xf32, #tpu.memory_space<hbm>>
      %dma_wait3A_199 = arith.constant 0 : i32
      %dma_wait3A_200 = tpu.memref_slice %arg4[%add3A_180, %dma_wait3A_199] : memref<262144x128xf32, #tpu.memory_space<hbm>> -> memref<512x128xf32, #tpu.memory_space<hbm>>
      tpu.wait_dma2 semaphore(%run_scoped3A : memref<!tpu.dma_semaphore, #tpu.memory_space<semaphore_mem>>) src(%arg6 : memref<512x128xf32, #tpu.memory_space<vmem>>) dst(%dma_wait3A_200 : memref<512x128xf32, #tpu.memory_space<hbm>>)
      tpu.yield
    }) : () -> ()
    %dma_start3A_181 = arith.constant 7680 : i32
    %dma_start3A_182 = tpu.memref_slice %arg5[%dma_start3A_181] : memref<8192xi32, #tpu.memory_space<vmem>> -> memref<512xi32, #tpu.memory_space<vmem>>
    %dma_start3A_183 = arith.constant 0 : i32
    %dma_start3A_184 = arith.constant 0 : i32
    %dma_start3A_185 = tpu.memref_slice %arg2[%dma_start3A_183, %dma_start3A_184] : memref<8192x128xf32, #tpu.memory_space<hbm>> -> memref<8192x128xf32, #tpu.memory_space<hbm>>
    tpu.enqueue_indirect_dma source(%dma_start3A_185 : memref<8192x128xf32, #tpu.memory_space<hbm>>) target(%arg6 : memref<512x128xf32, #tpu.memory_space<vmem>>) offsets(%dma_start3A_182 : memref<512xi32, #tpu.memory_space<vmem>>) semaphore(%arg7 : memref<!tpu.dma_semaphore, #tpu.memory_space<semaphore_mem>>)
    %dma_wait3A_186 = arith.constant 7680 : i32
    %dma_wait3A_187 = tpu.memref_slice %arg5[%dma_wait3A_186] : memref<8192xi32, #tpu.memory_space<vmem>> -> memref<512xi32, #tpu.memory_space<vmem>>
    %dma_wait3A_188 = arith.constant 0 : i32
    %dma_wait3A_189 = arith.constant 0 : i32
    %dma_wait3A_190 = tpu.memref_slice %arg2[%dma_wait3A_188, %dma_wait3A_189] : memref<8192x128xf32, #tpu.memory_space<hbm>> -> memref<8192x128xf32, #tpu.memory_space<hbm>>
    tpu.wait_indirect_dma semaphore(%arg7 : memref<!tpu.dma_semaphore, #tpu.memory_space<semaphore_mem>>) src(%dma_wait3A_190 : memref<8192x128xf32, #tpu.memory_space<hbm>>) dst(%arg6 : memref<512x128xf32, #tpu.memory_space<vmem>>)
    %add3A_191 = arith.constant 7680 : i32
    %add3A_192 = arith.addi %mul3A_2, %add3A_191 : i32
    "tpu.region"() ({
      %run_scoped3A = tpu.sem_alloc : memref<!tpu.dma_semaphore, #tpu.memory_space<semaphore_mem>>
      %dma_start3A_193 = arith.constant 0 : i32
      %dma_start3A_194 = tpu.memref_slice %arg4[%add3A_192, %dma_start3A_193] : memref<262144x128xf32, #tpu.memory_space<hbm>> -> memref<512x128xf32, #tpu.memory_space<hbm>>
      %dma_start3A_195 = arith.constant 0 : i32
      %dma_start3A_196 = tpu.memref_slice %arg4[%add3A_192, %dma_start3A_195] : memref<262144x128xf32, #tpu.memory_space<hbm>> -> memref<512x128xf32, #tpu.memory_space<hbm>>
      tpu.enqueue_dma source(%arg6 : memref<512x128xf32, #tpu.memory_space<vmem>>) target(%dma_start3A_196 : memref<512x128xf32, #tpu.memory_space<hbm>>) target_semaphore(%run_scoped3A : memref<!tpu.dma_semaphore, #tpu.memory_space<semaphore_mem>>)
      %dma_wait3A_197 = arith.constant 0 : i32
      %dma_wait3A_198 = tpu.memref_slice %arg4[%add3A_192, %dma_wait3A_197] : memref<262144x128xf32, #tpu.memory_space<hbm>> -> memref<512x128xf32, #tpu.memory_space<hbm>>
      %dma_wait3A_199 = arith.constant 0 : i32
      %dma_wait3A_200 = tpu.memref_slice %arg4[%add3A_192, %dma_wait3A_199] : memref<262144x128xf32, #tpu.memory_space<hbm>> -> memref<512x128xf32, #tpu.memory_space<hbm>>
      tpu.wait_dma2 semaphore(%run_scoped3A : memref<!tpu.dma_semaphore, #tpu.memory_space<semaphore_mem>>) src(%arg6 : memref<512x128xf32, #tpu.memory_space<vmem>>) dst(%dma_wait3A_200 : memref<512x128xf32, #tpu.memory_space<hbm>>)
      tpu.yield
    }) : () -> ()
    return
  }
}

#map = affine_map<(d0, d1) -> (0, 0)>
#map1 = affine_map<(d0, d1) -> (0)>
module attributes {stable_mosaic.version = 14 : i64} {
  func.func @gather(%arg0: i32, %arg1: i32, %arg2: memref<8192x128xf32, #tpu.memory_space<hbm>>, %arg3: memref<8192xi32, #tpu.memory_space<hbm>>, %arg4: memref<8192x128xf32, #tpu.memory_space<hbm>>, %arg5: memref<256xi32, #tpu.memory_space<vmem>>, %arg6: memref<256x128xf32, #tpu.memory_space<vmem>>, %arg7: memref<!tpu.dma_semaphore, #tpu.memory_space<semaphore_mem>>) attributes {dimension_semantics = [#tpu.dimension_semantics<core_parallel>, #tpu.dimension_semantics<subcore_parallel>], iteration_bounds = array<i64: 2, 16>, scalar_prefetch = 0 : i64, scratch_operands = 3 : i64, tpu.core_type = #tpu.core_type<sc_vector_subcore>, window_params = [{transform_indices = #map}, {transform_indices = #map1}, {transform_indices = #map}]} {
    %mul3A = arith.constant 2 : i32
    %mul3A_0 = arith.muli %arg1, %mul3A : i32
    %add3A = arith.addi %mul3A_0, %arg0 : i32
    %mul3A_1 = arith.constant 256 : i32
    %mul3A_2 = arith.muli %add3A, %mul3A_1 : i32
    "tpu.region"() ({
      %run_scoped3A = tpu.sem_alloc : memref<!tpu.dma_semaphore, #tpu.memory_space<semaphore_mem>>
      %dma_start3A_13 = tpu.memref_slice %arg3[%mul3A_2] : memref<8192xi32, #tpu.memory_space<hbm>> -> memref<256xi32, #tpu.memory_space<hbm>>
      %dma_start3A_14 = tpu.memref_slice %arg3[%mul3A_2] : memref<8192xi32, #tpu.memory_space<hbm>> -> memref<256xi32, #tpu.memory_space<hbm>>
      tpu.enqueue_dma source(%dma_start3A_14 : memref<256xi32, #tpu.memory_space<hbm>>) target(%arg5 : memref<256xi32, #tpu.memory_space<vmem>>) target_semaphore(%run_scoped3A : memref<!tpu.dma_semaphore, #tpu.memory_space<semaphore_mem>>)
      %dma_wait3A_15 = tpu.memref_slice %arg3[%mul3A_2] : memref<8192xi32, #tpu.memory_space<hbm>> -> memref<256xi32, #tpu.memory_space<hbm>>
      %dma_wait3A_16 = tpu.memref_slice %arg3[%mul3A_2] : memref<8192xi32, #tpu.memory_space<hbm>> -> memref<256xi32, #tpu.memory_space<hbm>>
      tpu.wait_dma2 semaphore(%run_scoped3A : memref<!tpu.dma_semaphore, #tpu.memory_space<semaphore_mem>>) src(%dma_wait3A_16 : memref<256xi32, #tpu.memory_space<hbm>>) dst(%arg5 : memref<256xi32, #tpu.memory_space<vmem>>)
      tpu.yield
    }) : () -> ()
    %dma_start3A = arith.constant 0 : i32
    %dma_start3A_3 = tpu.memref_slice %arg5[%dma_start3A] : memref<256xi32, #tpu.memory_space<vmem>> -> memref<256xi32, #tpu.memory_space<vmem>>
    %dma_start3A_4 = arith.constant 0 : i32
    %dma_start3A_5 = arith.constant 0 : i32
    %dma_start3A_6 = tpu.memref_slice %arg2[%dma_start3A_4, %dma_start3A_5] : memref<8192x128xf32, #tpu.memory_space<hbm>> -> memref<8192x128xf32, #tpu.memory_space<hbm>>
    tpu.enqueue_indirect_dma source(%dma_start3A_6 : memref<8192x128xf32, #tpu.memory_space<hbm>>) target(%arg6 : memref<256x128xf32, #tpu.memory_space<vmem>>) offsets(%dma_start3A_3 : memref<256xi32, #tpu.memory_space<vmem>>) semaphore(%arg7 : memref<!tpu.dma_semaphore, #tpu.memory_space<semaphore_mem>>)
    %dma_wait3A = arith.constant 0 : i32
    %dma_wait3A_7 = tpu.memref_slice %arg5[%dma_wait3A] : memref<256xi32, #tpu.memory_space<vmem>> -> memref<256xi32, #tpu.memory_space<vmem>>
    %dma_wait3A_8 = arith.constant 0 : i32
    %dma_wait3A_9 = arith.constant 0 : i32
    %dma_wait3A_10 = tpu.memref_slice %arg2[%dma_wait3A_8, %dma_wait3A_9] : memref<8192x128xf32, #tpu.memory_space<hbm>> -> memref<8192x128xf32, #tpu.memory_space<hbm>>
    tpu.wait_indirect_dma semaphore(%arg7 : memref<!tpu.dma_semaphore, #tpu.memory_space<semaphore_mem>>) src(%dma_wait3A_10 : memref<8192x128xf32, #tpu.memory_space<hbm>>) dst(%arg6 : memref<256x128xf32, #tpu.memory_space<vmem>>)
    %add3A_11 = arith.constant 0 : i32
    %add3A_12 = arith.addi %mul3A_2, %add3A_11 : i32
    "tpu.region"() ({
      %run_scoped3A = tpu.sem_alloc : memref<!tpu.dma_semaphore, #tpu.memory_space<semaphore_mem>>
      %dma_start3A_13 = arith.constant 0 : i32
      %dma_start3A_14 = tpu.memref_slice %arg4[%add3A_12, %dma_start3A_13] : memref<8192x128xf32, #tpu.memory_space<hbm>> -> memref<256x128xf32, #tpu.memory_space<hbm>>
      %dma_start3A_15 = arith.constant 0 : i32
      %dma_start3A_16 = tpu.memref_slice %arg4[%add3A_12, %dma_start3A_15] : memref<8192x128xf32, #tpu.memory_space<hbm>> -> memref<256x128xf32, #tpu.memory_space<hbm>>
      tpu.enqueue_dma source(%arg6 : memref<256x128xf32, #tpu.memory_space<vmem>>) target(%dma_start3A_16 : memref<256x128xf32, #tpu.memory_space<hbm>>) target_semaphore(%run_scoped3A : memref<!tpu.dma_semaphore, #tpu.memory_space<semaphore_mem>>)
      %dma_wait3A_17 = arith.constant 0 : i32
      %dma_wait3A_18 = tpu.memref_slice %arg4[%add3A_12, %dma_wait3A_17] : memref<8192x128xf32, #tpu.memory_space<hbm>> -> memref<256x128xf32, #tpu.memory_space<hbm>>
      %dma_wait3A_19 = arith.constant 0 : i32
      %dma_wait3A_20 = tpu.memref_slice %arg4[%add3A_12, %dma_wait3A_19] : memref<8192x128xf32, #tpu.memory_space<hbm>> -> memref<256x128xf32, #tpu.memory_space<hbm>>
      tpu.wait_dma2 semaphore(%run_scoped3A : memref<!tpu.dma_semaphore, #tpu.memory_space<semaphore_mem>>) src(%arg6 : memref<256x128xf32, #tpu.memory_space<vmem>>) dst(%dma_wait3A_20 : memref<256x128xf32, #tpu.memory_space<hbm>>)
      tpu.yield
    }) : () -> ()
    return
  }
}

module attributes {stable_mosaic.version = 14 : i64} {
  func.func @_p1_body(%arg0: i32, %arg1: i32, %arg2: memref<1x128x3xf32, #tpu.memory_space<vmem>>, %arg3: memref<1x3x4096xf32, #tpu.memory_space<vmem>>, %arg4: memref<1x1x4096xf32, #tpu.memory_space<vmem>>, %arg5: memref<1x128x32xi32, #tpu.memory_space<vmem>>, %arg6: memref<1x128x32xf32, #tpu.memory_space<vmem>>, %arg7: memref<1x128x1xi32, #tpu.memory_space<vmem>>) attributes {dimension_semantics = [#tpu.dimension_semantics<arbitrary>, #tpu.dimension_semantics<arbitrary>], iteration_bounds = array<i64: 2, 32>, scalar_prefetch = 0 : i64, scratch_operands = 0 : i64, tpu.core_type = #tpu.core_type<tc>, window_params = [{transform_indices = @transform_0, window_bounds = array<i64: 1, 128, 3>}, {transform_indices = @transform_1, window_bounds = array<i64: 1, 3, 4096>}, {transform_indices = @transform_2, window_bounds = array<i64: 1, 1, 4096>}, {transform_indices = @transform_3, window_bounds = array<i64: 1, 128, 32>}, {transform_indices = @transform_4, window_bounds = array<i64: 1, 128, 32>}, {transform_indices = @transform_5, window_bounds = array<i64: 1, 128, 1>}]} {
    %get3A = arith.constant 0 : index
    %get3A_0 = arith.constant 0 : index
    %get3A_1 = arith.constant 0 : index
    %get3A_2 = vector.load %arg2[%get3A, %get3A_0, %get3A_1] : memref<1x128x3xf32, #tpu.memory_space<vmem>>, vector<1x128x3xf32>
    %get3A_3 = vector.shape_cast %get3A_2 : vector<1x128x3xf32> to vector<128x3xf32>
    %get3A_4 = arith.constant 0 : index
    %get3A_5 = arith.constant 0 : index
    %get3A_6 = arith.constant 0 : index
    %get3A_7 = vector.load %arg3[%get3A_4, %get3A_5, %get3A_6] : memref<1x3x4096xf32, #tpu.memory_space<vmem>>, vector<1x3x4096xf32>
    %get3A_8 = vector.shape_cast %get3A_7 : vector<1x3x4096xf32> to vector<3x4096xf32>
    %get3A_9 = arith.constant 0 : index
    %get3A_10 = arith.constant 0 : index
    %get3A_11 = arith.constant 0 : index
    %get3A_12 = vector.load %arg4[%get3A_9, %get3A_10, %get3A_11] : memref<1x1x4096xf32, #tpu.memory_space<vmem>>, vector<1x1x4096xf32>
    %get3A_13 = vector.shape_cast %get3A_12 : vector<1x1x4096xf32> to vector<1x4096xf32>
    %broadcast_in_dim3A = arith.constant 0.000000e+00 : f32
    %broadcast_in_dim3A_14 = vector.broadcast %broadcast_in_dim3A : f32 to vector<128x4096xf32>
    %slice3A = vector.extract_strided_slice %get3A_3 {offsets = [0, 0], sizes = [128, 1], strides = [1, 1]} : vector<128x3xf32> to vector<128x1xf32>
    %slice3A_15 = vector.extract_strided_slice %get3A_8 {offsets = [0, 0], sizes = [1, 4096], strides = [1, 1]} : vector<3x4096xf32> to vector<1x4096xf32>
    %sub3A = vector.broadcast %slice3A : vector<128x1xf32> to vector<128x4096xf32>
    %sub3A_16 = vector.broadcast %slice3A_15 : vector<1x4096xf32> to vector<128x4096xf32>
    %sub3A_17 = arith.subf %sub3A, %sub3A_16 : vector<128x4096xf32>
    %mul3A = arith.mulf %sub3A_17, %sub3A_17 : vector<128x4096xf32>
    %add3A = arith.addf %broadcast_in_dim3A_14, %mul3A : vector<128x4096xf32>
    %slice3A_18 = vector.extract_strided_slice %get3A_3 {offsets = [0, 1], sizes = [128, 1], strides = [1, 1]} : vector<128x3xf32> to vector<128x1xf32>
    %slice3A_19 = vector.extract_strided_slice %get3A_8 {offsets = [1, 0], sizes = [1, 4096], strides = [1, 1]} : vector<3x4096xf32> to vector<1x4096xf32>
    %sub3A_20 = vector.broadcast %slice3A_18 : vector<128x1xf32> to vector<128x4096xf32>
    %sub3A_21 = vector.broadcast %slice3A_19 : vector<1x4096xf32> to vector<128x4096xf32>
    %sub3A_22 = arith.subf %sub3A_20, %sub3A_21 : vector<128x4096xf32>
    %mul3A_23 = arith.mulf %sub3A_22, %sub3A_22 : vector<128x4096xf32>
    %add3A_24 = arith.addf %add3A, %mul3A_23 : vector<128x4096xf32>
    %slice3A_25 = vector.extract_strided_slice %get3A_3 {offsets = [0, 2], sizes = [128, 1], strides = [1, 1]} : vector<128x3xf32> to vector<128x1xf32>
    %slice3A_26 = vector.extract_strided_slice %get3A_8 {offsets = [2, 0], sizes = [1, 4096], strides = [1, 1]} : vector<3x4096xf32> to vector<1x4096xf32>
    %sub3A_27 = vector.broadcast %slice3A_25 : vector<128x1xf32> to vector<128x4096xf32>
    %sub3A_28 = vector.broadcast %slice3A_26 : vector<1x4096xf32> to vector<128x4096xf32>
    %sub3A_29 = arith.subf %sub3A_27, %sub3A_28 : vector<128x4096xf32>
    %mul3A_30 = arith.mulf %sub3A_29, %sub3A_29 : vector<128x4096xf32>
    %add3A_31 = arith.addf %add3A_24, %mul3A_30 : vector<128x4096xf32>
    %gt3A = arith.constant 0.000000e+00 : f32
    %gt3A_32 = vector.broadcast %gt3A : f32 to vector<1x4096xf32>
    %gt3A_33 = arith.cmpf ogt, %get3A_13, %gt3A_32 : vector<1x4096xf32>
    %lt3A = arith.constant 4.000000e-02 : f32
    %lt3A_34 = vector.broadcast %lt3A : f32 to vector<128x4096xf32>
    %lt3A_35 = arith.cmpf olt, %add3A_31, %lt3A_34 : vector<128x4096xf32>
    %and3A = vector.broadcast %gt3A_33 : vector<1x4096xi1> to vector<128x4096xi1>
    %and3A_36 = arith.andi %lt3A_35, %and3A : vector<128x4096xi1>
    %iota3A = tpu.iota {dimensions = array<i32: 1>} : vector<128x4096xi32>
    %jit3A = arith.constant 0x7F800000 : f32
    %broadcast_in_dim3A_37 = vector.shape_cast %gt3A_33 : vector<1x4096xi1> to vector<1x4096xi1>
    %broadcast_in_dim3A_38 = vector.broadcast %broadcast_in_dim3A_37 : vector<1x4096xi1> to vector<128x4096xi1>
    %broadcast_in_dim3A_39 = vector.broadcast %jit3A : f32 to vector<128x4096xf32>
    %select_n3A = arith.select %broadcast_in_dim3A_38, %add3A_31, %broadcast_in_dim3A_39 : vector<128x4096xi1>, vector<128x4096xf32>
    %reduce_min3A = arith.constant dense<0x7F800000> : vector<128xf32>
    %reduce_min3A_40 = vector.multi_reduction <minimumf>, %select_n3A, %reduce_min3A [1] : vector<128x4096xf32> to vector<128xf32>
    %broadcast_in_dim3A_41 = vector.shape_cast %reduce_min3A_40 : vector<128xf32> to vector<128x1xf32>
    %eq3A = vector.broadcast %broadcast_in_dim3A_41 : vector<128x1xf32> to vector<128x4096xf32>
    %eq3A_42 = arith.cmpf oeq, %select_n3A, %eq3A : vector<128x4096xf32>
    %jit3A_43 = arith.constant 4096 : i32
    %broadcast_in_dim3A_44 = vector.broadcast %jit3A_43 : i32 to vector<128x4096xi32>
    %select_n3A_45 = arith.select %eq3A_42, %iota3A, %broadcast_in_dim3A_44 : vector<128x4096xi1>, vector<128x4096xi32>
    %reduce_min3A_46 = arith.constant dense<2147483647> : vector<128xi32>
    %reduce_min3A_47 = vector.multi_reduction <minsi>, %select_n3A_45, %reduce_min3A_46 [1] : vector<128x4096xi32> to vector<128xi32>
    %broadcast_in_dim3A_48 = vector.shape_cast %reduce_min3A_47 : vector<128xi32> to vector<128x1xi32>
    %mul3A_49 = arith.constant 4096 : i32
    %mul3A_50 = arith.muli %arg0, %mul3A_49 : i32
    %add3A_51 = vector.broadcast %mul3A_50 : i32 to vector<128x1xi32>
    %add3A_52 = arith.addi %broadcast_in_dim3A_48, %add3A_51 : vector<128x1xi32>
    %swap3A = arith.constant 0 : index
    %swap3A_53 = arith.constant 0 : index
    %swap3A_54 = arith.constant 0 : index
    %swap3A_55 = vector.load %arg7[%swap3A, %swap3A_53, %swap3A_54] : memref<1x128x1xi32, #tpu.memory_space<vmem>>, vector<1x128x1xi32>
    %swap3A_56 = vector.shape_cast %swap3A_55 : vector<1x128x1xi32> to vector<128x1xi32>
    %swap3A_57 = vector.shape_cast %add3A_52 : vector<128x1xi32> to vector<1x128x1xi32>
    tpu.vector_store %arg7[%swap3A, %swap3A_53, %swap3A_54], %swap3A_57 {strides = array<i32>} : memref<1x128x1xi32, #tpu.memory_space<vmem>>, vector<1x128x1xi32>,
    %iota3A_58 = tpu.iota {dimensions = array<i32: 1>} : vector<1x32xi32>
    %convert_element_type3A = arith.extui %and3A_36 : vector<128x4096xi1> to vector<128x4096xi32>
    %convert_element_type3A_59 = arith.sitofp %convert_element_type3A : vector<128x4096xi32> to vector<128x4096xf32>
    %reshape3A = vector.shape_cast %convert_element_type3A_59 : vector<128x4096xf32> to vector<4096x128xf32>
    %iota3A_60 = tpu.iota {dimensions = array<i32: 0>} : vector<128x128xi32>
    %iota3A_61 = tpu.iota {dimensions = array<i32: 1>} : vector<128x128xi32>
    %le3A = arith.cmpi sle, %iota3A_60, %iota3A_61 : vector<128x128xi32>
    %convert_element_type3A_62 = arith.extui %le3A : vector<128x128xi1> to vector<128x128xi32>
    %convert_element_type3A_63 = arith.sitofp %convert_element_type3A_62 : vector<128x128xi32> to vector<128x128xf32>
    %dot_general3A = arith.constant dense<0.000000e+00> : vector<4096x128xf32>
    %dot_general3A_64 = tpu.matmul %reshape3A, %convert_element_type3A_63, %dot_general3A {dimension_numbers = #tpu.dot_dimension_numbers<[1], [0], [0], [1], [0, 0, 1, 1], [], []>, transpose_lhs_hint = false} : vector<4096x128xf32>, vector<128x128xf32>, vector<4096x128xf32> -> vector<4096x128xf32>
    %slice3A_65 = vector.extract_strided_slice %dot_general3A_64 {offsets = [0, 127], sizes = [4096, 1], strides = [1, 1]} : vector<4096x128xf32> to vector<4096x1xf32>
    %reshape3A_66 = vector.shape_cast %slice3A_65 : vector<4096x1xf32> to vector<128x32xf32>
    %iota3A_67 = tpu.iota {dimensions = array<i32: 0>} : vector<32x32xi32>
    %iota3A_68 = tpu.iota {dimensions = array<i32: 1>} : vector<32x32xi32>
    %lt3A_69 = arith.cmpi slt, %iota3A_67, %iota3A_68 : vector<32x32xi32>
    %convert_element_type3A_70 = arith.extui %lt3A_69 : vector<32x32xi1> to vector<32x32xi32>
    %convert_element_type3A_71 = arith.sitofp %convert_element_type3A_70 : vector<32x32xi32> to vector<32x32xf32>
    %dot_general3A_72 = arith.constant dense<0.000000e+00> : vector<128x32xf32>
    %dot_general3A_73 = tpu.matmul %reshape3A_66, %convert_element_type3A_71, %dot_general3A_72 {dimension_numbers = #tpu.dot_dimension_numbers<[1], [0], [0], [1], [0, 0, 1, 1], [], []>, transpose_lhs_hint = false} : vector<128x32xf32>, vector<32x32xf32>, vector<128x32xf32> -> vector<128x32xf32>
    %reshape3A_74 = vector.shape_cast %dot_general3A_64 : vector<4096x128xf32> to vector<128x32x128xf32>
    %broadcast_in_dim3A_75 = vector.shape_cast %dot_general3A_73 : vector<128x32xf32> to vector<128x32x1xf32>
    %add3A_76 = vector.broadcast %broadcast_in_dim3A_75 : vector<128x32x1xf32> to vector<128x32x128xf32>
    %add3A_77 = arith.addf %reshape3A_74, %add3A_76 : vector<128x32x128xf32>
    %reshape3A_78 = vector.shape_cast %add3A_77 : vector<128x32x128xf32> to vector<128x4096xf32>
    %broadcast_in_dim3A_79 = arith.constant 0 : i32
    %broadcast_in_dim3A_80 = vector.broadcast %broadcast_in_dim3A_79 : i32 to vector<128x32xi32>
    %le3A_81 = arith.constant 0.000000e+00 : f32
    %le3A_82 = vector.broadcast %le3A_81 : f32 to vector<128x4096xf32>
    %le3A_83 = arith.cmpf ole, %reshape3A_78, %le3A_82 : vector<128x4096xf32>
    %jit3A_84 = arith.constant 1.000000e+00 : f32
    %jit3A_85 = arith.constant 0.000000e+00 : f32
    %broadcast_in_dim3A_86 = vector.broadcast %jit3A_84 : f32 to vector<128x4096xf32>
    %broadcast_in_dim3A_87 = vector.broadcast %jit3A_85 : f32 to vector<128x4096xf32>
    %select_n3A_88 = arith.select %le3A_83, %broadcast_in_dim3A_86, %broadcast_in_dim3A_87 : vector<128x4096xi1>, vector<128x4096xf32>
    %reduce_sum3A = arith.constant dense<0.000000e+00> : vector<128xf32>
    %reduce_sum3A_89 = vector.multi_reduction <add>, %select_n3A_88, %reduce_sum3A [1] : vector<128x4096xf32> to vector<128xf32>
    %broadcast_in_dim3A_90 = vector.shape_cast %reduce_sum3A_89 : vector<128xf32> to vector<128x1xf32>
    %convert_element_type3A_91 = arith.fptosi %broadcast_in_dim3A_90 : vector<128x1xf32> to vector<128x1xi32>
    %eq3A_92 = arith.constant 0 : i32
    %eq3A_93 = vector.broadcast %eq3A_92 : i32 to vector<1x32xi32>
    %eq3A_94 = arith.cmpi eq, %iota3A_58, %eq3A_93 : vector<1x32xi32>
    %jit3A_95 = arith.constant 0 : i32
    %broadcast_in_dim3A_96 = vector.shape_cast %eq3A_94 : vector<1x32xi1> to vector<1x32xi1>
    %broadcast_in_dim3A_97 = vector.broadcast %broadcast_in_dim3A_96 : vector<1x32xi1> to vector<128x32xi1>
    %broadcast_in_dim3A_98 = vector.shape_cast %convert_element_type3A_91 : vector<128x1xi32> to vector<128x1xi32>
    %broadcast_in_dim3A_99 = vector.broadcast %broadcast_in_dim3A_98 : vector<128x1xi32> to vector<128x32xi32>
    %broadcast_in_dim3A_100 = vector.broadcast %jit3A_95 : i32 to vector<128x32xi32>
    %select_n3A_101 = arith.select %broadcast_in_dim3A_97, %broadcast_in_dim3A_99, %broadcast_in_dim3A_100 : vector<128x32xi1>, vector<128x32xi32>
    %add3A_102 = arith.addi %broadcast_in_dim3A_80, %select_n3A_101 : vector<128x32xi32>
    %le3A_103 = arith.constant 1.000000e+00 : f32
    %le3A_104 = vector.broadcast %le3A_103 : f32 to vector<128x4096xf32>
    %le3A_105 = arith.cmpf ole, %reshape3A_78, %le3A_104 : vector<128x4096xf32>
    %jit3A_106 = arith.constant 1.000000e+00 : f32
    %jit3A_107 = arith.constant 0.000000e+00 : f32
    %broadcast_in_dim3A_108 = vector.broadcast %jit3A_106 : f32 to vector<128x4096xf32>
    %broadcast_in_dim3A_109 = vector.broadcast %jit3A_107 : f32 to vector<128x4096xf32>
    %select_n3A_110 = arith.select %le3A_105, %broadcast_in_dim3A_108, %broadcast_in_dim3A_109 : vector<128x4096xi1>, vector<128x4096xf32>
    %reduce_sum3A_111 = arith.constant dense<0.000000e+00> : vector<128xf32>
    %reduce_sum3A_112 = vector.multi_reduction <add>, %select_n3A_110, %reduce_sum3A_111 [1] : vector<128x4096xf32> to vector<128xf32>
    %broadcast_in_dim3A_113 = vector.shape_cast %reduce_sum3A_112 : vector<128xf32> to vector<128x1xf32>
    %convert_element_type3A_114 = arith.fptosi %broadcast_in_dim3A_113 : vector<128x1xf32> to vector<128x1xi32>
    %eq3A_115 = arith.constant 1 : i32
    %eq3A_116 = vector.broadcast %eq3A_115 : i32 to vector<1x32xi32>
    %eq3A_117 = arith.cmpi eq, %iota3A_58, %eq3A_116 : vector<1x32xi32>
    %jit3A_118 = arith.constant 0 : i32
    %broadcast_in_dim3A_119 = vector.shape_cast %eq3A_117 : vector<1x32xi1> to vector<1x32xi1>
    %broadcast_in_dim3A_120 = vector.broadcast %broadcast_in_dim3A_119 : vector<1x32xi1> to vector<128x32xi1>
    %broadcast_in_dim3A_121 = vector.shape_cast %convert_element_type3A_114 : vector<128x1xi32> to vector<128x1xi32>
    %broadcast_in_dim3A_122 = vector.broadcast %broadcast_in_dim3A_121 : vector<128x1xi32> to vector<128x32xi32>
    %broadcast_in_dim3A_123 = vector.broadcast %jit3A_118 : i32 to vector<128x32xi32>
    %select_n3A_124 = arith.select %broadcast_in_dim3A_120, %broadcast_in_dim3A_122, %broadcast_in_dim3A_123 : vector<128x32xi1>, vector<128x32xi32>
    %add3A_125 = arith.addi %add3A_102, %select_n3A_124 : vector<128x32xi32>
    %le3A_126 = arith.constant 2.000000e+00 : f32
    %le3A_127 = vector.broadcast %le3A_126 : f32 to vector<128x4096xf32>
    %le3A_128 = arith.cmpf ole, %reshape3A_78, %le3A_127 : vector<128x4096xf32>
    %jit3A_129 = arith.constant 1.000000e+00 : f32
    %jit3A_130 = arith.constant 0.000000e+00 : f32
    %broadcast_in_dim3A_131 = vector.broadcast %jit3A_129 : f32 to vector<128x4096xf32>
    %broadcast_in_dim3A_132 = vector.broadcast %jit3A_130 : f32 to vector<128x4096xf32>
    %select_n3A_133 = arith.select %le3A_128, %broadcast_in_dim3A_131, %broadcast_in_dim3A_132 : vector<128x4096xi1>, vector<128x4096xf32>
    %reduce_sum3A_134 = arith.constant dense<0.000000e+00> : vector<128xf32>
    %reduce_sum3A_135 = vector.multi_reduction <add>, %select_n3A_133, %reduce_sum3A_134 [1] : vector<128x4096xf32> to vector<128xf32>
    %broadcast_in_dim3A_136 = vector.shape_cast %reduce_sum3A_135 : vector<128xf32> to vector<128x1xf32>
    %convert_element_type3A_137 = arith.fptosi %broadcast_in_dim3A_136 : vector<128x1xf32> to vector<128x1xi32>
    %eq3A_138 = arith.constant 2 : i32
    %eq3A_139 = vector.broadcast %eq3A_138 : i32 to vector<1x32xi32>
    %eq3A_140 = arith.cmpi eq, %iota3A_58, %eq3A_139 : vector<1x32xi32>
    %jit3A_141 = arith.constant 0 : i32
    %broadcast_in_dim3A_142 = vector.shape_cast %eq3A_140 : vector<1x32xi1> to vector<1x32xi1>
    %broadcast_in_dim3A_143 = vector.broadcast %broadcast_in_dim3A_142 : vector<1x32xi1> to vector<128x32xi1>
    %broadcast_in_dim3A_144 = vector.shape_cast %convert_element_type3A_137 : vector<128x1xi32> to vector<128x1xi32>
    %broadcast_in_dim3A_145 = vector.broadcast %broadcast_in_dim3A_144 : vector<128x1xi32> to vector<128x32xi32>
    %broadcast_in_dim3A_146 = vector.broadcast %jit3A_141 : i32 to vector<128x32xi32>
    %select_n3A_147 = arith.select %broadcast_in_dim3A_143, %broadcast_in_dim3A_145, %broadcast_in_dim3A_146 : vector<128x32xi1>, vector<128x32xi32>
    %add3A_148 = arith.addi %add3A_125, %select_n3A_147 : vector<128x32xi32>
    %le3A_149 = arith.constant 3.000000e+00 : f32
    %le3A_150 = vector.broadcast %le3A_149 : f32 to vector<128x4096xf32>
    %le3A_151 = arith.cmpf ole, %reshape3A_78, %le3A_150 : vector<128x4096xf32>
    %jit3A_152 = arith.constant 1.000000e+00 : f32
    %jit3A_153 = arith.constant 0.000000e+00 : f32
    %broadcast_in_dim3A_154 = vector.broadcast %jit3A_152 : f32 to vector<128x4096xf32>
    %broadcast_in_dim3A_155 = vector.broadcast %jit3A_153 : f32 to vector<128x4096xf32>
    %select_n3A_156 = arith.select %le3A_151, %broadcast_in_dim3A_154, %broadcast_in_dim3A_155 : vector<128x4096xi1>, vector<128x4096xf32>
    %reduce_sum3A_157 = arith.constant dense<0.000000e+00> : vector<128xf32>
    %reduce_sum3A_158 = vector.multi_reduction <add>, %select_n3A_156, %reduce_sum3A_157 [1] : vector<128x4096xf32> to vector<128xf32>
    %broadcast_in_dim3A_159 = vector.shape_cast %reduce_sum3A_158 : vector<128xf32> to vector<128x1xf32>
    %convert_element_type3A_160 = arith.fptosi %broadcast_in_dim3A_159 : vector<128x1xf32> to vector<128x1xi32>
    %eq3A_161 = arith.constant 3 : i32
    %eq3A_162 = vector.broadcast %eq3A_161 : i32 to vector<1x32xi32>
    %eq3A_163 = arith.cmpi eq, %iota3A_58, %eq3A_162 : vector<1x32xi32>
    %jit3A_164 = arith.constant 0 : i32
    %broadcast_in_dim3A_165 = vector.shape_cast %eq3A_163 : vector<1x32xi1> to vector<1x32xi1>
    %broadcast_in_dim3A_166 = vector.broadcast %broadcast_in_dim3A_165 : vector<1x32xi1> to vector<128x32xi1>
    %broadcast_in_dim3A_167 = vector.shape_cast %convert_element_type3A_160 : vector<128x1xi32> to vector<128x1xi32>
    %broadcast_in_dim3A_168 = vector.broadcast %broadcast_in_dim3A_167 : vector<128x1xi32> to vector<128x32xi32>
    %broadcast_in_dim3A_169 = vector.broadcast %jit3A_164 : i32 to vector<128x32xi32>
    %select_n3A_170 = arith.select %broadcast_in_dim3A_166, %broadcast_in_dim3A_168, %broadcast_in_dim3A_169 : vector<128x32xi1>, vector<128x32xi32>
    %add3A_171 = arith.addi %add3A_148, %select_n3A_170 : vector<128x32xi32>
    %le3A_172 = arith.constant 4.000000e+00 : f32
    %le3A_173 = vector.broadcast %le3A_172 : f32 to vector<128x4096xf32>
    %le3A_174 = arith.cmpf ole, %reshape3A_78, %le3A_173 : vector<128x4096xf32>
    %jit3A_175 = arith.constant 1.000000e+00 : f32
    %jit3A_176 = arith.constant 0.000000e+00 : f32
    %broadcast_in_dim3A_177 = vector.broadcast %jit3A_175 : f32 to vector<128x4096xf32>
    %broadcast_in_dim3A_178 = vector.broadcast %jit3A_176 : f32 to vector<128x4096xf32>
    %select_n3A_179 = arith.select %le3A_174, %broadcast_in_dim3A_177, %broadcast_in_dim3A_178 : vector<128x4096xi1>, vector<128x4096xf32>
    %reduce_sum3A_180 = arith.constant dense<0.000000e+00> : vector<128xf32>
    %reduce_sum3A_181 = vector.multi_reduction <add>, %select_n3A_179, %reduce_sum3A_180 [1] : vector<128x4096xf32> to vector<128xf32>
    %broadcast_in_dim3A_182 = vector.shape_cast %reduce_sum3A_181 : vector<128xf32> to vector<128x1xf32>
    %convert_element_type3A_183 = arith.fptosi %broadcast_in_dim3A_182 : vector<128x1xf32> to vector<128x1xi32>
    %eq3A_184 = arith.constant 4 : i32
    %eq3A_185 = vector.broadcast %eq3A_184 : i32 to vector<1x32xi32>
    %eq3A_186 = arith.cmpi eq, %iota3A_58, %eq3A_185 : vector<1x32xi32>
    %jit3A_187 = arith.constant 0 : i32
    %broadcast_in_dim3A_188 = vector.shape_cast %eq3A_186 : vector<1x32xi1> to vector<1x32xi1>
    %broadcast_in_dim3A_189 = vector.broadcast %broadcast_in_dim3A_188 : vector<1x32xi1> to vector<128x32xi1>
    %broadcast_in_dim3A_190 = vector.shape_cast %convert_element_type3A_183 : vector<128x1xi32> to vector<128x1xi32>
    %broadcast_in_dim3A_191 = vector.broadcast %broadcast_in_dim3A_190 : vector<128x1xi32> to vector<128x32xi32>
    %broadcast_in_dim3A_192 = vector.broadcast %jit3A_187 : i32 to vector<128x32xi32>
    %select_n3A_193 = arith.select %broadcast_in_dim3A_189, %broadcast_in_dim3A_191, %broadcast_in_dim3A_192 : vector<128x32xi1>, vector<128x32xi32>
    %add3A_194 = arith.addi %add3A_171, %select_n3A_193 : vector<128x32xi32>
    %le3A_195 = arith.constant 5.000000e+00 : f32
    %le3A_196 = vector.broadcast %le3A_195 : f32 to vector<128x4096xf32>
    %le3A_197 = arith.cmpf ole, %reshape3A_78, %le3A_196 : vector<128x4096xf32>
    %jit3A_198 = arith.constant 1.000000e+00 : f32
    %jit3A_199 = arith.constant 0.000000e+00 : f32
    %broadcast_in_dim3A_200 = vector.broadcast %jit3A_198 : f32 to vector<128x4096xf32>
    %broadcast_in_dim3A_201 = vector.broadcast %jit3A_199 : f32 to vector<128x4096xf32>
    %select_n3A_202 = arith.select %le3A_197, %broadcast_in_dim3A_200, %broadcast_in_dim3A_201 : vector<128x4096xi1>, vector<128x4096xf32>
    %reduce_sum3A_203 = arith.constant dense<0.000000e+00> : vector<128xf32>
    %reduce_sum3A_204 = vector.multi_reduction <add>, %select_n3A_202, %reduce_sum3A_203 [1] : vector<128x4096xf32> to vector<128xf32>
    %broadcast_in_dim3A_205 = vector.shape_cast %reduce_sum3A_204 : vector<128xf32> to vector<128x1xf32>
    %convert_element_type3A_206 = arith.fptosi %broadcast_in_dim3A_205 : vector<128x1xf32> to vector<128x1xi32>
    %eq3A_207 = arith.constant 5 : i32
    %eq3A_208 = vector.broadcast %eq3A_207 : i32 to vector<1x32xi32>
    %eq3A_209 = arith.cmpi eq, %iota3A_58, %eq3A_208 : vector<1x32xi32>
    %jit3A_210 = arith.constant 0 : i32
    %broadcast_in_dim3A_211 = vector.shape_cast %eq3A_209 : vector<1x32xi1> to vector<1x32xi1>
    %broadcast_in_dim3A_212 = vector.broadcast %broadcast_in_dim3A_211 : vector<1x32xi1> to vector<128x32xi1>
    %broadcast_in_dim3A_213 = vector.shape_cast %convert_element_type3A_206 : vector<128x1xi32> to vector<128x1xi32>
    %broadcast_in_dim3A_214 = vector.broadcast %broadcast_in_dim3A_213 : vector<128x1xi32> to vector<128x32xi32>
    %broadcast_in_dim3A_215 = vector.broadcast %jit3A_210 : i32 to vector<128x32xi32>
    %select_n3A_216 = arith.select %broadcast_in_dim3A_212, %broadcast_in_dim3A_214, %broadcast_in_dim3A_215 : vector<128x32xi1>, vector<128x32xi32>
    %add3A_217 = arith.addi %add3A_194, %select_n3A_216 : vector<128x32xi32>
    %le3A_218 = arith.constant 6.000000e+00 : f32
    %le3A_219 = vector.broadcast %le3A_218 : f32 to vector<128x4096xf32>
    %le3A_220 = arith.cmpf ole, %reshape3A_78, %le3A_219 : vector<128x4096xf32>
    %jit3A_221 = arith.constant 1.000000e+00 : f32
    %jit3A_222 = arith.constant 0.000000e+00 : f32
    %broadcast_in_dim3A_223 = vector.broadcast %jit3A_221 : f32 to vector<128x4096xf32>
    %broadcast_in_dim3A_224 = vector.broadcast %jit3A_222 : f32 to vector<128x4096xf32>
    %select_n3A_225 = arith.select %le3A_220, %broadcast_in_dim3A_223, %broadcast_in_dim3A_224 : vector<128x4096xi1>, vector<128x4096xf32>
    %reduce_sum3A_226 = arith.constant dense<0.000000e+00> : vector<128xf32>
    %reduce_sum3A_227 = vector.multi_reduction <add>, %select_n3A_225, %reduce_sum3A_226 [1] : vector<128x4096xf32> to vector<128xf32>
    %broadcast_in_dim3A_228 = vector.shape_cast %reduce_sum3A_227 : vector<128xf32> to vector<128x1xf32>
    %convert_element_type3A_229 = arith.fptosi %broadcast_in_dim3A_228 : vector<128x1xf32> to vector<128x1xi32>
    %eq3A_230 = arith.constant 6 : i32
    %eq3A_231 = vector.broadcast %eq3A_230 : i32 to vector<1x32xi32>
    %eq3A_232 = arith.cmpi eq, %iota3A_58, %eq3A_231 : vector<1x32xi32>
    %jit3A_233 = arith.constant 0 : i32
    %broadcast_in_dim3A_234 = vector.shape_cast %eq3A_232 : vector<1x32xi1> to vector<1x32xi1>
    %broadcast_in_dim3A_235 = vector.broadcast %broadcast_in_dim3A_234 : vector<1x32xi1> to vector<128x32xi1>
    %broadcast_in_dim3A_236 = vector.shape_cast %convert_element_type3A_229 : vector<128x1xi32> to vector<128x1xi32>
    %broadcast_in_dim3A_237 = vector.broadcast %broadcast_in_dim3A_236 : vector<128x1xi32> to vector<128x32xi32>
    %broadcast_in_dim3A_238 = vector.broadcast %jit3A_233 : i32 to vector<128x32xi32>
    %select_n3A_239 = arith.select %broadcast_in_dim3A_235, %broadcast_in_dim3A_237, %broadcast_in_dim3A_238 : vector<128x32xi1>, vector<128x32xi32>
    %add3A_240 = arith.addi %add3A_217, %select_n3A_239 : vector<128x32xi32>
    %le3A_241 = arith.constant 7.000000e+00 : f32
    %le3A_242 = vector.broadcast %le3A_241 : f32 to vector<128x4096xf32>
    %le3A_243 = arith.cmpf ole, %reshape3A_78, %le3A_242 : vector<128x4096xf32>
    %jit3A_244 = arith.constant 1.000000e+00 : f32
    %jit3A_245 = arith.constant 0.000000e+00 : f32
    %broadcast_in_dim3A_246 = vector.broadcast %jit3A_244 : f32 to vector<128x4096xf32>
    %broadcast_in_dim3A_247 = vector.broadcast %jit3A_245 : f32 to vector<128x4096xf32>
    %select_n3A_248 = arith.select %le3A_243, %broadcast_in_dim3A_246, %broadcast_in_dim3A_247 : vector<128x4096xi1>, vector<128x4096xf32>
    %reduce_sum3A_249 = arith.constant dense<0.000000e+00> : vector<128xf32>
    %reduce_sum3A_250 = vector.multi_reduction <add>, %select_n3A_248, %reduce_sum3A_249 [1] : vector<128x4096xf32> to vector<128xf32>
    %broadcast_in_dim3A_251 = vector.shape_cast %reduce_sum3A_250 : vector<128xf32> to vector<128x1xf32>
    %convert_element_type3A_252 = arith.fptosi %broadcast_in_dim3A_251 : vector<128x1xf32> to vector<128x1xi32>
    %eq3A_253 = arith.constant 7 : i32
    %eq3A_254 = vector.broadcast %eq3A_253 : i32 to vector<1x32xi32>
    %eq3A_255 = arith.cmpi eq, %iota3A_58, %eq3A_254 : vector<1x32xi32>
    %jit3A_256 = arith.constant 0 : i32
    %broadcast_in_dim3A_257 = vector.shape_cast %eq3A_255 : vector<1x32xi1> to vector<1x32xi1>
    %broadcast_in_dim3A_258 = vector.broadcast %broadcast_in_dim3A_257 : vector<1x32xi1> to vector<128x32xi1>
    %broadcast_in_dim3A_259 = vector.shape_cast %convert_element_type3A_252 : vector<128x1xi32> to vector<128x1xi32>
    %broadcast_in_dim3A_260 = vector.broadcast %broadcast_in_dim3A_259 : vector<128x1xi32> to vector<128x32xi32>
    %broadcast_in_dim3A_261 = vector.broadcast %jit3A_256 : i32 to vector<128x32xi32>
    %select_n3A_262 = arith.select %broadcast_in_dim3A_258, %broadcast_in_dim3A_260, %broadcast_in_dim3A_261 : vector<128x32xi1>, vector<128x32xi32>
    %add3A_263 = arith.addi %add3A_240, %select_n3A_262 : vector<128x32xi32>
    %le3A_264 = arith.constant 8.000000e+00 : f32
    %le3A_265 = vector.broadcast %le3A_264 : f32 to vector<128x4096xf32>
    %le3A_266 = arith.cmpf ole, %reshape3A_78, %le3A_265 : vector<128x4096xf32>
    %jit3A_267 = arith.constant 1.000000e+00 : f32
    %jit3A_268 = arith.constant 0.000000e+00 : f32
    %broadcast_in_dim3A_269 = vector.broadcast %jit3A_267 : f32 to vector<128x4096xf32>
    %broadcast_in_dim3A_270 = vector.broadcast %jit3A_268 : f32 to vector<128x4096xf32>
    %select_n3A_271 = arith.select %le3A_266, %broadcast_in_dim3A_269, %broadcast_in_dim3A_270 : vector<128x4096xi1>, vector<128x4096xf32>
    %reduce_sum3A_272 = arith.constant dense<0.000000e+00> : vector<128xf32>
    %reduce_sum3A_273 = vector.multi_reduction <add>, %select_n3A_271, %reduce_sum3A_272 [1] : vector<128x4096xf32> to vector<128xf32>
    %broadcast_in_dim3A_274 = vector.shape_cast %reduce_sum3A_273 : vector<128xf32> to vector<128x1xf32>
    %convert_element_type3A_275 = arith.fptosi %broadcast_in_dim3A_274 : vector<128x1xf32> to vector<128x1xi32>
    %eq3A_276 = arith.constant 8 : i32
    %eq3A_277 = vector.broadcast %eq3A_276 : i32 to vector<1x32xi32>
    %eq3A_278 = arith.cmpi eq, %iota3A_58, %eq3A_277 : vector<1x32xi32>
    %jit3A_279 = arith.constant 0 : i32
    %broadcast_in_dim3A_280 = vector.shape_cast %eq3A_278 : vector<1x32xi1> to vector<1x32xi1>
    %broadcast_in_dim3A_281 = vector.broadcast %broadcast_in_dim3A_280 : vector<1x32xi1> to vector<128x32xi1>
    %broadcast_in_dim3A_282 = vector.shape_cast %convert_element_type3A_275 : vector<128x1xi32> to vector<128x1xi32>
    %broadcast_in_dim3A_283 = vector.broadcast %broadcast_in_dim3A_282 : vector<128x1xi32> to vector<128x32xi32>
    %broadcast_in_dim3A_284 = vector.broadcast %jit3A_279 : i32 to vector<128x32xi32>
    %select_n3A_285 = arith.select %broadcast_in_dim3A_281, %broadcast_in_dim3A_283, %broadcast_in_dim3A_284 : vector<128x32xi1>, vector<128x32xi32>
    %add3A_286 = arith.addi %add3A_263, %select_n3A_285 : vector<128x32xi32>
    %le3A_287 = arith.constant 9.000000e+00 : f32
    %le3A_288 = vector.broadcast %le3A_287 : f32 to vector<128x4096xf32>
    %le3A_289 = arith.cmpf ole, %reshape3A_78, %le3A_288 : vector<128x4096xf32>
    %jit3A_290 = arith.constant 1.000000e+00 : f32
    %jit3A_291 = arith.constant 0.000000e+00 : f32
    %broadcast_in_dim3A_292 = vector.broadcast %jit3A_290 : f32 to vector<128x4096xf32>
    %broadcast_in_dim3A_293 = vector.broadcast %jit3A_291 : f32 to vector<128x4096xf32>
    %select_n3A_294 = arith.select %le3A_289, %broadcast_in_dim3A_292, %broadcast_in_dim3A_293 : vector<128x4096xi1>, vector<128x4096xf32>
    %reduce_sum3A_295 = arith.constant dense<0.000000e+00> : vector<128xf32>
    %reduce_sum3A_296 = vector.multi_reduction <add>, %select_n3A_294, %reduce_sum3A_295 [1] : vector<128x4096xf32> to vector<128xf32>
    %broadcast_in_dim3A_297 = vector.shape_cast %reduce_sum3A_296 : vector<128xf32> to vector<128x1xf32>
    %convert_element_type3A_298 = arith.fptosi %broadcast_in_dim3A_297 : vector<128x1xf32> to vector<128x1xi32>
    %eq3A_299 = arith.constant 9 : i32
    %eq3A_300 = vector.broadcast %eq3A_299 : i32 to vector<1x32xi32>
    %eq3A_301 = arith.cmpi eq, %iota3A_58, %eq3A_300 : vector<1x32xi32>
    %jit3A_302 = arith.constant 0 : i32
    %broadcast_in_dim3A_303 = vector.shape_cast %eq3A_301 : vector<1x32xi1> to vector<1x32xi1>
    %broadcast_in_dim3A_304 = vector.broadcast %broadcast_in_dim3A_303 : vector<1x32xi1> to vector<128x32xi1>
    %broadcast_in_dim3A_305 = vector.shape_cast %convert_element_type3A_298 : vector<128x1xi32> to vector<128x1xi32>
    %broadcast_in_dim3A_306 = vector.broadcast %broadcast_in_dim3A_305 : vector<128x1xi32> to vector<128x32xi32>
    %broadcast_in_dim3A_307 = vector.broadcast %jit3A_302 : i32 to vector<128x32xi32>
    %select_n3A_308 = arith.select %broadcast_in_dim3A_304, %broadcast_in_dim3A_306, %broadcast_in_dim3A_307 : vector<128x32xi1>, vector<128x32xi32>
    %add3A_309 = arith.addi %add3A_286, %select_n3A_308 : vector<128x32xi32>
    %le3A_310 = arith.constant 1.000000e+01 : f32
    %le3A_311 = vector.broadcast %le3A_310 : f32 to vector<128x4096xf32>
    %le3A_312 = arith.cmpf ole, %reshape3A_78, %le3A_311 : vector<128x4096xf32>
    %jit3A_313 = arith.constant 1.000000e+00 : f32
    %jit3A_314 = arith.constant 0.000000e+00 : f32
    %broadcast_in_dim3A_315 = vector.broadcast %jit3A_313 : f32 to vector<128x4096xf32>
    %broadcast_in_dim3A_316 = vector.broadcast %jit3A_314 : f32 to vector<128x4096xf32>
    %select_n3A_317 = arith.select %le3A_312, %broadcast_in_dim3A_315, %broadcast_in_dim3A_316 : vector<128x4096xi1>, vector<128x4096xf32>
    %reduce_sum3A_318 = arith.constant dense<0.000000e+00> : vector<128xf32>
    %reduce_sum3A_319 = vector.multi_reduction <add>, %select_n3A_317, %reduce_sum3A_318 [1] : vector<128x4096xf32> to vector<128xf32>
    %broadcast_in_dim3A_320 = vector.shape_cast %reduce_sum3A_319 : vector<128xf32> to vector<128x1xf32>
    %convert_element_type3A_321 = arith.fptosi %broadcast_in_dim3A_320 : vector<128x1xf32> to vector<128x1xi32>
    %eq3A_322 = arith.constant 10 : i32
    %eq3A_323 = vector.broadcast %eq3A_322 : i32 to vector<1x32xi32>
    %eq3A_324 = arith.cmpi eq, %iota3A_58, %eq3A_323 : vector<1x32xi32>
    %jit3A_325 = arith.constant 0 : i32
    %broadcast_in_dim3A_326 = vector.shape_cast %eq3A_324 : vector<1x32xi1> to vector<1x32xi1>
    %broadcast_in_dim3A_327 = vector.broadcast %broadcast_in_dim3A_326 : vector<1x32xi1> to vector<128x32xi1>
    %broadcast_in_dim3A_328 = vector.shape_cast %convert_element_type3A_321 : vector<128x1xi32> to vector<128x1xi32>
    %broadcast_in_dim3A_329 = vector.broadcast %broadcast_in_dim3A_328 : vector<128x1xi32> to vector<128x32xi32>
    %broadcast_in_dim3A_330 = vector.broadcast %jit3A_325 : i32 to vector<128x32xi32>
    %select_n3A_331 = arith.select %broadcast_in_dim3A_327, %broadcast_in_dim3A_329, %broadcast_in_dim3A_330 : vector<128x32xi1>, vector<128x32xi32>
    %add3A_332 = arith.addi %add3A_309, %select_n3A_331 : vector<128x32xi32>
    %le3A_333 = arith.constant 1.100000e+01 : f32
    %le3A_334 = vector.broadcast %le3A_333 : f32 to vector<128x4096xf32>
    %le3A_335 = arith.cmpf ole, %reshape3A_78, %le3A_334 : vector<128x4096xf32>
    %jit3A_336 = arith.constant 1.000000e+00 : f32
    %jit3A_337 = arith.constant 0.000000e+00 : f32
    %broadcast_in_dim3A_338 = vector.broadcast %jit3A_336 : f32 to vector<128x4096xf32>
    %broadcast_in_dim3A_339 = vector.broadcast %jit3A_337 : f32 to vector<128x4096xf32>
    %select_n3A_340 = arith.select %le3A_335, %broadcast_in_dim3A_338, %broadcast_in_dim3A_339 : vector<128x4096xi1>, vector<128x4096xf32>
    %reduce_sum3A_341 = arith.constant dense<0.000000e+00> : vector<128xf32>
    %reduce_sum3A_342 = vector.multi_reduction <add>, %select_n3A_340, %reduce_sum3A_341 [1] : vector<128x4096xf32> to vector<128xf32>
    %broadcast_in_dim3A_343 = vector.shape_cast %reduce_sum3A_342 : vector<128xf32> to vector<128x1xf32>
    %convert_element_type3A_344 = arith.fptosi %broadcast_in_dim3A_343 : vector<128x1xf32> to vector<128x1xi32>
    %eq3A_345 = arith.constant 11 : i32
    %eq3A_346 = vector.broadcast %eq3A_345 : i32 to vector<1x32xi32>
    %eq3A_347 = arith.cmpi eq, %iota3A_58, %eq3A_346 : vector<1x32xi32>
    %jit3A_348 = arith.constant 0 : i32
    %broadcast_in_dim3A_349 = vector.shape_cast %eq3A_347 : vector<1x32xi1> to vector<1x32xi1>
    %broadcast_in_dim3A_350 = vector.broadcast %broadcast_in_dim3A_349 : vector<1x32xi1> to vector<128x32xi1>
    %broadcast_in_dim3A_351 = vector.shape_cast %convert_element_type3A_344 : vector<128x1xi32> to vector<128x1xi32>
    %broadcast_in_dim3A_352 = vector.broadcast %broadcast_in_dim3A_351 : vector<128x1xi32> to vector<128x32xi32>
    %broadcast_in_dim3A_353 = vector.broadcast %jit3A_348 : i32 to vector<128x32xi32>
    %select_n3A_354 = arith.select %broadcast_in_dim3A_350, %broadcast_in_dim3A_352, %broadcast_in_dim3A_353 : vector<128x32xi1>, vector<128x32xi32>
    %add3A_355 = arith.addi %add3A_332, %select_n3A_354 : vector<128x32xi32>
    %le3A_356 = arith.constant 1.200000e+01 : f32
    %le3A_357 = vector.broadcast %le3A_356 : f32 to vector<128x4096xf32>
    %le3A_358 = arith.cmpf ole, %reshape3A_78, %le3A_357 : vector<128x4096xf32>
    %jit3A_359 = arith.constant 1.000000e+00 : f32
    %jit3A_360 = arith.constant 0.000000e+00 : f32
    %broadcast_in_dim3A_361 = vector.broadcast %jit3A_359 : f32 to vector<128x4096xf32>
    %broadcast_in_dim3A_362 = vector.broadcast %jit3A_360 : f32 to vector<128x4096xf32>
    %select_n3A_363 = arith.select %le3A_358, %broadcast_in_dim3A_361, %broadcast_in_dim3A_362 : vector<128x4096xi1>, vector<128x4096xf32>
    %reduce_sum3A_364 = arith.constant dense<0.000000e+00> : vector<128xf32>
    %reduce_sum3A_365 = vector.multi_reduction <add>, %select_n3A_363, %reduce_sum3A_364 [1] : vector<128x4096xf32> to vector<128xf32>
    %broadcast_in_dim3A_366 = vector.shape_cast %reduce_sum3A_365 : vector<128xf32> to vector<128x1xf32>
    %convert_element_type3A_367 = arith.fptosi %broadcast_in_dim3A_366 : vector<128x1xf32> to vector<128x1xi32>
    %eq3A_368 = arith.constant 12 : i32
    %eq3A_369 = vector.broadcast %eq3A_368 : i32 to vector<1x32xi32>
    %eq3A_370 = arith.cmpi eq, %iota3A_58, %eq3A_369 : vector<1x32xi32>
    %jit3A_371 = arith.constant 0 : i32
    %broadcast_in_dim3A_372 = vector.shape_cast %eq3A_370 : vector<1x32xi1> to vector<1x32xi1>
    %broadcast_in_dim3A_373 = vector.broadcast %broadcast_in_dim3A_372 : vector<1x32xi1> to vector<128x32xi1>
    %broadcast_in_dim3A_374 = vector.shape_cast %convert_element_type3A_367 : vector<128x1xi32> to vector<128x1xi32>
    %broadcast_in_dim3A_375 = vector.broadcast %broadcast_in_dim3A_374 : vector<128x1xi32> to vector<128x32xi32>
    %broadcast_in_dim3A_376 = vector.broadcast %jit3A_371 : i32 to vector<128x32xi32>
    %select_n3A_377 = arith.select %broadcast_in_dim3A_373, %broadcast_in_dim3A_375, %broadcast_in_dim3A_376 : vector<128x32xi1>, vector<128x32xi32>
    %add3A_378 = arith.addi %add3A_355, %select_n3A_377 : vector<128x32xi32>
    %le3A_379 = arith.constant 1.300000e+01 : f32
    %le3A_380 = vector.broadcast %le3A_379 : f32 to vector<128x4096xf32>
    %le3A_381 = arith.cmpf ole, %reshape3A_78, %le3A_380 : vector<128x4096xf32>
    %jit3A_382 = arith.constant 1.000000e+00 : f32
    %jit3A_383 = arith.constant 0.000000e+00 : f32
    %broadcast_in_dim3A_384 = vector.broadcast %jit3A_382 : f32 to vector<128x4096xf32>
    %broadcast_in_dim3A_385 = vector.broadcast %jit3A_383 : f32 to vector<128x4096xf32>
    %select_n3A_386 = arith.select %le3A_381, %broadcast_in_dim3A_384, %broadcast_in_dim3A_385 : vector<128x4096xi1>, vector<128x4096xf32>
    %reduce_sum3A_387 = arith.constant dense<0.000000e+00> : vector<128xf32>
    %reduce_sum3A_388 = vector.multi_reduction <add>, %select_n3A_386, %reduce_sum3A_387 [1] : vector<128x4096xf32> to vector<128xf32>
    %broadcast_in_dim3A_389 = vector.shape_cast %reduce_sum3A_388 : vector<128xf32> to vector<128x1xf32>
    %convert_element_type3A_390 = arith.fptosi %broadcast_in_dim3A_389 : vector<128x1xf32> to vector<128x1xi32>
    %eq3A_391 = arith.constant 13 : i32
    %eq3A_392 = vector.broadcast %eq3A_391 : i32 to vector<1x32xi32>
    %eq3A_393 = arith.cmpi eq, %iota3A_58, %eq3A_392 : vector<1x32xi32>
    %jit3A_394 = arith.constant 0 : i32
    %broadcast_in_dim3A_395 = vector.shape_cast %eq3A_393 : vector<1x32xi1> to vector<1x32xi1>
    %broadcast_in_dim3A_396 = vector.broadcast %broadcast_in_dim3A_395 : vector<1x32xi1> to vector<128x32xi1>
    %broadcast_in_dim3A_397 = vector.shape_cast %convert_element_type3A_390 : vector<128x1xi32> to vector<128x1xi32>
    %broadcast_in_dim3A_398 = vector.broadcast %broadcast_in_dim3A_397 : vector<128x1xi32> to vector<128x32xi32>
    %broadcast_in_dim3A_399 = vector.broadcast %jit3A_394 : i32 to vector<128x32xi32>
    %select_n3A_400 = arith.select %broadcast_in_dim3A_396, %broadcast_in_dim3A_398, %broadcast_in_dim3A_399 : vector<128x32xi1>, vector<128x32xi32>
    %add3A_401 = arith.addi %add3A_378, %select_n3A_400 : vector<128x32xi32>
    %le3A_402 = arith.constant 1.400000e+01 : f32
    %le3A_403 = vector.broadcast %le3A_402 : f32 to vector<128x4096xf32>
    %le3A_404 = arith.cmpf ole, %reshape3A_78, %le3A_403 : vector<128x4096xf32>
    %jit3A_405 = arith.constant 1.000000e+00 : f32
    %jit3A_406 = arith.constant 0.000000e+00 : f32
    %broadcast_in_dim3A_407 = vector.broadcast %jit3A_405 : f32 to vector<128x4096xf32>
    %broadcast_in_dim3A_408 = vector.broadcast %jit3A_406 : f32 to vector<128x4096xf32>
    %select_n3A_409 = arith.select %le3A_404, %broadcast_in_dim3A_407, %broadcast_in_dim3A_408 : vector<128x4096xi1>, vector<128x4096xf32>
    %reduce_sum3A_410 = arith.constant dense<0.000000e+00> : vector<128xf32>
    %reduce_sum3A_411 = vector.multi_reduction <add>, %select_n3A_409, %reduce_sum3A_410 [1] : vector<128x4096xf32> to vector<128xf32>
    %broadcast_in_dim3A_412 = vector.shape_cast %reduce_sum3A_411 : vector<128xf32> to vector<128x1xf32>
    %convert_element_type3A_413 = arith.fptosi %broadcast_in_dim3A_412 : vector<128x1xf32> to vector<128x1xi32>
    %eq3A_414 = arith.constant 14 : i32
    %eq3A_415 = vector.broadcast %eq3A_414 : i32 to vector<1x32xi32>
    %eq3A_416 = arith.cmpi eq, %iota3A_58, %eq3A_415 : vector<1x32xi32>
    %jit3A_417 = arith.constant 0 : i32
    %broadcast_in_dim3A_418 = vector.shape_cast %eq3A_416 : vector<1x32xi1> to vector<1x32xi1>
    %broadcast_in_dim3A_419 = vector.broadcast %broadcast_in_dim3A_418 : vector<1x32xi1> to vector<128x32xi1>
    %broadcast_in_dim3A_420 = vector.shape_cast %convert_element_type3A_413 : vector<128x1xi32> to vector<128x1xi32>
    %broadcast_in_dim3A_421 = vector.broadcast %broadcast_in_dim3A_420 : vector<128x1xi32> to vector<128x32xi32>
    %broadcast_in_dim3A_422 = vector.broadcast %jit3A_417 : i32 to vector<128x32xi32>
    %select_n3A_423 = arith.select %broadcast_in_dim3A_419, %broadcast_in_dim3A_421, %broadcast_in_dim3A_422 : vector<128x32xi1>, vector<128x32xi32>
    %add3A_424 = arith.addi %add3A_401, %select_n3A_423 : vector<128x32xi32>
    %le3A_425 = arith.constant 1.500000e+01 : f32
    %le3A_426 = vector.broadcast %le3A_425 : f32 to vector<128x4096xf32>
    %le3A_427 = arith.cmpf ole, %reshape3A_78, %le3A_426 : vector<128x4096xf32>
    %jit3A_428 = arith.constant 1.000000e+00 : f32
    %jit3A_429 = arith.constant 0.000000e+00 : f32
    %broadcast_in_dim3A_430 = vector.broadcast %jit3A_428 : f32 to vector<128x4096xf32>
    %broadcast_in_dim3A_431 = vector.broadcast %jit3A_429 : f32 to vector<128x4096xf32>
    %select_n3A_432 = arith.select %le3A_427, %broadcast_in_dim3A_430, %broadcast_in_dim3A_431 : vector<128x4096xi1>, vector<128x4096xf32>
    %reduce_sum3A_433 = arith.constant dense<0.000000e+00> : vector<128xf32>
    %reduce_sum3A_434 = vector.multi_reduction <add>, %select_n3A_432, %reduce_sum3A_433 [1] : vector<128x4096xf32> to vector<128xf32>
    %broadcast_in_dim3A_435 = vector.shape_cast %reduce_sum3A_434 : vector<128xf32> to vector<128x1xf32>
    %convert_element_type3A_436 = arith.fptosi %broadcast_in_dim3A_435 : vector<128x1xf32> to vector<128x1xi32>
    %eq3A_437 = arith.constant 15 : i32
    %eq3A_438 = vector.broadcast %eq3A_437 : i32 to vector<1x32xi32>
    %eq3A_439 = arith.cmpi eq, %iota3A_58, %eq3A_438 : vector<1x32xi32>
    %jit3A_440 = arith.constant 0 : i32
    %broadcast_in_dim3A_441 = vector.shape_cast %eq3A_439 : vector<1x32xi1> to vector<1x32xi1>
    %broadcast_in_dim3A_442 = vector.broadcast %broadcast_in_dim3A_441 : vector<1x32xi1> to vector<128x32xi1>
    %broadcast_in_dim3A_443 = vector.shape_cast %convert_element_type3A_436 : vector<128x1xi32> to vector<128x1xi32>
    %broadcast_in_dim3A_444 = vector.broadcast %broadcast_in_dim3A_443 : vector<128x1xi32> to vector<128x32xi32>
    %broadcast_in_dim3A_445 = vector.broadcast %jit3A_440 : i32 to vector<128x32xi32>
    %select_n3A_446 = arith.select %broadcast_in_dim3A_442, %broadcast_in_dim3A_444, %broadcast_in_dim3A_445 : vector<128x32xi1>, vector<128x32xi32>
    %add3A_447 = arith.addi %add3A_424, %select_n3A_446 : vector<128x32xi32>
    %le3A_448 = arith.constant 1.600000e+01 : f32
    %le3A_449 = vector.broadcast %le3A_448 : f32 to vector<128x4096xf32>
    %le3A_450 = arith.cmpf ole, %reshape3A_78, %le3A_449 : vector<128x4096xf32>
    %jit3A_451 = arith.constant 1.000000e+00 : f32
    %jit3A_452 = arith.constant 0.000000e+00 : f32
    %broadcast_in_dim3A_453 = vector.broadcast %jit3A_451 : f32 to vector<128x4096xf32>
    %broadcast_in_dim3A_454 = vector.broadcast %jit3A_452 : f32 to vector<128x4096xf32>
    %select_n3A_455 = arith.select %le3A_450, %broadcast_in_dim3A_453, %broadcast_in_dim3A_454 : vector<128x4096xi1>, vector<128x4096xf32>
    %reduce_sum3A_456 = arith.constant dense<0.000000e+00> : vector<128xf32>
    %reduce_sum3A_457 = vector.multi_reduction <add>, %select_n3A_455, %reduce_sum3A_456 [1] : vector<128x4096xf32> to vector<128xf32>
    %broadcast_in_dim3A_458 = vector.shape_cast %reduce_sum3A_457 : vector<128xf32> to vector<128x1xf32>
    %convert_element_type3A_459 = arith.fptosi %broadcast_in_dim3A_458 : vector<128x1xf32> to vector<128x1xi32>
    %eq3A_460 = arith.constant 16 : i32
    %eq3A_461 = vector.broadcast %eq3A_460 : i32 to vector<1x32xi32>
    %eq3A_462 = arith.cmpi eq, %iota3A_58, %eq3A_461 : vector<1x32xi32>
    %jit3A_463 = arith.constant 0 : i32
    %broadcast_in_dim3A_464 = vector.shape_cast %eq3A_462 : vector<1x32xi1> to vector<1x32xi1>
    %broadcast_in_dim3A_465 = vector.broadcast %broadcast_in_dim3A_464 : vector<1x32xi1> to vector<128x32xi1>
    %broadcast_in_dim3A_466 = vector.shape_cast %convert_element_type3A_459 : vector<128x1xi32> to vector<128x1xi32>
    %broadcast_in_dim3A_467 = vector.broadcast %broadcast_in_dim3A_466 : vector<128x1xi32> to vector<128x32xi32>
    %broadcast_in_dim3A_468 = vector.broadcast %jit3A_463 : i32 to vector<128x32xi32>
    %select_n3A_469 = arith.select %broadcast_in_dim3A_465, %broadcast_in_dim3A_467, %broadcast_in_dim3A_468 : vector<128x32xi1>, vector<128x32xi32>
    %add3A_470 = arith.addi %add3A_447, %select_n3A_469 : vector<128x32xi32>
    %le3A_471 = arith.constant 1.700000e+01 : f32
    %le3A_472 = vector.broadcast %le3A_471 : f32 to vector<128x4096xf32>
    %le3A_473 = arith.cmpf ole, %reshape3A_78, %le3A_472 : vector<128x4096xf32>
    %jit3A_474 = arith.constant 1.000000e+00 : f32
    %jit3A_475 = arith.constant 0.000000e+00 : f32
    %broadcast_in_dim3A_476 = vector.broadcast %jit3A_474 : f32 to vector<128x4096xf32>
    %broadcast_in_dim3A_477 = vector.broadcast %jit3A_475 : f32 to vector<128x4096xf32>
    %select_n3A_478 = arith.select %le3A_473, %broadcast_in_dim3A_476, %broadcast_in_dim3A_477 : vector<128x4096xi1>, vector<128x4096xf32>
    %reduce_sum3A_479 = arith.constant dense<0.000000e+00> : vector<128xf32>
    %reduce_sum3A_480 = vector.multi_reduction <add>, %select_n3A_478, %reduce_sum3A_479 [1] : vector<128x4096xf32> to vector<128xf32>
    %broadcast_in_dim3A_481 = vector.shape_cast %reduce_sum3A_480 : vector<128xf32> to vector<128x1xf32>
    %convert_element_type3A_482 = arith.fptosi %broadcast_in_dim3A_481 : vector<128x1xf32> to vector<128x1xi32>
    %eq3A_483 = arith.constant 17 : i32
    %eq3A_484 = vector.broadcast %eq3A_483 : i32 to vector<1x32xi32>
    %eq3A_485 = arith.cmpi eq, %iota3A_58, %eq3A_484 : vector<1x32xi32>
    %jit3A_486 = arith.constant 0 : i32
    %broadcast_in_dim3A_487 = vector.shape_cast %eq3A_485 : vector<1x32xi1> to vector<1x32xi1>
    %broadcast_in_dim3A_488 = vector.broadcast %broadcast_in_dim3A_487 : vector<1x32xi1> to vector<128x32xi1>
    %broadcast_in_dim3A_489 = vector.shape_cast %convert_element_type3A_482 : vector<128x1xi32> to vector<128x1xi32>
    %broadcast_in_dim3A_490 = vector.broadcast %broadcast_in_dim3A_489 : vector<128x1xi32> to vector<128x32xi32>
    %broadcast_in_dim3A_491 = vector.broadcast %jit3A_486 : i32 to vector<128x32xi32>
    %select_n3A_492 = arith.select %broadcast_in_dim3A_488, %broadcast_in_dim3A_490, %broadcast_in_dim3A_491 : vector<128x32xi1>, vector<128x32xi32>
    %add3A_493 = arith.addi %add3A_470, %select_n3A_492 : vector<128x32xi32>
    %le3A_494 = arith.constant 1.800000e+01 : f32
    %le3A_495 = vector.broadcast %le3A_494 : f32 to vector<128x4096xf32>
    %le3A_496 = arith.cmpf ole, %reshape3A_78, %le3A_495 : vector<128x4096xf32>
    %jit3A_497 = arith.constant 1.000000e+00 : f32
    %jit3A_498 = arith.constant 0.000000e+00 : f32
    %broadcast_in_dim3A_499 = vector.broadcast %jit3A_497 : f32 to vector<128x4096xf32>
    %broadcast_in_dim3A_500 = vector.broadcast %jit3A_498 : f32 to vector<128x4096xf32>
    %select_n3A_501 = arith.select %le3A_496, %broadcast_in_dim3A_499, %broadcast_in_dim3A_500 : vector<128x4096xi1>, vector<128x4096xf32>
    %reduce_sum3A_502 = arith.constant dense<0.000000e+00> : vector<128xf32>
    %reduce_sum3A_503 = vector.multi_reduction <add>, %select_n3A_501, %reduce_sum3A_502 [1] : vector<128x4096xf32> to vector<128xf32>
    %broadcast_in_dim3A_504 = vector.shape_cast %reduce_sum3A_503 : vector<128xf32> to vector<128x1xf32>
    %convert_element_type3A_505 = arith.fptosi %broadcast_in_dim3A_504 : vector<128x1xf32> to vector<128x1xi32>
    %eq3A_506 = arith.constant 18 : i32
    %eq3A_507 = vector.broadcast %eq3A_506 : i32 to vector<1x32xi32>
    %eq3A_508 = arith.cmpi eq, %iota3A_58, %eq3A_507 : vector<1x32xi32>
    %jit3A_509 = arith.constant 0 : i32
    %broadcast_in_dim3A_510 = vector.shape_cast %eq3A_508 : vector<1x32xi1> to vector<1x32xi1>
    %broadcast_in_dim3A_511 = vector.broadcast %broadcast_in_dim3A_510 : vector<1x32xi1> to vector<128x32xi1>
    %broadcast_in_dim3A_512 = vector.shape_cast %convert_element_type3A_505 : vector<128x1xi32> to vector<128x1xi32>
    %broadcast_in_dim3A_513 = vector.broadcast %broadcast_in_dim3A_512 : vector<128x1xi32> to vector<128x32xi32>
    %broadcast_in_dim3A_514 = vector.broadcast %jit3A_509 : i32 to vector<128x32xi32>
    %select_n3A_515 = arith.select %broadcast_in_dim3A_511, %broadcast_in_dim3A_513, %broadcast_in_dim3A_514 : vector<128x32xi1>, vector<128x32xi32>
    %add3A_516 = arith.addi %add3A_493, %select_n3A_515 : vector<128x32xi32>
    %le3A_517 = arith.constant 1.900000e+01 : f32
    %le3A_518 = vector.broadcast %le3A_517 : f32 to vector<128x4096xf32>
    %le3A_519 = arith.cmpf ole, %reshape3A_78, %le3A_518 : vector<128x4096xf32>
    %jit3A_520 = arith.constant 1.000000e+00 : f32
    %jit3A_521 = arith.constant 0.000000e+00 : f32
    %broadcast_in_dim3A_522 = vector.broadcast %jit3A_520 : f32 to vector<128x4096xf32>
    %broadcast_in_dim3A_523 = vector.broadcast %jit3A_521 : f32 to vector<128x4096xf32>
    %select_n3A_524 = arith.select %le3A_519, %broadcast_in_dim3A_522, %broadcast_in_dim3A_523 : vector<128x4096xi1>, vector<128x4096xf32>
    %reduce_sum3A_525 = arith.constant dense<0.000000e+00> : vector<128xf32>
    %reduce_sum3A_526 = vector.multi_reduction <add>, %select_n3A_524, %reduce_sum3A_525 [1] : vector<128x4096xf32> to vector<128xf32>
    %broadcast_in_dim3A_527 = vector.shape_cast %reduce_sum3A_526 : vector<128xf32> to vector<128x1xf32>
    %convert_element_type3A_528 = arith.fptosi %broadcast_in_dim3A_527 : vector<128x1xf32> to vector<128x1xi32>
    %eq3A_529 = arith.constant 19 : i32
    %eq3A_530 = vector.broadcast %eq3A_529 : i32 to vector<1x32xi32>
    %eq3A_531 = arith.cmpi eq, %iota3A_58, %eq3A_530 : vector<1x32xi32>
    %jit3A_532 = arith.constant 0 : i32
    %broadcast_in_dim3A_533 = vector.shape_cast %eq3A_531 : vector<1x32xi1> to vector<1x32xi1>
    %broadcast_in_dim3A_534 = vector.broadcast %broadcast_in_dim3A_533 : vector<1x32xi1> to vector<128x32xi1>
    %broadcast_in_dim3A_535 = vector.shape_cast %convert_element_type3A_528 : vector<128x1xi32> to vector<128x1xi32>
    %broadcast_in_dim3A_536 = vector.broadcast %broadcast_in_dim3A_535 : vector<128x1xi32> to vector<128x32xi32>
    %broadcast_in_dim3A_537 = vector.broadcast %jit3A_532 : i32 to vector<128x32xi32>
    %select_n3A_538 = arith.select %broadcast_in_dim3A_534, %broadcast_in_dim3A_536, %broadcast_in_dim3A_537 : vector<128x32xi1>, vector<128x32xi32>
    %add3A_539 = arith.addi %add3A_516, %select_n3A_538 : vector<128x32xi32>
    %le3A_540 = arith.constant 2.000000e+01 : f32
    %le3A_541 = vector.broadcast %le3A_540 : f32 to vector<128x4096xf32>
    %le3A_542 = arith.cmpf ole, %reshape3A_78, %le3A_541 : vector<128x4096xf32>
    %jit3A_543 = arith.constant 1.000000e+00 : f32
    %jit3A_544 = arith.constant 0.000000e+00 : f32
    %broadcast_in_dim3A_545 = vector.broadcast %jit3A_543 : f32 to vector<128x4096xf32>
    %broadcast_in_dim3A_546 = vector.broadcast %jit3A_544 : f32 to vector<128x4096xf32>
    %select_n3A_547 = arith.select %le3A_542, %broadcast_in_dim3A_545, %broadcast_in_dim3A_546 : vector<128x4096xi1>, vector<128x4096xf32>
    %reduce_sum3A_548 = arith.constant dense<0.000000e+00> : vector<128xf32>
    %reduce_sum3A_549 = vector.multi_reduction <add>, %select_n3A_547, %reduce_sum3A_548 [1] : vector<128x4096xf32> to vector<128xf32>
    %broadcast_in_dim3A_550 = vector.shape_cast %reduce_sum3A_549 : vector<128xf32> to vector<128x1xf32>
    %convert_element_type3A_551 = arith.fptosi %broadcast_in_dim3A_550 : vector<128x1xf32> to vector<128x1xi32>
    %eq3A_552 = arith.constant 20 : i32
    %eq3A_553 = vector.broadcast %eq3A_552 : i32 to vector<1x32xi32>
    %eq3A_554 = arith.cmpi eq, %iota3A_58, %eq3A_553 : vector<1x32xi32>
    %jit3A_555 = arith.constant 0 : i32
    %broadcast_in_dim3A_556 = vector.shape_cast %eq3A_554 : vector<1x32xi1> to vector<1x32xi1>
    %broadcast_in_dim3A_557 = vector.broadcast %broadcast_in_dim3A_556 : vector<1x32xi1> to vector<128x32xi1>
    %broadcast_in_dim3A_558 = vector.shape_cast %convert_element_type3A_551 : vector<128x1xi32> to vector<128x1xi32>
    %broadcast_in_dim3A_559 = vector.broadcast %broadcast_in_dim3A_558 : vector<128x1xi32> to vector<128x32xi32>
    %broadcast_in_dim3A_560 = vector.broadcast %jit3A_555 : i32 to vector<128x32xi32>
    %select_n3A_561 = arith.select %broadcast_in_dim3A_557, %broadcast_in_dim3A_559, %broadcast_in_dim3A_560 : vector<128x32xi1>, vector<128x32xi32>
    %add3A_562 = arith.addi %add3A_539, %select_n3A_561 : vector<128x32xi32>
    %le3A_563 = arith.constant 2.100000e+01 : f32
    %le3A_564 = vector.broadcast %le3A_563 : f32 to vector<128x4096xf32>
    %le3A_565 = arith.cmpf ole, %reshape3A_78, %le3A_564 : vector<128x4096xf32>
    %jit3A_566 = arith.constant 1.000000e+00 : f32
    %jit3A_567 = arith.constant 0.000000e+00 : f32
    %broadcast_in_dim3A_568 = vector.broadcast %jit3A_566 : f32 to vector<128x4096xf32>
    %broadcast_in_dim3A_569 = vector.broadcast %jit3A_567 : f32 to vector<128x4096xf32>
    %select_n3A_570 = arith.select %le3A_565, %broadcast_in_dim3A_568, %broadcast_in_dim3A_569 : vector<128x4096xi1>, vector<128x4096xf32>
    %reduce_sum3A_571 = arith.constant dense<0.000000e+00> : vector<128xf32>
    %reduce_sum3A_572 = vector.multi_reduction <add>, %select_n3A_570, %reduce_sum3A_571 [1] : vector<128x4096xf32> to vector<128xf32>
    %broadcast_in_dim3A_573 = vector.shape_cast %reduce_sum3A_572 : vector<128xf32> to vector<128x1xf32>
    %convert_element_type3A_574 = arith.fptosi %broadcast_in_dim3A_573 : vector<128x1xf32> to vector<128x1xi32>
    %eq3A_575 = arith.constant 21 : i32
    %eq3A_576 = vector.broadcast %eq3A_575 : i32 to vector<1x32xi32>
    %eq3A_577 = arith.cmpi eq, %iota3A_58, %eq3A_576 : vector<1x32xi32>
    %jit3A_578 = arith.constant 0 : i32
    %broadcast_in_dim3A_579 = vector.shape_cast %eq3A_577 : vector<1x32xi1> to vector<1x32xi1>
    %broadcast_in_dim3A_580 = vector.broadcast %broadcast_in_dim3A_579 : vector<1x32xi1> to vector<128x32xi1>
    %broadcast_in_dim3A_581 = vector.shape_cast %convert_element_type3A_574 : vector<128x1xi32> to vector<128x1xi32>
    %broadcast_in_dim3A_582 = vector.broadcast %broadcast_in_dim3A_581 : vector<128x1xi32> to vector<128x32xi32>
    %broadcast_in_dim3A_583 = vector.broadcast %jit3A_578 : i32 to vector<128x32xi32>
    %select_n3A_584 = arith.select %broadcast_in_dim3A_580, %broadcast_in_dim3A_582, %broadcast_in_dim3A_583 : vector<128x32xi1>, vector<128x32xi32>
    %add3A_585 = arith.addi %add3A_562, %select_n3A_584 : vector<128x32xi32>
    %le3A_586 = arith.constant 2.200000e+01 : f32
    %le3A_587 = vector.broadcast %le3A_586 : f32 to vector<128x4096xf32>
    %le3A_588 = arith.cmpf ole, %reshape3A_78, %le3A_587 : vector<128x4096xf32>
    %jit3A_589 = arith.constant 1.000000e+00 : f32
    %jit3A_590 = arith.constant 0.000000e+00 : f32
    %broadcast_in_dim3A_591 = vector.broadcast %jit3A_589 : f32 to vector<128x4096xf32>
    %broadcast_in_dim3A_592 = vector.broadcast %jit3A_590 : f32 to vector<128x4096xf32>
    %select_n3A_593 = arith.select %le3A_588, %broadcast_in_dim3A_591, %broadcast_in_dim3A_592 : vector<128x4096xi1>, vector<128x4096xf32>
    %reduce_sum3A_594 = arith.constant dense<0.000000e+00> : vector<128xf32>
    %reduce_sum3A_595 = vector.multi_reduction <add>, %select_n3A_593, %reduce_sum3A_594 [1] : vector<128x4096xf32> to vector<128xf32>
    %broadcast_in_dim3A_596 = vector.shape_cast %reduce_sum3A_595 : vector<128xf32> to vector<128x1xf32>
    %convert_element_type3A_597 = arith.fptosi %broadcast_in_dim3A_596 : vector<128x1xf32> to vector<128x1xi32>
    %eq3A_598 = arith.constant 22 : i32
    %eq3A_599 = vector.broadcast %eq3A_598 : i32 to vector<1x32xi32>
    %eq3A_600 = arith.cmpi eq, %iota3A_58, %eq3A_599 : vector<1x32xi32>
    %jit3A_601 = arith.constant 0 : i32
    %broadcast_in_dim3A_602 = vector.shape_cast %eq3A_600 : vector<1x32xi1> to vector<1x32xi1>
    %broadcast_in_dim3A_603 = vector.broadcast %broadcast_in_dim3A_602 : vector<1x32xi1> to vector<128x32xi1>
    %broadcast_in_dim3A_604 = vector.shape_cast %convert_element_type3A_597 : vector<128x1xi32> to vector<128x1xi32>
    %broadcast_in_dim3A_605 = vector.broadcast %broadcast_in_dim3A_604 : vector<128x1xi32> to vector<128x32xi32>
    %broadcast_in_dim3A_606 = vector.broadcast %jit3A_601 : i32 to vector<128x32xi32>
    %select_n3A_607 = arith.select %broadcast_in_dim3A_603, %broadcast_in_dim3A_605, %broadcast_in_dim3A_606 : vector<128x32xi1>, vector<128x32xi32>
    %add3A_608 = arith.addi %add3A_585, %select_n3A_607 : vector<128x32xi32>
    %le3A_609 = arith.constant 2.300000e+01 : f32
    %le3A_610 = vector.broadcast %le3A_609 : f32 to vector<128x4096xf32>
    %le3A_611 = arith.cmpf ole, %reshape3A_78, %le3A_610 : vector<128x4096xf32>
    %jit3A_612 = arith.constant 1.000000e+00 : f32
    %jit3A_613 = arith.constant 0.000000e+00 : f32
    %broadcast_in_dim3A_614 = vector.broadcast %jit3A_612 : f32 to vector<128x4096xf32>
    %broadcast_in_dim3A_615 = vector.broadcast %jit3A_613 : f32 to vector<128x4096xf32>
    %select_n3A_616 = arith.select %le3A_611, %broadcast_in_dim3A_614, %broadcast_in_dim3A_615 : vector<128x4096xi1>, vector<128x4096xf32>
    %reduce_sum3A_617 = arith.constant dense<0.000000e+00> : vector<128xf32>
    %reduce_sum3A_618 = vector.multi_reduction <add>, %select_n3A_616, %reduce_sum3A_617 [1] : vector<128x4096xf32> to vector<128xf32>
    %broadcast_in_dim3A_619 = vector.shape_cast %reduce_sum3A_618 : vector<128xf32> to vector<128x1xf32>
    %convert_element_type3A_620 = arith.fptosi %broadcast_in_dim3A_619 : vector<128x1xf32> to vector<128x1xi32>
    %eq3A_621 = arith.constant 23 : i32
    %eq3A_622 = vector.broadcast %eq3A_621 : i32 to vector<1x32xi32>
    %eq3A_623 = arith.cmpi eq, %iota3A_58, %eq3A_622 : vector<1x32xi32>
    %jit3A_624 = arith.constant 0 : i32
    %broadcast_in_dim3A_625 = vector.shape_cast %eq3A_623 : vector<1x32xi1> to vector<1x32xi1>
    %broadcast_in_dim3A_626 = vector.broadcast %broadcast_in_dim3A_625 : vector<1x32xi1> to vector<128x32xi1>
    %broadcast_in_dim3A_627 = vector.shape_cast %convert_element_type3A_620 : vector<128x1xi32> to vector<128x1xi32>
    %broadcast_in_dim3A_628 = vector.broadcast %broadcast_in_dim3A_627 : vector<128x1xi32> to vector<128x32xi32>
    %broadcast_in_dim3A_629 = vector.broadcast %jit3A_624 : i32 to vector<128x32xi32>
    %select_n3A_630 = arith.select %broadcast_in_dim3A_626, %broadcast_in_dim3A_628, %broadcast_in_dim3A_629 : vector<128x32xi1>, vector<128x32xi32>
    %add3A_631 = arith.addi %add3A_608, %select_n3A_630 : vector<128x32xi32>
    %le3A_632 = arith.constant 2.400000e+01 : f32
    %le3A_633 = vector.broadcast %le3A_632 : f32 to vector<128x4096xf32>
    %le3A_634 = arith.cmpf ole, %reshape3A_78, %le3A_633 : vector<128x4096xf32>
    %jit3A_635 = arith.constant 1.000000e+00 : f32
    %jit3A_636 = arith.constant 0.000000e+00 : f32
    %broadcast_in_dim3A_637 = vector.broadcast %jit3A_635 : f32 to vector<128x4096xf32>
    %broadcast_in_dim3A_638 = vector.broadcast %jit3A_636 : f32 to vector<128x4096xf32>
    %select_n3A_639 = arith.select %le3A_634, %broadcast_in_dim3A_637, %broadcast_in_dim3A_638 : vector<128x4096xi1>, vector<128x4096xf32>
    %reduce_sum3A_640 = arith.constant dense<0.000000e+00> : vector<128xf32>
    %reduce_sum3A_641 = vector.multi_reduction <add>, %select_n3A_639, %reduce_sum3A_640 [1] : vector<128x4096xf32> to vector<128xf32>
    %broadcast_in_dim3A_642 = vector.shape_cast %reduce_sum3A_641 : vector<128xf32> to vector<128x1xf32>
    %convert_element_type3A_643 = arith.fptosi %broadcast_in_dim3A_642 : vector<128x1xf32> to vector<128x1xi32>
    %eq3A_644 = arith.constant 24 : i32
    %eq3A_645 = vector.broadcast %eq3A_644 : i32 to vector<1x32xi32>
    %eq3A_646 = arith.cmpi eq, %iota3A_58, %eq3A_645 : vector<1x32xi32>
    %jit3A_647 = arith.constant 0 : i32
    %broadcast_in_dim3A_648 = vector.shape_cast %eq3A_646 : vector<1x32xi1> to vector<1x32xi1>
    %broadcast_in_dim3A_649 = vector.broadcast %broadcast_in_dim3A_648 : vector<1x32xi1> to vector<128x32xi1>
    %broadcast_in_dim3A_650 = vector.shape_cast %convert_element_type3A_643 : vector<128x1xi32> to vector<128x1xi32>
    %broadcast_in_dim3A_651 = vector.broadcast %broadcast_in_dim3A_650 : vector<128x1xi32> to vector<128x32xi32>
    %broadcast_in_dim3A_652 = vector.broadcast %jit3A_647 : i32 to vector<128x32xi32>
    %select_n3A_653 = arith.select %broadcast_in_dim3A_649, %broadcast_in_dim3A_651, %broadcast_in_dim3A_652 : vector<128x32xi1>, vector<128x32xi32>
    %add3A_654 = arith.addi %add3A_631, %select_n3A_653 : vector<128x32xi32>
    %le3A_655 = arith.constant 2.500000e+01 : f32
    %le3A_656 = vector.broadcast %le3A_655 : f32 to vector<128x4096xf32>
    %le3A_657 = arith.cmpf ole, %reshape3A_78, %le3A_656 : vector<128x4096xf32>
    %jit3A_658 = arith.constant 1.000000e+00 : f32
    %jit3A_659 = arith.constant 0.000000e+00 : f32
    %broadcast_in_dim3A_660 = vector.broadcast %jit3A_658 : f32 to vector<128x4096xf32>
    %broadcast_in_dim3A_661 = vector.broadcast %jit3A_659 : f32 to vector<128x4096xf32>
    %select_n3A_662 = arith.select %le3A_657, %broadcast_in_dim3A_660, %broadcast_in_dim3A_661 : vector<128x4096xi1>, vector<128x4096xf32>
    %reduce_sum3A_663 = arith.constant dense<0.000000e+00> : vector<128xf32>
    %reduce_sum3A_664 = vector.multi_reduction <add>, %select_n3A_662, %reduce_sum3A_663 [1] : vector<128x4096xf32> to vector<128xf32>
    %broadcast_in_dim3A_665 = vector.shape_cast %reduce_sum3A_664 : vector<128xf32> to vector<128x1xf32>
    %convert_element_type3A_666 = arith.fptosi %broadcast_in_dim3A_665 : vector<128x1xf32> to vector<128x1xi32>
    %eq3A_667 = arith.constant 25 : i32
    %eq3A_668 = vector.broadcast %eq3A_667 : i32 to vector<1x32xi32>
    %eq3A_669 = arith.cmpi eq, %iota3A_58, %eq3A_668 : vector<1x32xi32>
    %jit3A_670 = arith.constant 0 : i32
    %broadcast_in_dim3A_671 = vector.shape_cast %eq3A_669 : vector<1x32xi1> to vector<1x32xi1>
    %broadcast_in_dim3A_672 = vector.broadcast %broadcast_in_dim3A_671 : vector<1x32xi1> to vector<128x32xi1>
    %broadcast_in_dim3A_673 = vector.shape_cast %convert_element_type3A_666 : vector<128x1xi32> to vector<128x1xi32>
    %broadcast_in_dim3A_674 = vector.broadcast %broadcast_in_dim3A_673 : vector<128x1xi32> to vector<128x32xi32>
    %broadcast_in_dim3A_675 = vector.broadcast %jit3A_670 : i32 to vector<128x32xi32>
    %select_n3A_676 = arith.select %broadcast_in_dim3A_672, %broadcast_in_dim3A_674, %broadcast_in_dim3A_675 : vector<128x32xi1>, vector<128x32xi32>
    %add3A_677 = arith.addi %add3A_654, %select_n3A_676 : vector<128x32xi32>
    %le3A_678 = arith.constant 2.600000e+01 : f32
    %le3A_679 = vector.broadcast %le3A_678 : f32 to vector<128x4096xf32>
    %le3A_680 = arith.cmpf ole, %reshape3A_78, %le3A_679 : vector<128x4096xf32>
    %jit3A_681 = arith.constant 1.000000e+00 : f32
    %jit3A_682 = arith.constant 0.000000e+00 : f32
    %broadcast_in_dim3A_683 = vector.broadcast %jit3A_681 : f32 to vector<128x4096xf32>
    %broadcast_in_dim3A_684 = vector.broadcast %jit3A_682 : f32 to vector<128x4096xf32>
    %select_n3A_685 = arith.select %le3A_680, %broadcast_in_dim3A_683, %broadcast_in_dim3A_684 : vector<128x4096xi1>, vector<128x4096xf32>
    %reduce_sum3A_686 = arith.constant dense<0.000000e+00> : vector<128xf32>
    %reduce_sum3A_687 = vector.multi_reduction <add>, %select_n3A_685, %reduce_sum3A_686 [1] : vector<128x4096xf32> to vector<128xf32>
    %broadcast_in_dim3A_688 = vector.shape_cast %reduce_sum3A_687 : vector<128xf32> to vector<128x1xf32>
    %convert_element_type3A_689 = arith.fptosi %broadcast_in_dim3A_688 : vector<128x1xf32> to vector<128x1xi32>
    %eq3A_690 = arith.constant 26 : i32
    %eq3A_691 = vector.broadcast %eq3A_690 : i32 to vector<1x32xi32>
    %eq3A_692 = arith.cmpi eq, %iota3A_58, %eq3A_691 : vector<1x32xi32>
    %jit3A_693 = arith.constant 0 : i32
    %broadcast_in_dim3A_694 = vector.shape_cast %eq3A_692 : vector<1x32xi1> to vector<1x32xi1>
    %broadcast_in_dim3A_695 = vector.broadcast %broadcast_in_dim3A_694 : vector<1x32xi1> to vector<128x32xi1>
    %broadcast_in_dim3A_696 = vector.shape_cast %convert_element_type3A_689 : vector<128x1xi32> to vector<128x1xi32>
    %broadcast_in_dim3A_697 = vector.broadcast %broadcast_in_dim3A_696 : vector<128x1xi32> to vector<128x32xi32>
    %broadcast_in_dim3A_698 = vector.broadcast %jit3A_693 : i32 to vector<128x32xi32>
    %select_n3A_699 = arith.select %broadcast_in_dim3A_695, %broadcast_in_dim3A_697, %broadcast_in_dim3A_698 : vector<128x32xi1>, vector<128x32xi32>
    %add3A_700 = arith.addi %add3A_677, %select_n3A_699 : vector<128x32xi32>
    %le3A_701 = arith.constant 2.700000e+01 : f32
    %le3A_702 = vector.broadcast %le3A_701 : f32 to vector<128x4096xf32>
    %le3A_703 = arith.cmpf ole, %reshape3A_78, %le3A_702 : vector<128x4096xf32>
    %jit3A_704 = arith.constant 1.000000e+00 : f32
    %jit3A_705 = arith.constant 0.000000e+00 : f32
    %broadcast_in_dim3A_706 = vector.broadcast %jit3A_704 : f32 to vector<128x4096xf32>
    %broadcast_in_dim3A_707 = vector.broadcast %jit3A_705 : f32 to vector<128x4096xf32>
    %select_n3A_708 = arith.select %le3A_703, %broadcast_in_dim3A_706, %broadcast_in_dim3A_707 : vector<128x4096xi1>, vector<128x4096xf32>
    %reduce_sum3A_709 = arith.constant dense<0.000000e+00> : vector<128xf32>
    %reduce_sum3A_710 = vector.multi_reduction <add>, %select_n3A_708, %reduce_sum3A_709 [1] : vector<128x4096xf32> to vector<128xf32>
    %broadcast_in_dim3A_711 = vector.shape_cast %reduce_sum3A_710 : vector<128xf32> to vector<128x1xf32>
    %convert_element_type3A_712 = arith.fptosi %broadcast_in_dim3A_711 : vector<128x1xf32> to vector<128x1xi32>
    %eq3A_713 = arith.constant 27 : i32
    %eq3A_714 = vector.broadcast %eq3A_713 : i32 to vector<1x32xi32>
    %eq3A_715 = arith.cmpi eq, %iota3A_58, %eq3A_714 : vector<1x32xi32>
    %jit3A_716 = arith.constant 0 : i32
    %broadcast_in_dim3A_717 = vector.shape_cast %eq3A_715 : vector<1x32xi1> to vector<1x32xi1>
    %broadcast_in_dim3A_718 = vector.broadcast %broadcast_in_dim3A_717 : vector<1x32xi1> to vector<128x32xi1>
    %broadcast_in_dim3A_719 = vector.shape_cast %convert_element_type3A_712 : vector<128x1xi32> to vector<128x1xi32>
    %broadcast_in_dim3A_720 = vector.broadcast %broadcast_in_dim3A_719 : vector<128x1xi32> to vector<128x32xi32>
    %broadcast_in_dim3A_721 = vector.broadcast %jit3A_716 : i32 to vector<128x32xi32>
    %select_n3A_722 = arith.select %broadcast_in_dim3A_718, %broadcast_in_dim3A_720, %broadcast_in_dim3A_721 : vector<128x32xi1>, vector<128x32xi32>
    %add3A_723 = arith.addi %add3A_700, %select_n3A_722 : vector<128x32xi32>
    %le3A_724 = arith.constant 2.800000e+01 : f32
    %le3A_725 = vector.broadcast %le3A_724 : f32 to vector<128x4096xf32>
    %le3A_726 = arith.cmpf ole, %reshape3A_78, %le3A_725 : vector<128x4096xf32>
    %jit3A_727 = arith.constant 1.000000e+00 : f32
    %jit3A_728 = arith.constant 0.000000e+00 : f32
    %broadcast_in_dim3A_729 = vector.broadcast %jit3A_727 : f32 to vector<128x4096xf32>
    %broadcast_in_dim3A_730 = vector.broadcast %jit3A_728 : f32 to vector<128x4096xf32>
    %select_n3A_731 = arith.select %le3A_726, %broadcast_in_dim3A_729, %broadcast_in_dim3A_730 : vector<128x4096xi1>, vector<128x4096xf32>
    %reduce_sum3A_732 = arith.constant dense<0.000000e+00> : vector<128xf32>
    %reduce_sum3A_733 = vector.multi_reduction <add>, %select_n3A_731, %reduce_sum3A_732 [1] : vector<128x4096xf32> to vector<128xf32>
    %broadcast_in_dim3A_734 = vector.shape_cast %reduce_sum3A_733 : vector<128xf32> to vector<128x1xf32>
    %convert_element_type3A_735 = arith.fptosi %broadcast_in_dim3A_734 : vector<128x1xf32> to vector<128x1xi32>
    %eq3A_736 = arith.constant 28 : i32
    %eq3A_737 = vector.broadcast %eq3A_736 : i32 to vector<1x32xi32>
    %eq3A_738 = arith.cmpi eq, %iota3A_58, %eq3A_737 : vector<1x32xi32>
    %jit3A_739 = arith.constant 0 : i32
    %broadcast_in_dim3A_740 = vector.shape_cast %eq3A_738 : vector<1x32xi1> to vector<1x32xi1>
    %broadcast_in_dim3A_741 = vector.broadcast %broadcast_in_dim3A_740 : vector<1x32xi1> to vector<128x32xi1>
    %broadcast_in_dim3A_742 = vector.shape_cast %convert_element_type3A_735 : vector<128x1xi32> to vector<128x1xi32>
    %broadcast_in_dim3A_743 = vector.broadcast %broadcast_in_dim3A_742 : vector<128x1xi32> to vector<128x32xi32>
    %broadcast_in_dim3A_744 = vector.broadcast %jit3A_739 : i32 to vector<128x32xi32>
    %select_n3A_745 = arith.select %broadcast_in_dim3A_741, %broadcast_in_dim3A_743, %broadcast_in_dim3A_744 : vector<128x32xi1>, vector<128x32xi32>
    %add3A_746 = arith.addi %add3A_723, %select_n3A_745 : vector<128x32xi32>
    %le3A_747 = arith.constant 2.900000e+01 : f32
    %le3A_748 = vector.broadcast %le3A_747 : f32 to vector<128x4096xf32>
    %le3A_749 = arith.cmpf ole, %reshape3A_78, %le3A_748 : vector<128x4096xf32>
    %jit3A_750 = arith.constant 1.000000e+00 : f32
    %jit3A_751 = arith.constant 0.000000e+00 : f32
    %broadcast_in_dim3A_752 = vector.broadcast %jit3A_750 : f32 to vector<128x4096xf32>
    %broadcast_in_dim3A_753 = vector.broadcast %jit3A_751 : f32 to vector<128x4096xf32>
    %select_n3A_754 = arith.select %le3A_749, %broadcast_in_dim3A_752, %broadcast_in_dim3A_753 : vector<128x4096xi1>, vector<128x4096xf32>
    %reduce_sum3A_755 = arith.constant dense<0.000000e+00> : vector<128xf32>
    %reduce_sum3A_756 = vector.multi_reduction <add>, %select_n3A_754, %reduce_sum3A_755 [1] : vector<128x4096xf32> to vector<128xf32>
    %broadcast_in_dim3A_757 = vector.shape_cast %reduce_sum3A_756 : vector<128xf32> to vector<128x1xf32>
    %convert_element_type3A_758 = arith.fptosi %broadcast_in_dim3A_757 : vector<128x1xf32> to vector<128x1xi32>
    %eq3A_759 = arith.constant 29 : i32
    %eq3A_760 = vector.broadcast %eq3A_759 : i32 to vector<1x32xi32>
    %eq3A_761 = arith.cmpi eq, %iota3A_58, %eq3A_760 : vector<1x32xi32>
    %jit3A_762 = arith.constant 0 : i32
    %broadcast_in_dim3A_763 = vector.shape_cast %eq3A_761 : vector<1x32xi1> to vector<1x32xi1>
    %broadcast_in_dim3A_764 = vector.broadcast %broadcast_in_dim3A_763 : vector<1x32xi1> to vector<128x32xi1>
    %broadcast_in_dim3A_765 = vector.shape_cast %convert_element_type3A_758 : vector<128x1xi32> to vector<128x1xi32>
    %broadcast_in_dim3A_766 = vector.broadcast %broadcast_in_dim3A_765 : vector<128x1xi32> to vector<128x32xi32>
    %broadcast_in_dim3A_767 = vector.broadcast %jit3A_762 : i32 to vector<128x32xi32>
    %select_n3A_768 = arith.select %broadcast_in_dim3A_764, %broadcast_in_dim3A_766, %broadcast_in_dim3A_767 : vector<128x32xi1>, vector<128x32xi32>
    %add3A_769 = arith.addi %add3A_746, %select_n3A_768 : vector<128x32xi32>
    %le3A_770 = arith.constant 3.000000e+01 : f32
    %le3A_771 = vector.broadcast %le3A_770 : f32 to vector<128x4096xf32>
    %le3A_772 = arith.cmpf ole, %reshape3A_78, %le3A_771 : vector<128x4096xf32>
    %jit3A_773 = arith.constant 1.000000e+00 : f32
    %jit3A_774 = arith.constant 0.000000e+00 : f32
    %broadcast_in_dim3A_775 = vector.broadcast %jit3A_773 : f32 to vector<128x4096xf32>
    %broadcast_in_dim3A_776 = vector.broadcast %jit3A_774 : f32 to vector<128x4096xf32>
    %select_n3A_777 = arith.select %le3A_772, %broadcast_in_dim3A_775, %broadcast_in_dim3A_776 : vector<128x4096xi1>, vector<128x4096xf32>
    %reduce_sum3A_778 = arith.constant dense<0.000000e+00> : vector<128xf32>
    %reduce_sum3A_779 = vector.multi_reduction <add>, %select_n3A_777, %reduce_sum3A_778 [1] : vector<128x4096xf32> to vector<128xf32>
    %broadcast_in_dim3A_780 = vector.shape_cast %reduce_sum3A_779 : vector<128xf32> to vector<128x1xf32>
    %convert_element_type3A_781 = arith.fptosi %broadcast_in_dim3A_780 : vector<128x1xf32> to vector<128x1xi32>
    %eq3A_782 = arith.constant 30 : i32
    %eq3A_783 = vector.broadcast %eq3A_782 : i32 to vector<1x32xi32>
    %eq3A_784 = arith.cmpi eq, %iota3A_58, %eq3A_783 : vector<1x32xi32>
    %jit3A_785 = arith.constant 0 : i32
    %broadcast_in_dim3A_786 = vector.shape_cast %eq3A_784 : vector<1x32xi1> to vector<1x32xi1>
    %broadcast_in_dim3A_787 = vector.broadcast %broadcast_in_dim3A_786 : vector<1x32xi1> to vector<128x32xi1>
    %broadcast_in_dim3A_788 = vector.shape_cast %convert_element_type3A_781 : vector<128x1xi32> to vector<128x1xi32>
    %broadcast_in_dim3A_789 = vector.broadcast %broadcast_in_dim3A_788 : vector<128x1xi32> to vector<128x32xi32>
    %broadcast_in_dim3A_790 = vector.broadcast %jit3A_785 : i32 to vector<128x32xi32>
    %select_n3A_791 = arith.select %broadcast_in_dim3A_787, %broadcast_in_dim3A_789, %broadcast_in_dim3A_790 : vector<128x32xi1>, vector<128x32xi32>
    %add3A_792 = arith.addi %add3A_769, %select_n3A_791 : vector<128x32xi32>
    %le3A_793 = arith.constant 3.100000e+01 : f32
    %le3A_794 = vector.broadcast %le3A_793 : f32 to vector<128x4096xf32>
    %le3A_795 = arith.cmpf ole, %reshape3A_78, %le3A_794 : vector<128x4096xf32>
    %jit3A_796 = arith.constant 1.000000e+00 : f32
    %jit3A_797 = arith.constant 0.000000e+00 : f32
    %broadcast_in_dim3A_798 = vector.broadcast %jit3A_796 : f32 to vector<128x4096xf32>
    %broadcast_in_dim3A_799 = vector.broadcast %jit3A_797 : f32 to vector<128x4096xf32>
    %select_n3A_800 = arith.select %le3A_795, %broadcast_in_dim3A_798, %broadcast_in_dim3A_799 : vector<128x4096xi1>, vector<128x4096xf32>
    %reduce_sum3A_801 = arith.constant dense<0.000000e+00> : vector<128xf32>
    %reduce_sum3A_802 = vector.multi_reduction <add>, %select_n3A_800, %reduce_sum3A_801 [1] : vector<128x4096xf32> to vector<128xf32>
    %broadcast_in_dim3A_803 = vector.shape_cast %reduce_sum3A_802 : vector<128xf32> to vector<128x1xf32>
    %convert_element_type3A_804 = arith.fptosi %broadcast_in_dim3A_803 : vector<128x1xf32> to vector<128x1xi32>
    %eq3A_805 = arith.constant 31 : i32
    %eq3A_806 = vector.broadcast %eq3A_805 : i32 to vector<1x32xi32>
    %eq3A_807 = arith.cmpi eq, %iota3A_58, %eq3A_806 : vector<1x32xi32>
    %jit3A_808 = arith.constant 0 : i32
    %broadcast_in_dim3A_809 = vector.shape_cast %eq3A_807 : vector<1x32xi1> to vector<1x32xi1>
    %broadcast_in_dim3A_810 = vector.broadcast %broadcast_in_dim3A_809 : vector<1x32xi1> to vector<128x32xi1>
    %broadcast_in_dim3A_811 = vector.shape_cast %convert_element_type3A_804 : vector<128x1xi32> to vector<128x1xi32>
    %broadcast_in_dim3A_812 = vector.broadcast %broadcast_in_dim3A_811 : vector<128x1xi32> to vector<128x32xi32>
    %broadcast_in_dim3A_813 = vector.broadcast %jit3A_808 : i32 to vector<128x32xi32>
    %select_n3A_814 = arith.select %broadcast_in_dim3A_810, %broadcast_in_dim3A_812, %broadcast_in_dim3A_813 : vector<128x32xi1>, vector<128x32xi32>
    %add3A_815 = arith.addi %add3A_792, %select_n3A_814 : vector<128x32xi32>
    %lt3A_816 = arith.constant 4096 : i32
    %lt3A_817 = vector.broadcast %lt3A_816 : i32 to vector<128x32xi32>
    %lt3A_818 = arith.cmpi slt, %add3A_815, %lt3A_817 : vector<128x32xi32>
    %slice3A_819 = vector.extract_strided_slice %lt3A_818 {offsets = [0, 0], sizes = [128, 1], strides = [1, 1]} : vector<128x32xi1> to vector<128x1xi1>
    %slice3A_820 = vector.extract_strided_slice %add3A_815 {offsets = [0, 0], sizes = [128, 1], strides = [1, 1]} : vector<128x32xi32> to vector<128x1xi32>
    %jit3A_821 = arith.constant 0 : i32
    %broadcast_in_dim3A_822 = vector.broadcast %jit3A_821 : i32 to vector<128x1xi32>
    %select_n3A_823 = arith.select %slice3A_819, %slice3A_820, %broadcast_in_dim3A_822 : vector<128x1xi1>, vector<128x1xi32>
    %broadcast_in_dim3A_824 = vector.shape_cast %select_n3A_823 : vector<128x1xi32> to vector<128x1xi32>
    %broadcast_in_dim3A_825 = vector.broadcast %broadcast_in_dim3A_824 : vector<128x1xi32> to vector<128x32xi32>
    %select_n3A_826 = arith.select %lt3A_818, %add3A_815, %broadcast_in_dim3A_825 : vector<128x32xi1>, vector<128x32xi32>
    %mul3A_827 = arith.constant 4096 : i32
    %mul3A_828 = arith.muli %arg0, %mul3A_827 : i32
    %add3A_829 = vector.broadcast %mul3A_828 : i32 to vector<128x32xi32>
    %add3A_830 = arith.addi %select_n3A_826, %add3A_829 : vector<128x32xi32>
    %swap3A_831 = arith.constant 0 : index
    %swap3A_832 = arith.constant 0 : index
    %swap3A_833 = arith.constant 0 : index
    %swap3A_834 = vector.load %arg5[%swap3A_831, %swap3A_832, %swap3A_833] : memref<1x128x32xi32, #tpu.memory_space<vmem>>, vector<1x128x32xi32>
    %swap3A_835 = vector.shape_cast %swap3A_834 : vector<1x128x32xi32> to vector<128x32xi32>
    %swap3A_836 = vector.shape_cast %add3A_830 : vector<128x32xi32> to vector<1x128x32xi32>
    tpu.vector_store %arg5[%swap3A_831, %swap3A_832, %swap3A_833], %swap3A_836 {strides = array<i32>} : memref<1x128x32xi32, #tpu.memory_space<vmem>>, vector<1x128x32xi32>,
    %convert_element_type3A_837 = arith.extui %lt3A_818 : vector<128x32xi1> to vector<128x32xi32>
    %convert_element_type3A_838 = arith.sitofp %convert_element_type3A_837 : vector<128x32xi32> to vector<128x32xf32>
    %swap3A_839 = arith.constant 0 : index
    %swap3A_840 = arith.constant 0 : index
    %swap3A_841 = arith.constant 0 : index
    %swap3A_842 = vector.load %arg6[%swap3A_839, %swap3A_840, %swap3A_841] : memref<1x128x32xf32, #tpu.memory_space<vmem>>, vector<1x128x32xf32>
    %swap3A_843 = vector.shape_cast %swap3A_842 : vector<1x128x32xf32> to vector<128x32xf32>
    %swap3A_844 = vector.shape_cast %convert_element_type3A_838 : vector<128x32xf32> to vector<1x128x32xf32>
    tpu.vector_store %arg6[%swap3A_839, %swap3A_840, %swap3A_841], %swap3A_844 {strides = array<i32>} : memref<1x128x32xf32, #tpu.memory_space<vmem>>, vector<1x128x32xf32>,
    return
  }
  func.func @transform_0(%arg0: i32, %arg1: i32) -> (i32, i32, i32) {
    %c0_i32 = arith.constant 0 : i32
    %c0_i32_0 = arith.constant 0 : i32
    return %arg0, %arg1, %c0_i32 : i32, i32, i32
  }
  func.func @transform_1(%arg0: i32, %arg1: i32) -> (i32, i32, i32) {
    %c0_i32 = arith.constant 0 : i32
    %c0_i32_0 = arith.constant 0 : i32
    %c0_i32_1 = arith.constant 0 : i32
    return %arg0, %c0_i32, %c0_i32_0 : i32, i32, i32
  }
  func.func @transform_2(%arg0: i32, %arg1: i32) -> (i32, i32, i32) {
    %c0_i32 = arith.constant 0 : i32
    %c0_i32_0 = arith.constant 0 : i32
    %c0_i32_1 = arith.constant 0 : i32
    return %arg0, %c0_i32, %c0_i32_0 : i32, i32, i32
  }
  func.func @transform_3(%arg0: i32, %arg1: i32) -> (i32, i32, i32) {
    %c0_i32 = arith.constant 0 : i32
    %c0_i32_0 = arith.constant 0 : i32
    return %arg0, %arg1, %c0_i32 : i32, i32, i32
  }
  func.func @transform_4(%arg0: i32, %arg1: i32) -> (i32, i32, i32) {
    %c0_i32 = arith.constant 0 : i32
    %c0_i32_0 = arith.constant 0 : i32
    return %arg0, %arg1, %c0_i32 : i32, i32, i32
  }
  func.func @transform_5(%arg0: i32, %arg1: i32) -> (i32, i32, i32) {
    %c0_i32 = arith.constant 0 : i32
    %c0_i32_0 = arith.constant 0 : i32
    return %arg0, %arg1, %c0_i32 : i32, i32, i32
  }
}

module attributes {stable_mosaic.version = 14 : i64} {
  func.func @_p3a_body(%arg0: i32, %arg1: i32, %arg2: memref<1x128x32x128xf32, #tpu.memory_space<vmem>>, %arg3: memref<1x128x3xf32, #tpu.memory_space<vmem>>, %arg4: memref<3x64xf32, #tpu.memory_space<vmem>>, %arg5: memref<1x64xf32, #tpu.memory_space<vmem>>, %arg6: memref<1x1x2x64xf32, #tpu.memory_space<vmem>>) attributes {dimension_semantics = [#tpu.dimension_semantics<arbitrary>, #tpu.dimension_semantics<arbitrary>], iteration_bounds = array<i64: 2, 32>, scalar_prefetch = 0 : i64, scratch_operands = 0 : i64, tpu.core_type = #tpu.core_type<tc>, window_params = [{transform_indices = @transform_0, window_bounds = array<i64: 1, 128, 32, 128>}, {transform_indices = @transform_1, window_bounds = array<i64: 1, 128, 3>}, {pipeline_mode = #tpu.pipeline_mode<synchronous>, transform_indices = @transform_2, window_bounds = array<i64: 3, 64>}, {pipeline_mode = #tpu.pipeline_mode<synchronous>, transform_indices = @transform_3, window_bounds = array<i64: 1, 64>}, {transform_indices = @transform_4, window_bounds = array<i64: 1, 1, 2, 64>}]} {
    %get3A = arith.constant 0 : index
    %get3A_0 = arith.constant 0 : index
    %get3A_1 = arith.constant 0 : index
    %get3A_2 = arith.constant 0 : index
    %get3A_3 = vector.load %arg2[%get3A, %get3A_0, %get3A_1, %get3A_2] : memref<1x128x32x128xf32, #tpu.memory_space<vmem>>, vector<1x128x32x128xf32>
    %get3A_4 = vector.shape_cast %get3A_3 : vector<1x128x32x128xf32> to vector<128x32x128xf32>
    %get3A_5 = arith.constant 0 : index
    %get3A_6 = arith.constant 0 : index
    %get3A_7 = arith.constant 0 : index
    %get3A_8 = vector.load %arg3[%get3A_5, %get3A_6, %get3A_7] : memref<1x128x3xf32, #tpu.memory_space<vmem>>, vector<1x128x3xf32>
    %get3A_9 = vector.shape_cast %get3A_8 : vector<1x128x3xf32> to vector<128x3xf32>
    %slice3A = vector.extract_strided_slice %get3A_4 {offsets = [0, 0, 64], sizes = [128, 32, 3], strides = [1, 1, 1]} : vector<128x32x128xf32> to vector<128x32x3xf32>
    %broadcast_in_dim3A = vector.shape_cast %get3A_9 : vector<128x3xf32> to vector<128x1x3xf32>
    %sub3A = vector.broadcast %broadcast_in_dim3A : vector<128x1x3xf32> to vector<128x32x3xf32>
    %sub3A_10 = arith.subf %slice3A, %sub3A : vector<128x32x3xf32>
    %div3A = arith.constant 2.000000e-01 : f32
    %div3A_11 = vector.broadcast %div3A : f32 to vector<128x32x3xf32>
    %div3A_12 = arith.divf %sub3A_10, %div3A_11 : vector<128x32x3xf32>
    %reshape3A = vector.shape_cast %div3A_12 : vector<128x32x3xf32> to vector<4096x3xf32>
    %get3A_13 = arith.constant 0 : index
    %get3A_14 = arith.constant 0 : index
    %get3A_15 = vector.load %arg4[%get3A_13, %get3A_14] : memref<3x64xf32, #tpu.memory_space<vmem>>, vector<3x64xf32>
    %dot_general3A = arith.constant dense<0.000000e+00> : vector<4096x64xf32>
    %dot_general3A_16 = tpu.matmul %reshape3A, %get3A_15, %dot_general3A {dimension_numbers = #tpu.dot_dimension_numbers<[1], [0], [0], [1], [0, 0, 1, 1], [], []>, transpose_lhs_hint = false} : vector<4096x3xf32>, vector<3x64xf32>, vector<4096x64xf32> -> vector<4096x64xf32>
    %get3A_17 = arith.constant 0 : index
    %get3A_18 = arith.constant 0 : index
    %get3A_19 = vector.load %arg5[%get3A_17, %get3A_18] : memref<1x64xf32, #tpu.memory_space<vmem>>, vector<1x64xf32>
    %add3A = vector.broadcast %get3A_19 : vector<1x64xf32> to vector<4096x64xf32>
    %add3A_20 = arith.addf %dot_general3A_16, %add3A : vector<4096x64xf32>
    %reduce_sum3A = arith.constant dense<0.000000e+00> : vector<64xf32>
    %reduce_sum3A_21 = vector.multi_reduction <add>, %add3A_20, %reduce_sum3A [0] : vector<4096x64xf32> to vector<64xf32>
    %broadcast_in_dim3A_22 = vector.shape_cast %reduce_sum3A_21 : vector<64xf32> to vector<1x64xf32>
    %mul3A = arith.mulf %add3A_20, %add3A_20 : vector<4096x64xf32>
    %reduce_sum3A_23 = arith.constant dense<0.000000e+00> : vector<64xf32>
    %reduce_sum3A_24 = vector.multi_reduction <add>, %mul3A, %reduce_sum3A_23 [0] : vector<4096x64xf32> to vector<64xf32>
    %broadcast_in_dim3A_25 = vector.shape_cast %reduce_sum3A_24 : vector<64xf32> to vector<1x64xf32>
    %concatenate3A = tpu.concatenate %broadcast_in_dim3A_22, %broadcast_in_dim3A_25 in 0 : vector<1x64xf32>, vector<1x64xf32> -> vector<2x64xf32>
    %swap3A = arith.constant 0 : index
    %swap3A_26 = arith.constant 0 : index
    %swap3A_27 = arith.constant 0 : index
    %swap3A_28 = arith.constant 0 : index
    %swap3A_29 = vector.load %arg6[%swap3A, %swap3A_26, %swap3A_27, %swap3A_28] : memref<1x1x2x64xf32, #tpu.memory_space<vmem>>, vector<1x1x2x64xf32>
    %swap3A_30 = vector.shape_cast %swap3A_29 : vector<1x1x2x64xf32> to vector<2x64xf32>
    %swap3A_31 = vector.shape_cast %concatenate3A : vector<2x64xf32> to vector<1x1x2x64xf32>
    tpu.vector_store %arg6[%swap3A, %swap3A_26, %swap3A_27, %swap3A_28], %swap3A_31 {strides = array<i32>} : memref<1x1x2x64xf32, #tpu.memory_space<vmem>>, vector<1x1x2x64xf32>,
    return
  }
  func.func @transform_0(%arg0: i32, %arg1: i32) -> (i32, i32, i32, i32) {
    %c0_i32 = arith.constant 0 : i32
    %c0_i32_0 = arith.constant 0 : i32
    %c0_i32_1 = arith.constant 0 : i32
    return %arg0, %arg1, %c0_i32, %c0_i32_0 : i32, i32, i32, i32
  }
  func.func @transform_1(%arg0: i32, %arg1: i32) -> (i32, i32, i32) {
    %c0_i32 = arith.constant 0 : i32
    %c0_i32_0 = arith.constant 0 : i32
    return %arg0, %arg1, %c0_i32 : i32, i32, i32
  }
  func.func @transform_2(%arg0: i32, %arg1: i32) -> (i32, i32) {
    %c0_i32 = arith.constant 0 : i32
    %c0_i32_0 = arith.constant 0 : i32
    %c0_i32_1 = arith.constant 0 : i32
    return %c0_i32, %c0_i32_0 : i32, i32
  }
  func.func @transform_3(%arg0: i32, %arg1: i32) -> (i32, i32) {
    %c0_i32 = arith.constant 0 : i32
    %c0_i32_0 = arith.constant 0 : i32
    %c0_i32_1 = arith.constant 0 : i32
    return %c0_i32, %c0_i32_0 : i32, i32
  }
  func.func @transform_4(%arg0: i32, %arg1: i32) -> (i32, i32, i32, i32) {
    %c0_i32 = arith.constant 0 : i32
    %c0_i32_0 = arith.constant 0 : i32
    %c0_i32_1 = arith.constant 0 : i32
    return %arg0, %arg1, %c0_i32, %c0_i32_0 : i32, i32, i32, i32
  }
}

module attributes {stable_mosaic.version = 14 : i64} {
  func.func @_p3b_body(%arg0: i32, %arg1: i32, %arg2: memref<1x128x32x128xf32, #tpu.memory_space<vmem>>, %arg3: memref<1x128x128xf32, #tpu.memory_space<vmem>>, %arg4: memref<1x128x3xf32, #tpu.memory_space<vmem>>, %arg5: memref<3x64xf32, #tpu.memory_space<vmem>>, %arg6: memref<1x64xf32, #tpu.memory_space<vmem>>, %arg7: memref<64x64xf32, #tpu.memory_space<vmem>>, %arg8: memref<1x64xf32, #tpu.memory_space<vmem>>, %arg9: memref<64x64xf32, #tpu.memory_space<vmem>>, %arg10: memref<1x64xf32, #tpu.memory_space<vmem>>, %arg11: memref<64x64xf32, #tpu.memory_space<vmem>>, %arg12: memref<1x64xf32, #tpu.memory_space<vmem>>, %arg13: memref<1x1x2x64xf32, #tpu.memory_space<vmem>>) attributes {dimension_semantics = [#tpu.dimension_semantics<arbitrary>, #tpu.dimension_semantics<arbitrary>], iteration_bounds = array<i64: 2, 32>, scalar_prefetch = 0 : i64, scratch_operands = 0 : i64, tpu.core_type = #tpu.core_type<tc>, window_params = [{transform_indices = @transform_0, window_bounds = array<i64: 1, 128, 32, 128>}, {transform_indices = @transform_1, window_bounds = array<i64: 1, 128, 128>}, {transform_indices = @transform_2, window_bounds = array<i64: 1, 128, 3>}, {pipeline_mode = #tpu.pipeline_mode<synchronous>, transform_indices = @transform_3, window_bounds = array<i64: 3, 64>}, {pipeline_mode = #tpu.pipeline_mode<synchronous>, transform_indices = @transform_4, window_bounds = array<i64: 1, 64>}, {pipeline_mode = #tpu.pipeline_mode<synchronous>, transform_indices = @transform_5, window_bounds = array<i64: 64, 64>}, {pipeline_mode = #tpu.pipeline_mode<synchronous>, transform_indices = @transform_6, window_bounds = array<i64: 1, 64>}, {pipeline_mode = #tpu.pipeline_mode<synchronous>, transform_indices = @transform_7, window_bounds = array<i64: 64, 64>}, {pipeline_mode = #tpu.pipeline_mode<synchronous>, transform_indices = @transform_8, window_bounds = array<i64: 1, 64>}, {pipeline_mode = #tpu.pipeline_mode<synchronous>, transform_indices = @transform_9, window_bounds = array<i64: 64, 64>}, {pipeline_mode = #tpu.pipeline_mode<synchronous>, transform_indices = @transform_10, window_bounds = array<i64: 1, 64>}, {transform_indices = @transform_11, window_bounds = array<i64: 1, 1, 2, 64>}]} {
    %get3A = arith.constant 0 : index
    %get3A_0 = arith.constant 0 : index
    %get3A_1 = arith.constant 0 : index
    %get3A_2 = arith.constant 0 : index
    %get3A_3 = vector.load %arg2[%get3A, %get3A_0, %get3A_1, %get3A_2] : memref<1x128x32x128xf32, #tpu.memory_space<vmem>>, vector<1x128x32x128xf32>
    %get3A_4 = vector.shape_cast %get3A_3 : vector<1x128x32x128xf32> to vector<128x32x128xf32>
    %get3A_5 = arith.constant 0 : index
    %get3A_6 = arith.constant 0 : index
    %get3A_7 = arith.constant 0 : index
    %get3A_8 = vector.load %arg4[%get3A_5, %get3A_6, %get3A_7] : memref<1x128x3xf32, #tpu.memory_space<vmem>>, vector<1x128x3xf32>
    %get3A_9 = vector.shape_cast %get3A_8 : vector<1x128x3xf32> to vector<128x3xf32>
    %slice3A = vector.extract_strided_slice %get3A_4 {offsets = [0, 0, 64], sizes = [128, 32, 3], strides = [1, 1, 1]} : vector<128x32x128xf32> to vector<128x32x3xf32>
    %broadcast_in_dim3A = vector.shape_cast %get3A_9 : vector<128x3xf32> to vector<128x1x3xf32>
    %sub3A = vector.broadcast %broadcast_in_dim3A : vector<128x1x3xf32> to vector<128x32x3xf32>
    %sub3A_10 = arith.subf %slice3A, %sub3A : vector<128x32x3xf32>
    %div3A = arith.constant 2.000000e-01 : f32
    %div3A_11 = vector.broadcast %div3A : f32 to vector<128x32x3xf32>
    %div3A_12 = arith.divf %sub3A_10, %div3A_11 : vector<128x32x3xf32>
    %reshape3A = vector.shape_cast %div3A_12 : vector<128x32x3xf32> to vector<4096x3xf32>
    %get3A_13 = arith.constant 0 : index
    %get3A_14 = arith.constant 0 : index
    %get3A_15 = vector.load %arg5[%get3A_13, %get3A_14] : memref<3x64xf32, #tpu.memory_space<vmem>>, vector<3x64xf32>
    %dot_general3A = arith.constant dense<0.000000e+00> : vector<4096x64xf32>
    %dot_general3A_16 = tpu.matmul %reshape3A, %get3A_15, %dot_general3A {dimension_numbers = #tpu.dot_dimension_numbers<[1], [0], [0], [1], [0, 0, 1, 1], [], []>, transpose_lhs_hint = false} : vector<4096x3xf32>, vector<3x64xf32>, vector<4096x64xf32> -> vector<4096x64xf32>
    %get3A_17 = arith.constant 0 : index
    %get3A_18 = arith.constant 0 : index
    %get3A_19 = vector.load %arg6[%get3A_17, %get3A_18] : memref<1x64xf32, #tpu.memory_space<vmem>>, vector<1x64xf32>
    %add3A = vector.broadcast %get3A_19 : vector<1x64xf32> to vector<4096x64xf32>
    %add3A_20 = arith.addf %dot_general3A_16, %add3A : vector<4096x64xf32>
    %max3A = arith.constant 0.000000e+00 : f32
    %max3A_21 = vector.broadcast %max3A : f32 to vector<4096x64xf32>
    %max3A_22 = arith.maximumf %add3A_20, %max3A_21 : vector<4096x64xf32>
    %slice3A_23 = vector.extract_strided_slice %get3A_4 {offsets = [0, 0, 0], sizes = [128, 32, 64], strides = [1, 1, 1]} : vector<128x32x128xf32> to vector<128x32x64xf32>
    %reshape3A_24 = vector.shape_cast %slice3A_23 : vector<128x32x64xf32> to vector<4096x64xf32>
    %get3A_25 = arith.constant 0 : index
    %get3A_26 = arith.constant 0 : index
    %get3A_27 = vector.load %arg9[%get3A_25, %get3A_26] : memref<64x64xf32, #tpu.memory_space<vmem>>, vector<64x64xf32>
    %dot_general3A_28 = arith.constant dense<0.000000e+00> : vector<4096x64xf32>
    %dot_general3A_29 = tpu.matmul %reshape3A_24, %get3A_27, %dot_general3A_28 {dimension_numbers = #tpu.dot_dimension_numbers<[1], [0], [0], [1], [0, 0, 1, 1], [], []>, transpose_lhs_hint = false} : vector<4096x64xf32>, vector<64x64xf32>, vector<4096x64xf32> -> vector<4096x64xf32>
    %get3A_30 = arith.constant 0 : index
    %get3A_31 = arith.constant 0 : index
    %get3A_32 = vector.load %arg10[%get3A_30, %get3A_31] : memref<1x64xf32, #tpu.memory_space<vmem>>, vector<1x64xf32>
    %add3A_33 = vector.broadcast %get3A_32 : vector<1x64xf32> to vector<4096x64xf32>
    %add3A_34 = arith.addf %dot_general3A_29, %add3A_33 : vector<4096x64xf32>
    %get3A_35 = arith.constant 0 : index
    %get3A_36 = arith.constant 0 : index
    %get3A_37 = arith.constant 0 : index
    %get3A_38 = vector.load %arg3[%get3A_35, %get3A_36, %get3A_37] : memref<1x128x128xf32, #tpu.memory_space<vmem>>, vector<1x128x128xf32>
    %get3A_39 = vector.shape_cast %get3A_38 : vector<1x128x128xf32> to vector<128x128xf32>
    %slice3A_40 = vector.extract_strided_slice %get3A_39 {offsets = [0, 0], sizes = [128, 64], strides = [1, 1]} : vector<128x128xf32> to vector<128x64xf32>
    %get3A_41 = arith.constant 0 : index
    %get3A_42 = arith.constant 0 : index
    %get3A_43 = vector.load %arg7[%get3A_41, %get3A_42] : memref<64x64xf32, #tpu.memory_space<vmem>>, vector<64x64xf32>
    %dot_general3A_44 = arith.constant dense<0.000000e+00> : vector<128x64xf32>
    %dot_general3A_45 = tpu.matmul %slice3A_40, %get3A_43, %dot_general3A_44 {dimension_numbers = #tpu.dot_dimension_numbers<[1], [0], [0], [1], [0, 0, 1, 1], [], []>, transpose_lhs_hint = false} : vector<128x64xf32>, vector<64x64xf32>, vector<128x64xf32> -> vector<128x64xf32>
    %get3A_46 = arith.constant 0 : index
    %get3A_47 = arith.constant 0 : index
    %get3A_48 = vector.load %arg8[%get3A_46, %get3A_47] : memref<1x64xf32, #tpu.memory_space<vmem>>, vector<1x64xf32>
    %add3A_49 = vector.broadcast %get3A_48 : vector<1x64xf32> to vector<128x64xf32>
    %add3A_50 = arith.addf %dot_general3A_45, %add3A_49 : vector<128x64xf32>
    %broadcast_in_dim3A_51 = vector.shape_cast %add3A_50 : vector<128x64xf32> to vector<128x1x64xf32>
    %reshape3A_52 = vector.shape_cast %add3A_34 : vector<4096x64xf32> to vector<128x32x64xf32>
    %sub3A_53 = vector.broadcast %broadcast_in_dim3A_51 : vector<128x1x64xf32> to vector<128x32x64xf32>
    %sub3A_54 = arith.subf %sub3A_53, %reshape3A_52 : vector<128x32x64xf32>
    %reshape3A_55 = vector.shape_cast %max3A_22 : vector<4096x64xf32> to vector<128x32x64xf32>
    %add3A_56 = arith.addf %sub3A_54, %reshape3A_55 : vector<128x32x64xf32>
    %reshape3A_57 = vector.shape_cast %add3A_56 : vector<128x32x64xf32> to vector<4096x64xf32>
    %get3A_58 = arith.constant 0 : index
    %get3A_59 = arith.constant 0 : index
    %get3A_60 = vector.load %arg11[%get3A_58, %get3A_59] : memref<64x64xf32, #tpu.memory_space<vmem>>, vector<64x64xf32>
    %dot_general3A_61 = arith.constant dense<0.000000e+00> : vector<4096x64xf32>
    %dot_general3A_62 = tpu.matmul %reshape3A_57, %get3A_60, %dot_general3A_61 {dimension_numbers = #tpu.dot_dimension_numbers<[1], [0], [0], [1], [0, 0, 1, 1], [], []>, transpose_lhs_hint = false} : vector<4096x64xf32>, vector<64x64xf32>, vector<4096x64xf32> -> vector<4096x64xf32>
    %get3A_63 = arith.constant 0 : index
    %get3A_64 = arith.constant 0 : index
    %get3A_65 = vector.load %arg12[%get3A_63, %get3A_64] : memref<1x64xf32, #tpu.memory_space<vmem>>, vector<1x64xf32>
    %add3A_66 = vector.broadcast %get3A_65 : vector<1x64xf32> to vector<4096x64xf32>
    %add3A_67 = arith.addf %dot_general3A_62, %add3A_66 : vector<4096x64xf32>
    %reduce_sum3A = arith.constant dense<0.000000e+00> : vector<64xf32>
    %reduce_sum3A_68 = vector.multi_reduction <add>, %add3A_67, %reduce_sum3A [0] : vector<4096x64xf32> to vector<64xf32>
    %broadcast_in_dim3A_69 = vector.shape_cast %reduce_sum3A_68 : vector<64xf32> to vector<1x64xf32>
    %mul3A = arith.mulf %add3A_67, %add3A_67 : vector<4096x64xf32>
    %reduce_sum3A_70 = arith.constant dense<0.000000e+00> : vector<64xf32>
    %reduce_sum3A_71 = vector.multi_reduction <add>, %mul3A, %reduce_sum3A_70 [0] : vector<4096x64xf32> to vector<64xf32>
    %broadcast_in_dim3A_72 = vector.shape_cast %reduce_sum3A_71 : vector<64xf32> to vector<1x64xf32>
    %concatenate3A = tpu.concatenate %broadcast_in_dim3A_69, %broadcast_in_dim3A_72 in 0 : vector<1x64xf32>, vector<1x64xf32> -> vector<2x64xf32>
    %swap3A = arith.constant 0 : index
    %swap3A_73 = arith.constant 0 : index
    %swap3A_74 = arith.constant 0 : index
    %swap3A_75 = arith.constant 0 : index
    %swap3A_76 = vector.load %arg13[%swap3A, %swap3A_73, %swap3A_74, %swap3A_75] : memref<1x1x2x64xf32, #tpu.memory_space<vmem>>, vector<1x1x2x64xf32>
    %swap3A_77 = vector.shape_cast %swap3A_76 : vector<1x1x2x64xf32> to vector<2x64xf32>
    %swap3A_78 = vector.shape_cast %concatenate3A : vector<2x64xf32> to vector<1x1x2x64xf32>
    tpu.vector_store %arg13[%swap3A, %swap3A_73, %swap3A_74, %swap3A_75], %swap3A_78 {strides = array<i32>} : memref<1x1x2x64xf32, #tpu.memory_space<vmem>>, vector<1x1x2x64xf32>,
    return
  }
  func.func @transform_0(%arg0: i32, %arg1: i32) -> (i32, i32, i32, i32) {
    %c0_i32 = arith.constant 0 : i32
    %c0_i32_0 = arith.constant 0 : i32
    %c0_i32_1 = arith.constant 0 : i32
    return %arg0, %arg1, %c0_i32, %c0_i32_0 : i32, i32, i32, i32
  }
  func.func @transform_1(%arg0: i32, %arg1: i32) -> (i32, i32, i32) {
    %c0_i32 = arith.constant 0 : i32
    %c0_i32_0 = arith.constant 0 : i32
    return %arg0, %arg1, %c0_i32 : i32, i32, i32
  }
  func.func @transform_2(%arg0: i32, %arg1: i32) -> (i32, i32, i32) {
    %c0_i32 = arith.constant 0 : i32
    %c0_i32_0 = arith.constant 0 : i32
    return %arg0, %arg1, %c0_i32 : i32, i32, i32
  }
  func.func @transform_3(%arg0: i32, %arg1: i32) -> (i32, i32) {
    %c0_i32 = arith.constant 0 : i32
    %c0_i32_0 = arith.constant 0 : i32
    %c0_i32_1 = arith.constant 0 : i32
    return %c0_i32, %c0_i32_0 : i32, i32
  }
  func.func @transform_4(%arg0: i32, %arg1: i32) -> (i32, i32) {
    %c0_i32 = arith.constant 0 : i32
    %c0_i32_0 = arith.constant 0 : i32
    %c0_i32_1 = arith.constant 0 : i32
    return %c0_i32, %c0_i32_0 : i32, i32
  }
  func.func @transform_5(%arg0: i32, %arg1: i32) -> (i32, i32) {
    %c0_i32 = arith.constant 0 : i32
    %c0_i32_0 = arith.constant 0 : i32
    %c0_i32_1 = arith.constant 0 : i32
    return %c0_i32, %c0_i32_0 : i32, i32
  }
  func.func @transform_6(%arg0: i32, %arg1: i32) -> (i32, i32) {
    %c0_i32 = arith.constant 0 : i32
    %c0_i32_0 = arith.constant 0 : i32
    %c0_i32_1 = arith.constant 0 : i32
    return %c0_i32, %c0_i32_0 : i32, i32
  }
  func.func @transform_7(%arg0: i32, %arg1: i32) -> (i32, i32) {
    %c0_i32 = arith.constant 0 : i32
    %c0_i32_0 = arith.constant 0 : i32
    %c0_i32_1 = arith.constant 0 : i32
    return %c0_i32, %c0_i32_0 : i32, i32
  }
  func.func @transform_8(%arg0: i32, %arg1: i32) -> (i32, i32) {
    %c0_i32 = arith.constant 0 : i32
    %c0_i32_0 = arith.constant 0 : i32
    %c0_i32_1 = arith.constant 0 : i32
    return %c0_i32, %c0_i32_0 : i32, i32
  }
  func.func @transform_9(%arg0: i32, %arg1: i32) -> (i32, i32) {
    %c0_i32 = arith.constant 0 : i32
    %c0_i32_0 = arith.constant 0 : i32
    %c0_i32_1 = arith.constant 0 : i32
    return %c0_i32, %c0_i32_0 : i32, i32
  }
  func.func @transform_10(%arg0: i32, %arg1: i32) -> (i32, i32) {
    %c0_i32 = arith.constant 0 : i32
    %c0_i32_0 = arith.constant 0 : i32
    %c0_i32_1 = arith.constant 0 : i32
    return %c0_i32, %c0_i32_0 : i32, i32
  }
  func.func @transform_11(%arg0: i32, %arg1: i32) -> (i32, i32, i32, i32) {
    %c0_i32 = arith.constant 0 : i32
    %c0_i32_0 = arith.constant 0 : i32
    %c0_i32_1 = arith.constant 0 : i32
    return %arg0, %arg1, %c0_i32, %c0_i32_0 : i32, i32, i32, i32
  }
}

module attributes {stable_mosaic.version = 14 : i64} {
  func.func @_p3c_body(%arg0: i32, %arg1: i32, %arg2: memref<1x128x32x128xf32, #tpu.memory_space<vmem>>, %arg3: memref<1x128x128xf32, #tpu.memory_space<vmem>>, %arg4: memref<1x128x3xf32, #tpu.memory_space<vmem>>, %arg5: memref<1x128x1xf32, #tpu.memory_space<vmem>>, %arg6: memref<1x128x32xf32, #tpu.memory_space<vmem>>, %arg7: memref<3x64xf32, #tpu.memory_space<vmem>>, %arg8: memref<1x64xf32, #tpu.memory_space<vmem>>, %arg9: memref<64x64xf32, #tpu.memory_space<vmem>>, %arg10: memref<1x64xf32, #tpu.memory_space<vmem>>, %arg11: memref<64x64xf32, #tpu.memory_space<vmem>>, %arg12: memref<1x64xf32, #tpu.memory_space<vmem>>, %arg13: memref<64x64xf32, #tpu.memory_space<vmem>>, %arg14: memref<1x64xf32, #tpu.memory_space<vmem>>, %arg15: memref<64x64xf32, #tpu.memory_space<vmem>>, %arg16: memref<1x64xf32, #tpu.memory_space<vmem>>, %arg17: memref<1x128x64xf32, #tpu.memory_space<vmem>>) attributes {dimension_semantics = [#tpu.dimension_semantics<arbitrary>, #tpu.dimension_semantics<arbitrary>], iteration_bounds = array<i64: 2, 32>, scalar_prefetch = 0 : i64, scratch_operands = 0 : i64, tpu.core_type = #tpu.core_type<tc>, window_params = [{transform_indices = @transform_0, window_bounds = array<i64: 1, 128, 32, 128>}, {transform_indices = @transform_1, window_bounds = array<i64: 1, 128, 128>}, {transform_indices = @transform_2, window_bounds = array<i64: 1, 128, 3>}, {transform_indices = @transform_3, window_bounds = array<i64: 1, 128, 1>}, {transform_indices = @transform_4, window_bounds = array<i64: 1, 128, 32>}, {pipeline_mode = #tpu.pipeline_mode<synchronous>, transform_indices = @transform_5, window_bounds = array<i64: 3, 64>}, {pipeline_mode = #tpu.pipeline_mode<synchronous>, transform_indices = @transform_6, window_bounds = array<i64: 1, 64>}, {pipeline_mode = #tpu.pipeline_mode<synchronous>, transform_indices = @transform_7, window_bounds = array<i64: 64, 64>}, {pipeline_mode = #tpu.pipeline_mode<synchronous>, transform_indices = @transform_8, window_bounds = array<i64: 1, 64>}, {pipeline_mode = #tpu.pipeline_mode<synchronous>, transform_indices = @transform_9, window_bounds = array<i64: 64, 64>}, {pipeline_mode = #tpu.pipeline_mode<synchronous>, transform_indices = @transform_10, window_bounds = array<i64: 1, 64>}, {pipeline_mode = #tpu.pipeline_mode<synchronous>, transform_indices = @transform_11, window_bounds = array<i64: 64, 64>}, {pipeline_mode = #tpu.pipeline_mode<synchronous>, transform_indices = @transform_12, window_bounds = array<i64: 1, 64>}, {pipeline_mode = #tpu.pipeline_mode<synchronous>, transform_indices = @transform_13, window_bounds = array<i64: 64, 64>}, {pipeline_mode = #tpu.pipeline_mode<synchronous>, transform_indices = @transform_14, window_bounds = array<i64: 1, 64>}, {transform_indices = @transform_15, window_bounds = array<i64: 1, 128, 64>}]} {
    %get3A = arith.constant 0 : index
    %get3A_0 = arith.constant 0 : index
    %get3A_1 = arith.constant 0 : index
    %get3A_2 = arith.constant 0 : index
    %get3A_3 = vector.load %arg2[%get3A, %get3A_0, %get3A_1, %get3A_2] : memref<1x128x32x128xf32, #tpu.memory_space<vmem>>, vector<1x128x32x128xf32>
    %get3A_4 = vector.shape_cast %get3A_3 : vector<1x128x32x128xf32> to vector<128x32x128xf32>
    %get3A_5 = arith.constant 0 : index
    %get3A_6 = arith.constant 0 : index
    %get3A_7 = arith.constant 0 : index
    %get3A_8 = vector.load %arg4[%get3A_5, %get3A_6, %get3A_7] : memref<1x128x3xf32, #tpu.memory_space<vmem>>, vector<1x128x3xf32>
    %get3A_9 = vector.shape_cast %get3A_8 : vector<1x128x3xf32> to vector<128x3xf32>
    %slice3A = vector.extract_strided_slice %get3A_4 {offsets = [0, 0, 64], sizes = [128, 32, 3], strides = [1, 1, 1]} : vector<128x32x128xf32> to vector<128x32x3xf32>
    %broadcast_in_dim3A = vector.shape_cast %get3A_9 : vector<128x3xf32> to vector<128x1x3xf32>
    %sub3A = vector.broadcast %broadcast_in_dim3A : vector<128x1x3xf32> to vector<128x32x3xf32>
    %sub3A_10 = arith.subf %slice3A, %sub3A : vector<128x32x3xf32>
    %div3A = arith.constant 2.000000e-01 : f32
    %div3A_11 = vector.broadcast %div3A : f32 to vector<128x32x3xf32>
    %div3A_12 = arith.divf %sub3A_10, %div3A_11 : vector<128x32x3xf32>
    %reshape3A = vector.shape_cast %div3A_12 : vector<128x32x3xf32> to vector<4096x3xf32>
    %get3A_13 = arith.constant 0 : index
    %get3A_14 = arith.constant 0 : index
    %get3A_15 = vector.load %arg7[%get3A_13, %get3A_14] : memref<3x64xf32, #tpu.memory_space<vmem>>, vector<3x64xf32>
    %dot_general3A = arith.constant dense<0.000000e+00> : vector<4096x64xf32>
    %dot_general3A_16 = tpu.matmul %reshape3A, %get3A_15, %dot_general3A {dimension_numbers = #tpu.dot_dimension_numbers<[1], [0], [0], [1], [0, 0, 1, 1], [], []>, transpose_lhs_hint = false} : vector<4096x3xf32>, vector<3x64xf32>, vector<4096x64xf32> -> vector<4096x64xf32>
    %get3A_17 = arith.constant 0 : index
    %get3A_18 = arith.constant 0 : index
    %get3A_19 = vector.load %arg8[%get3A_17, %get3A_18] : memref<1x64xf32, #tpu.memory_space<vmem>>, vector<1x64xf32>
    %add3A = vector.broadcast %get3A_19 : vector<1x64xf32> to vector<4096x64xf32>
    %add3A_20 = arith.addf %dot_general3A_16, %add3A : vector<4096x64xf32>
    %max3A = arith.constant 0.000000e+00 : f32
    %max3A_21 = vector.broadcast %max3A : f32 to vector<4096x64xf32>
    %max3A_22 = arith.maximumf %add3A_20, %max3A_21 : vector<4096x64xf32>
    %slice3A_23 = vector.extract_strided_slice %get3A_4 {offsets = [0, 0, 0], sizes = [128, 32, 64], strides = [1, 1, 1]} : vector<128x32x128xf32> to vector<128x32x64xf32>
    %reshape3A_24 = vector.shape_cast %slice3A_23 : vector<128x32x64xf32> to vector<4096x64xf32>
    %get3A_25 = arith.constant 0 : index
    %get3A_26 = arith.constant 0 : index
    %get3A_27 = vector.load %arg11[%get3A_25, %get3A_26] : memref<64x64xf32, #tpu.memory_space<vmem>>, vector<64x64xf32>
    %dot_general3A_28 = arith.constant dense<0.000000e+00> : vector<4096x64xf32>
    %dot_general3A_29 = tpu.matmul %reshape3A_24, %get3A_27, %dot_general3A_28 {dimension_numbers = #tpu.dot_dimension_numbers<[1], [0], [0], [1], [0, 0, 1, 1], [], []>, transpose_lhs_hint = false} : vector<4096x64xf32>, vector<64x64xf32>, vector<4096x64xf32> -> vector<4096x64xf32>
    %get3A_30 = arith.constant 0 : index
    %get3A_31 = arith.constant 0 : index
    %get3A_32 = vector.load %arg12[%get3A_30, %get3A_31] : memref<1x64xf32, #tpu.memory_space<vmem>>, vector<1x64xf32>
    %add3A_33 = vector.broadcast %get3A_32 : vector<1x64xf32> to vector<4096x64xf32>
    %add3A_34 = arith.addf %dot_general3A_29, %add3A_33 : vector<4096x64xf32>
    %get3A_35 = arith.constant 0 : index
    %get3A_36 = arith.constant 0 : index
    %get3A_37 = arith.constant 0 : index
    %get3A_38 = vector.load %arg3[%get3A_35, %get3A_36, %get3A_37] : memref<1x128x128xf32, #tpu.memory_space<vmem>>, vector<1x128x128xf32>
    %get3A_39 = vector.shape_cast %get3A_38 : vector<1x128x128xf32> to vector<128x128xf32>
    %slice3A_40 = vector.extract_strided_slice %get3A_39 {offsets = [0, 0], sizes = [128, 64], strides = [1, 1]} : vector<128x128xf32> to vector<128x64xf32>
    %get3A_41 = arith.constant 0 : index
    %get3A_42 = arith.constant 0 : index
    %get3A_43 = vector.load %arg9[%get3A_41, %get3A_42] : memref<64x64xf32, #tpu.memory_space<vmem>>, vector<64x64xf32>
    %dot_general3A_44 = arith.constant dense<0.000000e+00> : vector<128x64xf32>
    %dot_general3A_45 = tpu.matmul %slice3A_40, %get3A_43, %dot_general3A_44 {dimension_numbers = #tpu.dot_dimension_numbers<[1], [0], [0], [1], [0, 0, 1, 1], [], []>, transpose_lhs_hint = false} : vector<128x64xf32>, vector<64x64xf32>, vector<128x64xf32> -> vector<128x64xf32>
    %get3A_46 = arith.constant 0 : index
    %get3A_47 = arith.constant 0 : index
    %get3A_48 = vector.load %arg10[%get3A_46, %get3A_47] : memref<1x64xf32, #tpu.memory_space<vmem>>, vector<1x64xf32>
    %add3A_49 = vector.broadcast %get3A_48 : vector<1x64xf32> to vector<128x64xf32>
    %add3A_50 = arith.addf %dot_general3A_45, %add3A_49 : vector<128x64xf32>
    %broadcast_in_dim3A_51 = vector.shape_cast %add3A_50 : vector<128x64xf32> to vector<128x1x64xf32>
    %reshape3A_52 = vector.shape_cast %add3A_34 : vector<4096x64xf32> to vector<128x32x64xf32>
    %sub3A_53 = vector.broadcast %broadcast_in_dim3A_51 : vector<128x1x64xf32> to vector<128x32x64xf32>
    %sub3A_54 = arith.subf %sub3A_53, %reshape3A_52 : vector<128x32x64xf32>
    %reshape3A_55 = vector.shape_cast %max3A_22 : vector<4096x64xf32> to vector<128x32x64xf32>
    %add3A_56 = arith.addf %sub3A_54, %reshape3A_55 : vector<128x32x64xf32>
    %reshape3A_57 = vector.shape_cast %add3A_56 : vector<128x32x64xf32> to vector<4096x64xf32>
    %get3A_58 = arith.constant 0 : index
    %get3A_59 = arith.constant 0 : index
    %get3A_60 = vector.load %arg13[%get3A_58, %get3A_59] : memref<64x64xf32, #tpu.memory_space<vmem>>, vector<64x64xf32>
    %dot_general3A_61 = arith.constant dense<0.000000e+00> : vector<4096x64xf32>
    %dot_general3A_62 = tpu.matmul %reshape3A_57, %get3A_60, %dot_general3A_61 {dimension_numbers = #tpu.dot_dimension_numbers<[1], [0], [0], [1], [0, 0, 1, 1], [], []>, transpose_lhs_hint = false} : vector<4096x64xf32>, vector<64x64xf32>, vector<4096x64xf32> -> vector<4096x64xf32>
    %get3A_63 = arith.constant 0 : index
    %get3A_64 = arith.constant 0 : index
    %get3A_65 = vector.load %arg14[%get3A_63, %get3A_64] : memref<1x64xf32, #tpu.memory_space<vmem>>, vector<1x64xf32>
    %add3A_66 = vector.broadcast %get3A_65 : vector<1x64xf32> to vector<4096x64xf32>
    %add3A_67 = arith.addf %dot_general3A_62, %add3A_66 : vector<4096x64xf32>
    %max3A_68 = arith.constant 0.000000e+00 : f32
    %max3A_69 = vector.broadcast %max3A_68 : f32 to vector<4096x64xf32>
    %max3A_70 = arith.maximumf %add3A_67, %max3A_69 : vector<4096x64xf32>
    %reshape3A_71 = vector.shape_cast %max3A_70 : vector<4096x64xf32> to vector<128x32x64xf32>
    %reduce_max3A = arith.constant dense<0xFF800000> : vector<128x64xf32>
    %reduce_max3A_72 = vector.multi_reduction <maximumf>, %reshape3A_71, %reduce_max3A [1] : vector<128x32x64xf32> to vector<128x64xf32>
    %broadcast_in_dim3A_73 = vector.shape_cast %reduce_max3A_72 : vector<128x64xf32> to vector<128x1x64xf32>
    %sub3A_74 = vector.broadcast %broadcast_in_dim3A_73 : vector<128x1x64xf32> to vector<128x32x64xf32>
    %sub3A_75 = arith.subf %reshape3A_71, %sub3A_74 : vector<128x32x64xf32>
    %exp3A = math.exp %sub3A_75 : vector<128x32x64xf32>
    %reduce_sum3A = arith.constant dense<0.000000e+00> : vector<128x64xf32>
    %reduce_sum3A_76 = vector.multi_reduction <add>, %exp3A, %reduce_sum3A [1] : vector<128x32x64xf32> to vector<128x64xf32>
    %broadcast_in_dim3A_77 = vector.shape_cast %reduce_sum3A_76 : vector<128x64xf32> to vector<128x1x64xf32>
    %div3A_78 = vector.broadcast %broadcast_in_dim3A_77 : vector<128x1x64xf32> to vector<128x32x64xf32>
    %div3A_79 = arith.divf %exp3A, %div3A_78 : vector<128x32x64xf32>
    %get3A_80 = arith.constant 0 : index
    %get3A_81 = arith.constant 0 : index
    %get3A_82 = vector.load %arg15[%get3A_80, %get3A_81] : memref<64x64xf32, #tpu.memory_space<vmem>>, vector<64x64xf32>
    %dot_general3A_83 = arith.constant dense<0.000000e+00> : vector<4096x64xf32>
    %dot_general3A_84 = tpu.matmul %reshape3A_24, %get3A_82, %dot_general3A_83 {dimension_numbers = #tpu.dot_dimension_numbers<[1], [0], [0], [1], [0, 0, 1, 1], [], []>, transpose_lhs_hint = false} : vector<4096x64xf32>, vector<64x64xf32>, vector<4096x64xf32> -> vector<4096x64xf32>
    %get3A_85 = arith.constant 0 : index
    %get3A_86 = arith.constant 0 : index
    %get3A_87 = vector.load %arg16[%get3A_85, %get3A_86] : memref<1x64xf32, #tpu.memory_space<vmem>>, vector<1x64xf32>
    %add3A_88 = vector.broadcast %get3A_87 : vector<1x64xf32> to vector<4096x64xf32>
    %add3A_89 = arith.addf %dot_general3A_84, %add3A_88 : vector<4096x64xf32>
    %add3A_90 = arith.addf %add3A_89, %max3A_22 : vector<4096x64xf32>
    %reshape3A_91 = vector.shape_cast %add3A_90 : vector<4096x64xf32> to vector<128x32x64xf32>
    %get3A_92 = arith.constant 0 : index
    %get3A_93 = arith.constant 0 : index
    %get3A_94 = arith.constant 0 : index
    %get3A_95 = vector.load %arg6[%get3A_92, %get3A_93, %get3A_94] : memref<1x128x32xf32, #tpu.memory_space<vmem>>, vector<1x128x32xf32>
    %get3A_96 = vector.shape_cast %get3A_95 : vector<1x128x32xf32> to vector<128x32xf32>
    %get3A_97 = arith.constant 0 : index
    %get3A_98 = arith.constant 0 : index
    %get3A_99 = arith.constant 0 : index
    %get3A_100 = vector.load %arg5[%get3A_97, %get3A_98, %get3A_99] : memref<1x128x1xf32, #tpu.memory_space<vmem>>, vector<1x128x1xf32>
    %get3A_101 = vector.shape_cast %get3A_100 : vector<1x128x1xf32> to vector<128x1xf32>
    %sub3A_102 = arith.constant 1.000000e+00 : f32
    %sub3A_103 = vector.broadcast %sub3A_102 : f32 to vector<128x1xf32>
    %sub3A_104 = arith.subf %sub3A_103, %get3A_101 : vector<128x1xf32>
    %add3A_105 = vector.broadcast %sub3A_104 : vector<128x1xf32> to vector<128x32xf32>
    %add3A_106 = arith.addf %get3A_96, %add3A_105 : vector<128x32xf32>
    %broadcast_in_dim3A_107 = vector.shape_cast %add3A_106 : vector<128x32xf32> to vector<128x32x1xf32>
    %mul3A = vector.broadcast %broadcast_in_dim3A_107 : vector<128x32x1xf32> to vector<128x32x64xf32>
    %mul3A_108 = arith.mulf %reshape3A_91, %mul3A : vector<128x32x64xf32>
    %mul3A_109 = arith.mulf %div3A_79, %mul3A_108 : vector<128x32x64xf32>
    %reduce_sum3A_110 = arith.constant dense<0.000000e+00> : vector<128x64xf32>
    %reduce_sum3A_111 = vector.multi_reduction <add>, %mul3A_109, %reduce_sum3A_110 [1] : vector<128x32x64xf32> to vector<128x64xf32>
    %swap3A = arith.constant 0 : index
    %swap3A_112 = arith.constant 0 : index
    %swap3A_113 = arith.constant 0 : index
    %swap3A_114 = vector.load %arg17[%swap3A, %swap3A_112, %swap3A_113] : memref<1x128x64xf32, #tpu.memory_space<vmem>>, vector<1x128x64xf32>
    %swap3A_115 = vector.shape_cast %swap3A_114 : vector<1x128x64xf32> to vector<128x64xf32>
    %swap3A_116 = vector.shape_cast %reduce_sum3A_111 : vector<128x64xf32> to vector<1x128x64xf32>
    tpu.vector_store %arg17[%swap3A, %swap3A_112, %swap3A_113], %swap3A_116 {strides = array<i32>} : memref<1x128x64xf32, #tpu.memory_space<vmem>>, vector<1x128x64xf32>,
    return
  }
  func.func @transform_0(%arg0: i32, %arg1: i32) -> (i32, i32, i32, i32) {
    %c0_i32 = arith.constant 0 : i32
    %c0_i32_0 = arith.constant 0 : i32
    %c0_i32_1 = arith.constant 0 : i32
    return %arg0, %arg1, %c0_i32, %c0_i32_0 : i32, i32, i32, i32
  }
  func.func @transform_1(%arg0: i32, %arg1: i32) -> (i32, i32, i32) {
    %c0_i32 = arith.constant 0 : i32
    %c0_i32_0 = arith.constant 0 : i32
    return %arg0, %arg1, %c0_i32 : i32, i32, i32
  }
  func.func @transform_2(%arg0: i32, %arg1: i32) -> (i32, i32, i32) {
    %c0_i32 = arith.constant 0 : i32
    %c0_i32_0 = arith.constant 0 : i32
    return %arg0, %arg1, %c0_i32 : i32, i32, i32
  }
  func.func @transform_3(%arg0: i32, %arg1: i32) -> (i32, i32, i32) {
    %c0_i32 = arith.constant 0 : i32
    %c0_i32_0 = arith.constant 0 : i32
    return %arg0, %arg1, %c0_i32 : i32, i32, i32
  }
  func.func @transform_4(%arg0: i32, %arg1: i32) -> (i32, i32, i32) {
    %c0_i32 = arith.constant 0 : i32
    %c0_i32_0 = arith.constant 0 : i32
    return %arg0, %arg1, %c0_i32 : i32, i32, i32
  }
  func.func @transform_5(%arg0: i32, %arg1: i32) -> (i32, i32) {
    %c0_i32 = arith.constant 0 : i32
    %c0_i32_0 = arith.constant 0 : i32
    %c0_i32_1 = arith.constant 0 : i32
    return %c0_i32, %c0_i32_0 : i32, i32
  }
  func.func @transform_6(%arg0: i32, %arg1: i32) -> (i32, i32) {
    %c0_i32 = arith.constant 0 : i32
    %c0_i32_0 = arith.constant 0 : i32
    %c0_i32_1 = arith.constant 0 : i32
    return %c0_i32, %c0_i32_0 : i32, i32
  }
  func.func @transform_7(%arg0: i32, %arg1: i32) -> (i32, i32) {
    %c0_i32 = arith.constant 0 : i32
    %c0_i32_0 = arith.constant 0 : i32
    %c0_i32_1 = arith.constant 0 : i32
    return %c0_i32, %c0_i32_0 : i32, i32
  }
  func.func @transform_8(%arg0: i32, %arg1: i32) -> (i32, i32) {
    %c0_i32 = arith.constant 0 : i32
    %c0_i32_0 = arith.constant 0 : i32
    %c0_i32_1 = arith.constant 0 : i32
    return %c0_i32, %c0_i32_0 : i32, i32
  }
  func.func @transform_9(%arg0: i32, %arg1: i32) -> (i32, i32) {
    %c0_i32 = arith.constant 0 : i32
    %c0_i32_0 = arith.constant 0 : i32
    %c0_i32_1 = arith.constant 0 : i32
    return %c0_i32, %c0_i32_0 : i32, i32
  }
  func.func @transform_10(%arg0: i32, %arg1: i32) -> (i32, i32) {
    %c0_i32 = arith.constant 0 : i32
    %c0_i32_0 = arith.constant 0 : i32
    %c0_i32_1 = arith.constant 0 : i32
    return %c0_i32, %c0_i32_0 : i32, i32
  }
  func.func @transform_11(%arg0: i32, %arg1: i32) -> (i32, i32) {
    %c0_i32 = arith.constant 0 : i32
    %c0_i32_0 = arith.constant 0 : i32
    %c0_i32_1 = arith.constant 0 : i32
    return %c0_i32, %c0_i32_0 : i32, i32
  }
  func.func @transform_12(%arg0: i32, %arg1: i32) -> (i32, i32) {
    %c0_i32 = arith.constant 0 : i32
    %c0_i32_0 = arith.constant 0 : i32
    %c0_i32_1 = arith.constant 0 : i32
    return %c0_i32, %c0_i32_0 : i32, i32
  }
  func.func @transform_13(%arg0: i32, %arg1: i32) -> (i32, i32) {
    %c0_i32 = arith.constant 0 : i32
    %c0_i32_0 = arith.constant 0 : i32
    %c0_i32_1 = arith.constant 0 : i32
    return %c0_i32, %c0_i32_0 : i32, i32
  }
  func.func @transform_14(%arg0: i32, %arg1: i32) -> (i32, i32) {
    %c0_i32 = arith.constant 0 : i32
    %c0_i32_0 = arith.constant 0 : i32
    %c0_i32_1 = arith.constant 0 : i32
    return %c0_i32, %c0_i32_0 : i32, i32
  }
  func.func @transform_15(%arg0: i32, %arg1: i32) -> (i32, i32, i32) {
    %c0_i32 = arith.constant 0 : i32
    %c0_i32_0 = arith.constant 0 : i32
    return %arg0, %arg1, %c0_i32 : i32, i32, i32
  }
}

</mosaic_0001>

<sc_bundles>
// kernel: kernel.11.cloned.1.call-start
scs
__scs_entry_jumppad:
0x0: {  	(pc) =	sbr.rel $0x88, $3  }
0x1: {  	(tag) =	ssettag $0x0;
	lr =	simm.s32 $0x1  }
0x2: {  	[smem:$0x3F8A] =	sst lr;
	_ =	strace $0xD0000000  }
0x3: {  	_ = 	snop  }
0x4: {  	_ = 	snop  }
0x5: {  	_ = 	snop  }
0x6: {  	_ = 	snop  }
0x7: {  	_ = 	snop  }
__scs_overlays_trampoline_lowered:
0x8: {  	[smem:$0x3F99] =	sst s0  }
0x9: {  	[smem:$0x3F9A] =	sst s1  }
0xa: {  	[smem:$0x3F9B] =	sst s2  }
0xb: {  	[smem:$0x3F9C] =	sst s3  }
0xc: {  	[smem:$0x3F9D] =	sst s4  }
0xd: {  	[smem:$0x3F9E] =	sst s5  }
0xe: {  	[smem:$0x3F9F] =	sst s6  }
0xf: {  	[smem:$0x3FA0] =	sst s7  }
0x10: {  	[smem:$0x3FA1] =	sst s8  }
0x11: {  	[smem:$0x3FA2] =	sst s9;
	s0 =	simm.s32 @!p0 $0x0  }
0x12: {  	s1 =	sld [smem:$0x3F88];
	s0 =	simm.s32 @p0 $0x1  }
0x13: {  	[smem:$0x3FA3] =	sst s0;
	s0 =	simm.s32 @!p1 $0x0  }
0x14: {  	s2 =	sld [smem:$0x3F87];
	s0 =	simm.s32 @p1 $0x1  }
0x15: {  	[smem:$0x3FA4] =	sst s0;
	s0 =	simm.s32 @!p2 $0x0  }
0x16: {  	s3 =	sld [smem:$0x3FDB];
	s0 =	simm.s32 @p2 $0x1  }
0x17: {  	s4 =	simm.s32 $0x1BF5;
	[smem:$0x3FA6] =	sst s0  }
0x18: {  	s0 =	sld [smem:$0x3F89];
	_ =	swait.ge [sflag:s4], $0x0  }
0x19: {  	s7 =	sld [smem:$0x3F8A]  }
0x1a: {  	s8 =	sadd.s32 $0xFFFFE003, lr  }
0x1b: {  	s9 =	sadd.s32 $0xFFFFFEF7, lr;
	s5 =	simm.s32 $0xFFFFFFFF;
	p2 =	slt.u32 s8, $0xFFFFF086  }
0x1c: {  	p1 =	slt.u32 s9, $0xF7A;
	s5 =	simm.s32 @!p2 $0x0  }
0x1d: {  	s5 =	simm.s32 @p1 $0x1;
	p0 =	seq.s32 s7, s2  }
0x1e: {  	s7 =	smul.u32 @!p0 $0xF7A, s2;
	p2 =	seq.s32 @!p0 s5, $0x0  }
0x1f: {  	s9 =	smul.u32 $0xF7A, s1;
	s8 =	simm.s32 @!p0 $0x1BF5;
	p2 =	por !p2, p0  }
0x20: {  	[sflag:s8] =	ssyncset.s32 @!p0 $0xFFFFF086;
	s6 =	sadd.s32 @!p0 s3, s7;
	s7 =	simm.s32 @!p0 $0x108  }
0x21: {  	s3 =	sadd.s32 s3, s9;
	s6 =	sadd.s32 @!p0 $0x88, s6;
	s7 =	simm.s32 @p2 $0x1082  }
0x22: {  	[simem:s7], [sflag:s8] =	dma.local @!p0 [hbm:s6], $0xF7A  }
0x23: {  	s9 =	sor.u32 $0xD0000000, s2;
	s6 =	simm.s32 $0x108;
	_ =	swait.ge @!p0 [sflag:s8], $0x0  }
0x24: {  	s3 =	sadd.s32 $0x88, s3;
	s6 =	simm.s32 @!p1 $0x1082;
	[sflag:s4] =	ssyncset.s32 $0xFFFFF086  }
0x25: {  	[simem:s6], [sflag:s4] =	dma.local [hbm:s3], $0xF7A  }
0x26: {  	[smem:$0x3F8A] =	sst s1;
	(tag) =	ssettag s2;
	_ =	strace s9  }
0x27: {  	s1 =	sld [smem:$0x3F9A]  }
0x28: {  	s2 =	sld [smem:$0x3F9B]  }
0x29: {  	s4 =	sld [smem:$0x3F9D]  }
0x2a: {  	p0 =	seq.s32 s5, $0x0;
	s5 =	sld [smem:$0x3F9E]  }
0x2b: {  	s6 =	sld [smem:$0x3F9F]  }
0x2c: {  	s7 =	sld [smem:$0x3FA0]  }
0x2d: {  	s3 =	simm.s32 $0x108;
	s8 =	sld [smem:$0x3FA1]  }
0x2e: {  	s3 =	simm.s32 @!p0 $0x1082;
	s9 =	sld [smem:$0x3FA2]  }
0x2f: {  	lr =	sadd.s32 s0, s3;
	s0 =	sld [smem:$0x3F99]  }
0x30: {  	s3 =	sld [smem:$0x3F9C]  }
0x31: {  	[smem:$0x3FA5] =	sst s10  }
0x32: {  	s10 =	sld [smem:$0x3FA3];
	_ =	sdelay $0x3  }
0x33: {  	p0 =	seq.s32 s10, $0x1;
	s10 =	sld [smem:$0x3FA5];
	_ =	sdelay $0x3  }
0x34: {  	[smem:$0x3FA5] =	sst s10  }
0x35: {  	s10 =	sld [smem:$0x3FA4];
	_ =	sdelay $0x3  }
0x36: {  	p1 =	seq.s32 s10, $0x1;
	s10 =	sld [smem:$0x3FA5];
	_ =	sdelay $0x3  }
0x37: {  	[smem:$0x3FA5] =	sst s10  }
0x38: {  	s10 =	sld [smem:$0x3FA6]  }
0x39: {  	_ = 	snop;
	(pc) =	sbr.ind lr, $3  }
0x3a: {  	_ = 	snop  }
0x3b: {  	_ = 	snop  }
0x3c: {  	p2 =	seq.s32 s10, $0x1;
	s10 =	sld [smem:$0x3FA5]  }
0x3d: {  	_ =	shalt  }
0x3e: {  	_ =	shalt  }
0x3f: {  	_ =	shalt  }
0x40: {  	_ =	shalt  }
0x41: {  	_ =	shalt  }
0x42: {  	_ =	shalt  }
0x43: {  	_ =	shalt  }
0x44: {  	_ =	shalt  }
0x45: {  	_ =	shalt  }
0x46: {  	_ =	shalt  }
0x47: {  	_ =	shalt  }
0x48: {  	_ =	shalt  }
0x49: {  	_ =	shalt  }
0x4a: {  	_ =	shalt  }
0x4b: {  	_ =	shalt  }
0x4c: {  	_ =	shalt  }
0x4d: {  	_ =	shalt  }
0x4e: {  	_ =	shalt  }
0x4f: {  	_ =	shalt  }
0x50: {  	_ =	shalt  }
0x51: {  	_ =	shalt  }
0x52: {  	_ =	shalt  }
0x53: {  	_ =	shalt  }
0x54: {  	_ =	shalt  }
0x55: {  	_ =	shalt  }
0x56: {  	_ =	shalt  }
0x57: {  	_ =	shalt  }
0x58: {  	_ =	shalt  }
0x59: {  	_ =	shalt  }
0x5a: {  	_ =	shalt  }
0x5b: {  	_ =	shalt  }
0x5c: {  	_ =	shalt  }
0x5d: {  	_ =	shalt  }
0x5e: {  	_ =	shalt  }
0x5f: {  	_ =	shalt  }
0x60: {  	_ =	shalt  }
0x61: {  	_ =	shalt  }
0x62: {  	_ =	shalt  }
0x63: {  	_ =	shalt  }
0x64: {  	_ =	shalt  }
0x65: {  	_ =	shalt  }
0x66: {  	_ =	shalt  }
0x67: {  	_ =	shalt  }
0x68: {  	_ =	shalt  }
0x69: {  	_ =	shalt  }
0x6a: {  	_ =	shalt  }
0x6b: {  	_ =	shalt  }
0x6c: {  	_ =	shalt  }
0x6d: {  	_ =	shalt  }
0x6e: {  	_ =	shalt  }
0x6f: {  	_ =	shalt  }
0x70: {  	_ =	shalt  }
0x71: {  	_ =	shalt  }
0x72: {  	_ =	shalt  }
0x73: {  	_ =	shalt  }
0x74: {  	_ =	shalt  }
0x75: {  	_ =	shalt  }
0x76: {  	_ =	shalt  }
0x77: {  	_ =	shalt  }
0x78: {  	_ =	shalt  }
0x79: {  	_ =	shalt  }
0x7a: {  	_ =	shalt  }
0x7b: {  	_ =	shalt  }
0x7c: {  	_ =	shalt  }
0x7d: {  	_ =	shalt  }
0x7e: {  	_ =	shalt  }
0x7f: {  	_ =	shalt  }
0x80: {  	_ =	shalt  }
0x81: {  	_ =	shalt  }
0x82: {  	_ =	shalt  }
0x83: {  	_ =	shalt  }
0x84: {  	_ =	shalt  }
0x85: {  	_ =	shalt  }
0x86: {  	_ =	shalt  }
0x87: {  	_ =	shalt  }
.Lfunc_end0:
.L_simem_size_0:
called_computation.1_lowered:
.L_overlay_start_0:
0x88: {  	s2 =	sld [smem:$0x3FD9]  }
0x89: {  	s3 =	sld [smem:$0x3FFE];
	_ =	sdelay $0x1  }
0x8a: {  	s1 =	srdreg.scid  }
0x8b: {  	s0 =	sand.u32 $0x1, s1  }
0x8c: {  	s17 =	sshll.u32 s0, $0xA;
	s2 =	sadd.s32 s3, s2  }
0x8d: {  	s2 =	sadd.s32 s2, s17  }
0x8e: {  	[smem:$0x3FB1] =	sst s2  }
0x8f: {  	_ = 	snop  }
0x90: {  	(tm) =	ssettm $0x1  }
0x91: {  	s18 =	sld [smem:$0x3FFB];
	_ =	sdelay $0x3  }
0x92: {  	_ =	strace s18  }
0x93: {  	s2 =	sld [smem:$0x3FFC];
	_ =	sdelay $0x3  }
0x94: {  	_ =	strace s2  }
0x95: {  	s2 =	sld [smem:$0x3FFD];
	_ =	sdelay $0x3  }
0x96: {  	_ =	strace s2  }
0x97: {  	_ =	strace $0x8FFFFFFF  }
0x98: {  	s19 =	sld [smem:$0x3FDB];
	_ =	sdelay $0x1  }
0x99: {  	s20 =	simm.s32 $_scs_section_size  }
0x9a: {  	s4 =	simm.s32 $_size__tile_overlayer_lowered;
	s5 =	simm.s32 $_tile_overlayer_lowered  }
0x9b: {  	s6 =	simm.s32 $0x1BFF;
	s21 =	sshll.u32 s5, $0x1;
	s3 =	sadd.s32 s20, s19  }
0x9c: {  	s22 =	simm.s32 $0x0;
	s4 =	sshll.u32 s4, $0x1;
	s5 =	sadd.s32 s21, s3  }
0x9d: {  	[timem:s22], [sflag:s6] =	dma.local [hbm:s5], s4  }
0x9e: {  	_ =	swait.ge [sflag:s6], s4  }
0x9f: {  	s4 =	ssub.s32 $0x0, s4;
	[sflag:s6] =	ssyncset.done $0x0  }
0xa0: {  	[sflag:s6] =	ssyncadd.s32 s4;
	_ =	sdelay $0x1  }
0xa1: {  	s23 =	simm.s32 $0x1B8B  }
0xa2: {  	_ =	swait.ge [sflag:s23], $0x1  }
0xa3: {  	[sflag:s23] =	ssyncset.done $0x0  }
0xa4: {  	[sflag:s23] =	ssyncadd.s32 $0xFFFFFFFF  }
0xa5: {  	s4 =	sld [smem:$0x0]  }
0xa6: {  	s5 =	sand.u32 $0xFFFFFFFE, s1  }
0xa7: {  	p0 =	sne.s32 s1, s5  }
0xa8: {  	s5 =	sshll.u32 @p0 s5, $0xE  }
0xa9: {  	s5 =	sadd.s32 @p0 $0x11B8D, s5;
	s6 =	sshll.u32 @p0 s4, $0x11  }
0xaa: {  	s5 =	sor.u32 @p0 s6, s5  }
0xab: {  	[sflag:s5] =	ssyncadd.remote.s32 @p0 $0x1;
	_ =	sdelay $0x1  }
0xac: {  	s5 =	simm.s32 @p0 $0x1B8D  }
0xad: {  	_ =	swait.eq @p0 [sflag:s5], $0x1  }
0xae: {  	[sflag:s5] =	ssyncadd.s32 @p0 $0xFFFFFFFF  }
0xaf: {  	s6 =	sshll.u32 @!p0 s1, $0xE  }
0xb0: {  	s6 =	sor.u32 @!p0 $0x4000, s6;
	s5 =	simm.s32 @!p0 $0x1B8D  }
0xb1: {  	s4 =	sshll.u32 @!p0 s4, $0x11;
	s6 =	sadd.s32 @!p0 $0x11B8D, s6;
	_ =	swait.eq @!p0 [sflag:s5], $0x1  }
0xb2: {  	s4 =	sor.u32 @!p0 s4, s6;
	[sflag:s5] =	ssyncadd.s32 @!p0 $0xFFFFFFFF  }
0xb3: {  	s25 =	simm.s32 $0x1B8E;
	s24 =	sld [smem:$0x3FFE];
	[sflag:s4] =	ssyncadd.remote.s32 @!p0 $0x1  }
0xb4: {  	s26 =	simm.s32 $execute0_lowered;
	[smem:$0x3FD2] =	sst s25  }
0xb5: {  	s5 =	sshll.u32 s26, $0x1;
	_ =	strace $0x80000049;
	[dreg:$0x1] =	wrdreg $0xFFFFFFFF  }
0xb6: {  	s28 =	simm.s32 $_size_execute0_lowered;
	s3 =	sadd.s32 s3, s5;
	[dreg:$0x0] =	wrdreg $0x0  }
0xb7: {  	s5 =	sshll.u32 s28, $0x1;
	[dreg:$0x2] =	wrdreg s3  }
0xb8: {  	[dreg:$0x3] =	wrdreg s5  }
0xb9: {  	[dreg:$0x4] =	wrdreg $0xC0  }
0xba: {  	_ =	task [dreg:s22], $0x5FFFF  }
0xbb: {  	[dreg:$0x1] =	wrdreg $0xFFFFFFFF  }
0xbc: {  	[dreg:$0x0] =	wrdreg $0x60  }
0xbd: {  	[dreg:$0x2] =	wrdreg s24  }
0xbe: {  	[dreg:$0x3] =	wrdreg $0xA  }
0xbf: {  	_ =	task.clear_ibuf [dreg:s22], $0x4FFFF;
	_ =	strace $0x90000049  }
0xc0: {  	s29 =	simm.s32 $0xA;
	_ =	strace $0x8000004B  }
0xc1: {  	_ =	swait.ge [sflag:s29], $0x1  }
0xc2: {  	[sflag:s29] =	ssyncadd.s32 $0xFFFFFFFF  }
0xc3: {  	_ =	strace $0x9000004B  }
0xc4: {  	_ =	sfence  }
0xc5: {  	s30 =	sld [smem:$0x0];
	_ =	sdelay $0x2  }
0xc6: {  	s31 =	sshll.u32 s1, $0xD;
	s1 =	sshrl.u32 s1, $0x2  }
0xc7: {  	s4 =	sand.u32 $0x4000, s31;
	s1 =	sadd.s32 s1, s30  }
0xc8: {  	s0 =	sor.u32 s4, s0;
	s1 =	sshll.u32 s1, $0x11  }
0xc9: {  	s0 =	sor.u32 s1, s0  }
0xca: {  	s0 =	sadd.s32 $0x8F2B, s0  }
0xcb: {  	[sflag:s0] =	ssyncadd.remote.s32 $0x1  }
0xcc: {  	_ =	sfence.sel $0xFFFF  }
0xcd: {  	[dreg:$0x0] =	wrdreg $0xFFFFFFFF;
	(pc) =	sbr.abs _section_cstart, $3  }
0xce: {  	[dreg:$0x1] =	wrdreg $0xFFFFFFFF  }
0xcf: {  	_ =	task.clear_ibuf [dreg:s22], $0x2FFFF;
	_ =	strace $0x9FFFFFFF  }
0xd0: {  	(tm) =	ssettm $0x7FFFFFFF  }
0xd1: {  	_ =	shalt  }
tec
execute0_lowered:
.L_overlay_start_1:
0x0: {  	(tag) =	ssettag $0x1  }
0x1: {  	s1 =	srdreg.scid  }
0x2: {  	s0 =	stileid.u32;
	s6 =	sand.u32 $0x1, s1  }
0x3: {  	s8 =	rddreg [dreg:$0x0];
	s30 =	sshll.u32 s0, $0x9;
	s2 =	sshll.u32 s6, $0x8  }
0x4: {  	s7 =	simm.s32 $0x1;
	s1 =	rddreg [dreg:$0x1];
	s9 =	sor.u32 s2, s30  }
0x5: {  	s5 =	sadd.s32 $0x63800, s8;
	s2 =	simm.s32 $0x0;
	s3 =	sshrl.u32 s9, $0x3  }
0x6: {  	s10 =	ssub.s32 $0x2, s6;
	[smem:$0x7FF] =	sst s2;
	s3 =	sadd.s32 s3, s8  }
0x7: {  	_ =	strace $0x8000004A;
	s4 =	sadd.s32 $0x43800, s3;
	s3 =	simm.s32 $0x2  }
0x8: {  	[tilespmem:s2], [sflag:$0x2] =	stream.linear.gather [hbm4b:s4+s2], $0x100, $0x38;
	[tilespmem:$0x8100] =	vst v63  }
0x9: {  	s6 =	simm.s32 $0x100;
	s11 =	sshrl.u32 s10, $0x1;
	_ =	swait.ge [sflag:s3], $0x100  }
0xa: {  	s9 =	sshll.u32 s9, $0x4;
	s31 =	ssub.s32 s10, s11;
	[sflag:s3] =	ssyncset.done $0x0  }
0xb: {  	s8 =	sadd.s32 s9, s8;
	s9 =	smax.u32 s31, $0x1;
	[sflag:s3] =	ssyncadd.s32 $0xFFFFFF00  }
0xc: {  	[tilespmem:s6], [sflag:$0x1] =	stream.indirect.gather [hbm4b:s5+s6], $0x80, s2, s6, $0xb8;
	[tilespmem:$0x8100] =	vst v63  }
0xd: {  	p0 =	sne.s32 s9, $0x1;
	_ =	swait.ge [sflag:s7], $0x8000  }
.Ltmp0:
0xe: {  	[sflag:s7] =	ssyncset.done $0x0;
	(pc) =	sbr.rel @!p0 .LBB2_2-.Ltmp0, $4  }
0xf: {  	s8 =	sadd.s32 $0x483800, s8;
	[sflag:s7] =	ssyncadd.s32 $0xFFFF8000  }
0x10: {  	[hbm4b:s8+s2] =	stream.linear.scatter [tilespmem:s6], [sflag:$0x2], $0x8000, $0x38;
	[tilespmem:$0x8100] =	vst v63  }
0x11: {  	_ =	swait.ge [sflag:s3], $0x8000  }
0x12: {  	s9 =	sadd.s32 $0xFFFFFFFF, s9;
	[sflag:s3] =	ssyncset.done $0x0  }
.LBB2_1:
0x13: {  	p0 =	sne.s32 s9, $0x1;
	s9 =	sadd.s32 $0xFFFFFFFF, s9;
	[sflag:s3] =	ssyncadd.s32 $0xFFFF8000  }
0x14: {  	[tilespmem:s2], [sflag:$0x2] =	stream.linear.gather [hbm4b:s4+s2], $0x100, $0x38;
	[tilespmem:$0x8100] =	vst v63  }
0x15: {  	_ =	swait.ge [sflag:s3], $0x100  }
0x16: {  	[sflag:s3] =	ssyncset.done $0x0  }
0x17: {  	[sflag:s3] =	ssyncadd.s32 $0xFFFFFF00  }
0x18: {  	[tilespmem:s6], [sflag:$0x1] =	stream.indirect.gather [hbm4b:s5+s6], $0x80, s2, s6, $0xb8;
	[tilespmem:$0x8100] =	vst v63  }
0x19: {  	_ =	swait.ge [sflag:s7], $0x8000  }
.Ltmp1:
0x1a: {  	[sflag:s7] =	ssyncset.done $0x0;
	(pc) =	sbr.rel @p0 .LBB2_1-.Ltmp1, $4  }
0x1b: {  	[sflag:s7] =	ssyncadd.s32 $0xFFFF8000  }
0x1c: {  	[hbm4b:s8+s2] =	stream.linear.scatter [tilespmem:s6], [sflag:$0x2], $0x8000, $0x38;
	[tilespmem:$0x8100] =	vst v63  }
0x1d: {  	_ =	swait.ge [sflag:s3], $0x8000  }
0x1e: {  	[sflag:s3] =	ssyncset.done $0x0  }
.LBB2_2:
0x1f: {  	[sflag:s3] =	ssyncadd.s32 $0xFFFF8000  }
0x20: {  	_ =	sfence.sel $0x180000  }
0x21: {  	[bflag:$0x0] =	sbarrier.arrive $0xFFFF  }
0x22: {  	p0 =	sne.s32 s0, $0x0;
	_ =	strace $0x9000004A  }
0x23: {  	s0 =	sadd.s32 @!p0 $0x100000, s1;
	[bflag:$0x2] =	sbarrier.arrive $0xFFFF  }
0x24: {  	[sflag:s0] =	ssyncadd.tile.s32 @!p0 $0x1;
	_ =	shalt  }
.Lfunc_end2:
_tile_overlayer_lowered:
.L_overlay_start_2:
0x25: {  	(tag) =	ssettag $0x2  }
0x26: {  	s0 =	rddreg [dreg:$0x0];
	s2 =	stileid.u32  }
0x27: {  	s1 =	rddreg [dreg:$0x1];
	p0 =	sne.s32 s2, $0x0  }
0x28: {  	s3 =	rddreg [dreg:$0x2];
	[bflag:$0x3] =	sbarrier.arrive $0xFFFF;
	s2 =	simm.s32 @!p0 $0x1C02  }
0x29: {  	[timem:s3], [sflag:s2] =	dma.local @!p0 [hbm:s0], s1  }
0x2a: {  	s0 =	simm.s32 @!p0 $0x2  }
0x2b: {  	_ =	swait.ge @!p0 [sflag:s0], s1  }
0x2c: {  	s1 =	ssub.s32 @!p0 $0x0, s1;
	[sflag:s0] =	ssyncset.done @!p0 $0x0  }
0x2d: {  	[sflag:s0] =	ssyncadd.s32 @!p0 s1  }
0x2e: {  	[bflag:$0x3] =	sbarrier.arrive $0xFFFF  }
0x2f: {  	_ =	shalt  }

// kernel: kernel.8.cloned.1.call-start
scs
__scs_entry_jumppad:
0x0: {  	(pc) =	sbr.rel $0x88, $3  }
0x1: {  	(tag) =	ssettag $0x0;
	lr =	simm.s32 $0x1  }
0x2: {  	[smem:$0x3F8A] =	sst lr;
	_ =	strace $0xD0000000  }
0x3: {  	_ = 	snop  }
0x4: {  	_ = 	snop  }
0x5: {  	_ = 	snop  }
0x6: {  	_ = 	snop  }
0x7: {  	_ = 	snop  }
__scs_overlays_trampoline_lowered:
0x8: {  	[smem:$0x3F99] =	sst s0  }
0x9: {  	[smem:$0x3F9A] =	sst s1  }
0xa: {  	[smem:$0x3F9B] =	sst s2  }
0xb: {  	[smem:$0x3F9C] =	sst s3  }
0xc: {  	[smem:$0x3F9D] =	sst s4  }
0xd: {  	[smem:$0x3F9E] =	sst s5  }
0xe: {  	[smem:$0x3F9F] =	sst s6  }
0xf: {  	[smem:$0x3FA0] =	sst s7  }
0x10: {  	[smem:$0x3FA1] =	sst s8  }
0x11: {  	[smem:$0x3FA2] =	sst s9;
	s0 =	simm.s32 @!p0 $0x0  }
0x12: {  	s1 =	sld [smem:$0x3F88];
	s0 =	simm.s32 @p0 $0x1  }
0x13: {  	[smem:$0x3FA3] =	sst s0;
	s0 =	simm.s32 @!p1 $0x0  }
0x14: {  	s2 =	sld [smem:$0x3F87];
	s0 =	simm.s32 @p1 $0x1  }
0x15: {  	[smem:$0x3FA4] =	sst s0;
	s0 =	simm.s32 @!p2 $0x0  }
0x16: {  	s3 =	sld [smem:$0x3FDB];
	s0 =	simm.s32 @p2 $0x1  }
0x17: {  	s4 =	simm.s32 $0x1BF5;
	[smem:$0x3FA6] =	sst s0  }
0x18: {  	s0 =	sld [smem:$0x3F89];
	_ =	swait.ge [sflag:s4], $0x0  }
0x19: {  	s7 =	sld [smem:$0x3F8A]  }
0x1a: {  	s8 =	sadd.s32 $0xFFFFE003, lr  }
0x1b: {  	s9 =	sadd.s32 $0xFFFFFEF7, lr;
	s5 =	simm.s32 $0xFFFFFFFF;
	p2 =	slt.u32 s8, $0xFFFFF086  }
0x1c: {  	p1 =	slt.u32 s9, $0xF7A;
	s5 =	simm.s32 @!p2 $0x0  }
0x1d: {  	s5 =	simm.s32 @p1 $0x1;
	p0 =	seq.s32 s7, s2  }
0x1e: {  	s7 =	smul.u32 @!p0 $0xF7A, s2;
	p2 =	seq.s32 @!p0 s5, $0x0  }
0x1f: {  	s9 =	smul.u32 $0xF7A, s1;
	s8 =	simm.s32 @!p0 $0x1BF5;
	p2 =	por !p2, p0  }
0x20: {  	[sflag:s8] =	ssyncset.s32 @!p0 $0xFFFFF086;
	s6 =	sadd.s32 @!p0 s3, s7;
	s7 =	simm.s32 @!p0 $0x108  }
0x21: {  	s3 =	sadd.s32 s3, s9;
	s6 =	sadd.s32 @!p0 $0x88, s6;
	s7 =	simm.s32 @p2 $0x1082  }
0x22: {  	[simem:s7], [sflag:s8] =	dma.local @!p0 [hbm:s6], $0xF7A  }
0x23: {  	s9 =	sor.u32 $0xD0000000, s2;
	s6 =	simm.s32 $0x108;
	_ =	swait.ge @!p0 [sflag:s8], $0x0  }
0x24: {  	s3 =	sadd.s32 $0x88, s3;
	s6 =	simm.s32 @!p1 $0x1082;
	[sflag:s4] =	ssyncset.s32 $0xFFFFF086  }
0x25: {  	[simem:s6], [sflag:s4] =	dma.local [hbm:s3], $0xF7A  }
0x26: {  	[smem:$0x3F8A] =	sst s1;
	(tag) =	ssettag s2;
	_ =	strace s9  }
0x27: {  	s1 =	sld [smem:$0x3F9A]  }
0x28: {  	s2 =	sld [smem:$0x3F9B]  }
0x29: {  	s4 =	sld [smem:$0x3F9D]  }
0x2a: {  	p0 =	seq.s32 s5, $0x0;
	s5 =	sld [smem:$0x3F9E]  }
0x2b: {  	s6 =	sld [smem:$0x3F9F]  }
0x2c: {  	s7 =	sld [smem:$0x3FA0]  }
0x2d: {  	s3 =	simm.s32 $0x108;
	s8 =	sld [smem:$0x3FA1]  }
0x2e: {  	s3 =	simm.s32 @!p0 $0x1082;
	s9 =	sld [smem:$0x3FA2]  }
0x2f: {  	lr =	sadd.s32 s0, s3;
	s0 =	sld [smem:$0x3F99]  }
0x30: {  	s3 =	sld [smem:$0x3F9C]  }
0x31: {  	[smem:$0x3FA5] =	sst s10  }
0x32: {  	s10 =	sld [smem:$0x3FA3];
	_ =	sdelay $0x3  }
0x33: {  	p0 =	seq.s32 s10, $0x1;
	s10 =	sld [smem:$0x3FA5];
	_ =	sdelay $0x3  }
0x34: {  	[smem:$0x3FA5] =	sst s10  }
0x35: {  	s10 =	sld [smem:$0x3FA4];
	_ =	sdelay $0x3  }
0x36: {  	p1 =	seq.s32 s10, $0x1;
	s10 =	sld [smem:$0x3FA5];
	_ =	sdelay $0x3  }
0x37: {  	[smem:$0x3FA5] =	sst s10  }
0x38: {  	s10 =	sld [smem:$0x3FA6]  }
0x39: {  	_ = 	snop;
	(pc) =	sbr.ind lr, $3  }
0x3a: {  	_ = 	snop  }
0x3b: {  	_ = 	snop  }
0x3c: {  	p2 =	seq.s32 s10, $0x1;
	s10 =	sld [smem:$0x3FA5]  }
0x3d: {  	_ =	shalt  }
0x3e: {  	_ =	shalt  }
0x3f: {  	_ =	shalt  }
0x40: {  	_ =	shalt  }
0x41: {  	_ =	shalt  }
0x42: {  	_ =	shalt  }
0x43: {  	_ =	shalt  }
0x44: {  	_ =	shalt  }
0x45: {  	_ =	shalt  }
0x46: {  	_ =	shalt  }
0x47: {  	_ =	shalt  }
0x48: {  	_ =	shalt  }
0x49: {  	_ =	shalt  }
0x4a: {  	_ =	shalt  }
0x4b: {  	_ =	shalt  }
0x4c: {  	_ =	shalt  }
0x4d: {  	_ =	shalt  }
0x4e: {  	_ =	shalt  }
0x4f: {  	_ =	shalt  }
0x50: {  	_ =	shalt  }
0x51: {  	_ =	shalt  }
0x52: {  	_ =	shalt  }
0x53: {  	_ =	shalt  }
0x54: {  	_ =	shalt  }
0x55: {  	_ =	shalt  }
0x56: {  	_ =	shalt  }
0x57: {  	_ =	shalt  }
0x58: {  	_ =	shalt  }
0x59: {  	_ =	shalt  }
0x5a: {  	_ =	shalt  }
0x5b: {  	_ =	shalt  }
0x5c: {  	_ =	shalt  }
0x5d: {  	_ =	shalt  }
0x5e: {  	_ =	shalt  }
0x5f: {  	_ =	shalt  }
0x60: {  	_ =	shalt  }
0x61: {  	_ =	shalt  }
0x62: {  	_ =	shalt  }
0x63: {  	_ =	shalt  }
0x64: {  	_ =	shalt  }
0x65: {  	_ =	shalt  }
0x66: {  	_ =	shalt  }
0x67: {  	_ =	shalt  }
0x68: {  	_ =	shalt  }
0x69: {  	_ =	shalt  }
0x6a: {  	_ =	shalt  }
0x6b: {  	_ =	shalt  }
0x6c: {  	_ =	shalt  }
0x6d: {  	_ =	shalt  }
0x6e: {  	_ =	shalt  }
0x6f: {  	_ =	shalt  }
0x70: {  	_ =	shalt  }
0x71: {  	_ =	shalt  }
0x72: {  	_ =	shalt  }
0x73: {  	_ =	shalt  }
0x74: {  	_ =	shalt  }
0x75: {  	_ =	shalt  }
0x76: {  	_ =	shalt  }
0x77: {  	_ =	shalt  }
0x78: {  	_ =	shalt  }
0x79: {  	_ =	shalt  }
0x7a: {  	_ =	shalt  }
0x7b: {  	_ =	shalt  }
0x7c: {  	_ =	shalt  }
0x7d: {  	_ =	shalt  }
0x7e: {  	_ =	shalt  }
0x7f: {  	_ =	shalt  }
0x80: {  	_ =	shalt  }
0x81: {  	_ =	shalt  }
0x82: {  	_ =	shalt  }
0x83: {  	_ =	shalt  }
0x84: {  	_ =	shalt  }
0x85: {  	_ =	shalt  }
0x86: {  	_ =	shalt  }
0x87: {  	_ =	shalt  }
.Lfunc_end0:
.L_simem_size_0:
called_computation_lowered:
.L_overlay_start_0:
0x88: {  	s2 =	sld [smem:$0x3FD9]  }
0x89: {  	s3 =	sld [smem:$0x3FFE];
	_ =	sdelay $0x1  }
0x8a: {  	s1 =	srdreg.scid  }
0x8b: {  	s0 =	sand.u32 $0x1, s1  }
0x8c: {  	s17 =	sshll.u32 s0, $0xA;
	s2 =	sadd.s32 s3, s2  }
0x8d: {  	s2 =	sadd.s32 s2, s17  }
0x8e: {  	[smem:$0x3FB1] =	sst s2  }
0x8f: {  	_ = 	snop  }
0x90: {  	s2 =	sld [smem:$0x3FD0];
	(tm) =	ssettm $0x1  }
0x91: {  	s18 =	sld [smem:$0x3FFB];
	_ =	sdelay $0x3  }
0x92: {  	_ =	strace s18  }
0x93: {  	s3 =	sld [smem:$0x3FFC];
	_ =	sdelay $0x3  }
0x94: {  	_ =	strace s3  }
0x95: {  	s3 =	sld [smem:$0x3FFD];
	_ =	sdelay $0x3  }
0x96: {  	_ =	strace s3  }
0x97: {  	_ =	strace $0x8FFFFFFF  }
0x98: {  	s19 =	sld [smem:$0x3FDB];
	_ =	sdelay $0x1  }
0x99: {  	s4 =	simm.s32 $_scs_section_size  }
0x9a: {  	s5 =	simm.s32 $_size__tile_overlayer_lowered;
	s6 =	simm.s32 $_tile_overlayer_lowered  }
0x9b: {  	s22 =	simm.s32 $0x1BFF;
	s21 =	sshll.u32 s6, $0x1;
	s3 =	sadd.s32 s4, s19  }
0x9c: {  	s7 =	simm.s32 $0x0;
	s20 =	sshll.u32 s5, $0x1;
	s5 =	sadd.s32 s21, s3  }
0x9d: {  	[timem:s7], [sflag:s22] =	dma.local [hbm:s5], s20  }
0x9e: {  	_ =	swait.ge [sflag:s22], s20  }
0x9f: {  	s4 =	ssub.s32 $0x0, s20;
	[sflag:s22] =	ssyncset.done $0x0  }
0xa0: {  	[sflag:s22] =	ssyncadd.s32 s4;
	_ =	sdelay $0x1  }
0xa1: {  	s23 =	simm.s32 $0x1B8B  }
0xa2: {  	_ =	swait.ge [sflag:s23], $0x1  }
0xa3: {  	[sflag:s23] =	ssyncset.done $0x0  }
0xa4: {  	s25 =	simm.s32 $0x1B8E;
	s24 =	sld [smem:$0x3FFE];
	[sflag:s23] =	ssyncadd.s32 $0xFFFFFFFF  }
0xa5: {  	s26 =	simm.s32 $execute0_lowered;
	[smem:$0x3FD2] =	sst s25  }
0xa6: {  	s5 =	sshll.u32 s26, $0x1;
	_ =	strace $0x80000046;
	[dreg:$0x1] =	wrdreg $0xFFFFFFFF  }
0xa7: {  	s28 =	simm.s32 $_size_execute0_lowered;
	s3 =	sadd.s32 s3, s5;
	[dreg:$0x0] =	wrdreg $0x0  }
0xa8: {  	s5 =	sshll.u32 s28, $0x1;
	[dreg:$0x2] =	wrdreg s3  }
0xa9: {  	[dreg:$0x3] =	wrdreg s5  }
0xaa: {  	[dreg:$0x4] =	wrdreg $0xC0  }
0xab: {  	_ =	task [dreg:s7], $0x5FFFF  }
0xac: {  	[dreg:$0x1] =	wrdreg $0xFFFFFFFF  }
0xad: {  	[dreg:$0x0] =	wrdreg $0x60  }
0xae: {  	[dreg:$0x2] =	wrdreg s24  }
0xaf: {  	[dreg:$0x3] =	wrdreg s2  }
0xb0: {  	[dreg:$0x4] =	wrdreg $0x9  }
0xb1: {  	_ =	task.clear_ibuf [dreg:s7], $0x5FFFF;
	_ =	strace $0x90000046  }
0xb2: {  	s29 =	simm.s32 $0x9;
	_ =	strace $0x80000048  }
0xb3: {  	_ =	swait.ge [sflag:s29], $0x1  }
0xb4: {  	[sflag:s29] =	ssyncadd.s32 $0xFFFFFFFF  }
0xb5: {  	_ =	strace $0x90000048  }
0xb6: {  	_ =	sfence  }
0xb7: {  	s30 =	sld [smem:$0x0];
	_ =	sdelay $0x2  }
0xb8: {  	s31 =	sshll.u32 s1, $0xD;
	s1 =	sshrl.u32 s1, $0x2  }
0xb9: {  	s3 =	sand.u32 $0x4000, s31;
	s1 =	sadd.s32 s1, s30  }
0xba: {  	s0 =	sor.u32 s3, s0;
	s1 =	sshll.u32 s1, $0x11  }
0xbb: {  	s0 =	sor.u32 s1, s0  }
0xbc: {  	s0 =	sadd.s32 $0x8F2B, s0  }
0xbd: {  	[sflag:s0] =	ssyncadd.remote.s32 $0x1  }
0xbe: {  	_ =	sfence.sel $0xFFFF  }
0xbf: {  	[dreg:$0x0] =	wrdreg $0xFFFFFFFF;
	(pc) =	sbr.abs _section_cstart, $3  }
0xc0: {  	[dreg:$0x1] =	wrdreg $0xFFFFFFFF  }
0xc1: {  	_ =	task.clear_ibuf [dreg:s7], $0x2FFFF;
	_ =	strace $0x9FFFFFFF  }
0xc2: {  	(tm) =	ssettm $0x7FFFFFFF  }
0xc3: {  	_ =	shalt  }
tec
execute0_lowered:
.L_overlay_start_1:
0x0: {  	(tag) =	ssettag $0x1  }
0x1: {  	s1 =	srdreg.scid  }
0x2: {  	s0 =	stileid.u32;
	s1 =	sand.u32 $0x1, s1  }
0x3: {  	s4 =	rddreg [dreg:$0x0];
	s5 =	sshll.u32 s0, $0xE;
	s6 =	sshll.u32 s1, $0xD  }
0x4: {  	s3 =	rddreg [dreg:$0x1];
	s5 =	sor.u32 s6, s5  }
0x5: {  	s2 =	simm.s32 $0x0;
	s6 =	sshll.u32 s5, $0x4;
	s5 =	sshrl.u32 s5, $0x3  }
0x6: {  	[smem:$0x7FF] =	sst s2;
	s31 =	sadd.s32 s6, s4;
	s3 =	sadd.s32 s3, s5  }
0x7: {  	_ =	strace $0x80000047;
	[dreg:$0x3] =	wrdreg s3;
	s18 =	sadd.s32 $0x83800, s31  }
0x8: {  	s19 =	sadd.s32 $0x85800, s31;
	[dreg:$0x4] =	wrdreg s18  }
0x9: {  	s20 =	sadd.s32 $0x87800, s31;
	[dreg:$0x5] =	wrdreg s19  }
0xa: {  	s21 =	sadd.s32 $0x89800, s31;
	[dreg:$0x6] =	wrdreg s20  }
0xb: {  	s22 =	sadd.s32 $0x8B800, s31;
	[dreg:$0x7] =	wrdreg s21  }
0xc: {  	[dreg:$0x8] =	wrdreg s22  }
0xd: {  	s23 =	sadd.s32 $0x8D800, s31;
	s24 =	rddreg [dreg:$0x3]  }
0xe: {  	s25 =	sadd.s32 $0x8F800, s31;
	[dreg:$0x9] =	wrdreg s23  }
0xf: {  	s3 =	simm.s32 $0x2;
	[dreg:$0xa] =	wrdreg s25  }
0x10: {  	[tilespmem:s2], [sflag:$0x2] =	stream.linear.gather [hbm4b:s24+s2], $0x2000, $0x38;
	[tilespmem:$0x12000] =	vst v63  }
0x11: {  	_ =	swait.ge [sflag:s3], $0x2000  }
0x12: {  	s7 =	simm.s32 $0x1;
	s4 =	sadd.s32 $0x63800, s4;
	[sflag:s3] =	ssyncset.done $0x0  }
0x13: {  	s5 =	simm.s32 $0x200;
	s6 =	simm.s32 $0x2000;
	[sflag:s3] =	ssyncadd.s32 $0xFFFFE000  }
0x14: {  	[tilespmem:s6], [sflag:$0x1] =	stream.indirect.gather [hbm4b:s4+s5], $0x80, s2, s5, $0xb8;
	[tilespmem:$0x12000] =	vst v63  }
0x15: {  	_ =	swait.ge [sflag:s7], $0x10000  }
0x16: {  	[sflag:s7] =	ssyncset.done $0x0  }
0x17: {  	s8 =	rddreg [dreg:$0x4];
	[sflag:s7] =	ssyncadd.s32 $0xFFFF0000  }
0x18: {  	[hbm4b:s8+s2] =	stream.linear.scatter [tilespmem:s6], [sflag:$0x2], $0x10000, $0x38;
	[tilespmem:$0x12000] =	vst v63  }
0x19: {  	_ =	swait.ge [sflag:s3], $0x10000  }
0x1a: {  	[sflag:s3] =	ssyncset.done $0x0  }
0x1b: {  	[sflag:s3] =	ssyncadd.s32 $0xFFFF0000  }
0x1c: {  	[tilespmem:s6], [sflag:$0x1] =	stream.indirect.gather [hbm4b:s4+s5], $0x80, s5, s5, $0xb8;
	[tilespmem:$0x12000] =	vst v63  }
0x1d: {  	_ =	swait.ge [sflag:s7], $0x10000  }
0x1e: {  	[sflag:s7] =	ssyncset.done $0x0  }
0x1f: {  	s26 =	rddreg [dreg:$0x5];
	[sflag:s7] =	ssyncadd.s32 $0xFFFF0000  }
0x20: {  	[hbm4b:s26+s2] =	stream.linear.scatter [tilespmem:s6], [sflag:$0x2], $0x10000, $0x38;
	[tilespmem:$0x12000] =	vst v63  }
0x21: {  	_ =	swait.ge [sflag:s3], $0x10000  }
0x22: {  	[sflag:s3] =	ssyncset.done $0x0  }
0x23: {  	s8 =	simm.s32 $0x400;
	[sflag:s3] =	ssyncadd.s32 $0xFFFF0000  }
0x24: {  	[tilespmem:s6], [sflag:$0x1] =	stream.indirect.gather [hbm4b:s4+s5], $0x80, s8, s5, $0xb8;
	[tilespmem:$0x12000] =	vst v63  }
0x25: {  	_ =	swait.ge [sflag:s7], $0x10000  }
0x26: {  	[sflag:s7] =	ssyncset.done $0x0  }
0x27: {  	s9 =	rddreg [dreg:$0x6];
	[sflag:s7] =	ssyncadd.s32 $0xFFFF0000  }
0x28: {  	[hbm4b:s9+s2] =	stream.linear.scatter [tilespmem:s6], [sflag:$0x2], $0x10000, $0x38;
	[tilespmem:$0x12000] =	vst v63  }
0x29: {  	_ =	swait.ge [sflag:s3], $0x10000  }
0x2a: {  	[sflag:s3] =	ssyncset.done $0x0  }
0x2b: {  	s9 =	simm.s32 $0x600;
	[sflag:s3] =	ssyncadd.s32 $0xFFFF0000  }
0x2c: {  	[tilespmem:s6], [sflag:$0x1] =	stream.indirect.gather [hbm4b:s4+s5], $0x80, s9, s5, $0xb8;
	[tilespmem:$0x12000] =	vst v63  }
0x2d: {  	_ =	swait.ge [sflag:s7], $0x10000  }
0x2e: {  	[sflag:s7] =	ssyncset.done $0x0  }
0x2f: {  	s10 =	rddreg [dreg:$0x7];
	[sflag:s7] =	ssyncadd.s32 $0xFFFF0000  }
0x30: {  	[hbm4b:s10+s2] =	stream.linear.scatter [tilespmem:s6], [sflag:$0x2], $0x10000, $0x38;
	[tilespmem:$0x12000] =	vst v63  }
0x31: {  	_ =	swait.ge [sflag:s3], $0x10000  }
0x32: {  	[sflag:s3] =	ssyncset.done $0x0  }
0x33: {  	s10 =	simm.s32 $0x800;
	[sflag:s3] =	ssyncadd.s32 $0xFFFF0000  }
0x34: {  	[tilespmem:s6], [sflag:$0x1] =	stream.indirect.gather [hbm4b:s4+s5], $0x80, s10, s5, $0xb8;
	[tilespmem:$0x12000] =	vst v63  }
0x35: {  	_ =	swait.ge [sflag:s7], $0x10000  }
0x36: {  	[sflag:s7] =	ssyncset.done $0x0  }
0x37: {  	s11 =	rddreg [dreg:$0x8];
	[sflag:s7] =	ssyncadd.s32 $0xFFFF0000  }
0x38: {  	[hbm4b:s11+s2] =	stream.linear.scatter [tilespmem:s6], [sflag:$0x2], $0x10000, $0x38;
	[tilespmem:$0x12000] =	vst v63  }
0x39: {  	_ =	swait.ge [sflag:s3], $0x10000  }
0x3a: {  	[sflag:s3] =	ssyncset.done $0x0  }
0x3b: {  	s11 =	simm.s32 $0xA00;
	[sflag:s3] =	ssyncadd.s32 $0xFFFF0000  }
0x3c: {  	[tilespmem:s6], [sflag:$0x1] =	stream.indirect.gather [hbm4b:s4+s5], $0x80, s11, s5, $0xb8;
	[tilespmem:$0x12000] =	vst v63  }
0x3d: {  	_ =	swait.ge [sflag:s7], $0x10000  }
0x3e: {  	[sflag:s7] =	ssyncset.done $0x0  }
0x3f: {  	s12 =	rddreg [dreg:$0x9];
	[sflag:s7] =	ssyncadd.s32 $0xFFFF0000  }
0x40: {  	[hbm4b:s12+s2] =	stream.linear.scatter [tilespmem:s6], [sflag:$0x2], $0x10000, $0x38;
	[tilespmem:$0x12000] =	vst v63  }
0x41: {  	_ =	swait.ge [sflag:s3], $0x10000  }
0x42: {  	[sflag:s3] =	ssyncset.done $0x0  }
0x43: {  	s12 =	simm.s32 $0xC00;
	[sflag:s3] =	ssyncadd.s32 $0xFFFF0000  }
0x44: {  	[tilespmem:s6], [sflag:$0x1] =	stream.indirect.gather [hbm4b:s4+s5], $0x80, s12, s5, $0xb8;
	[tilespmem:$0x12000] =	vst v63  }
0x45: {  	_ =	swait.ge [sflag:s7], $0x10000  }
0x46: {  	[sflag:s7] =	ssyncset.done $0x0  }
0x47: {  	s13 =	rddreg [dreg:$0xa];
	[sflag:s7] =	ssyncadd.s32 $0xFFFF0000  }
0x48: {  	[hbm4b:s13+s2] =	stream.linear.scatter [tilespmem:s6], [sflag:$0x2], $0x10000, $0x38;
	[tilespmem:$0x12000] =	vst v63  }
0x49: {  	_ =	swait.ge [sflag:s3], $0x10000  }
0x4a: {  	[sflag:s3] =	ssyncset.done $0x0  }
0x4b: {  	s13 =	simm.s32 $0xE00;
	[sflag:s3] =	ssyncadd.s32 $0xFFFF0000  }
0x4c: {  	[tilespmem:s6], [sflag:$0x1] =	stream.indirect.gather [hbm4b:s4+s5], $0x80, s13, s5, $0xb8;
	[tilespmem:$0x12000] =	vst v63  }
0x4d: {  	_ =	swait.ge [sflag:s7], $0x10000  }
0x4e: {  	[sflag:s7] =	ssyncset.done $0x0  }
0x4f: {  	s14 =	sadd.s32 $0x91800, s31;
	[sflag:s7] =	ssyncadd.s32 $0xFFFF0000  }
0x50: {  	[hbm4b:s14+s2] =	stream.linear.scatter [tilespmem:s6], [sflag:$0x2], $0x10000, $0x38;
	[tilespmem:$0x12000] =	vst v63  }
0x51: {  	_ =	swait.ge [sflag:s3], $0x10000  }
0x52: {  	[sflag:s3] =	ssyncset.done $0x0  }
0x53: {  	s15 =	simm.s32 $0x1000;
	[sflag:s3] =	ssyncadd.s32 $0xFFFF0000  }
0x54: {  	[tilespmem:s6], [sflag:$0x1] =	stream.indirect.gather [hbm4b:s4+s5], $0x80, s15, s5, $0xb8;
	[tilespmem:$0x12000] =	vst v63  }
0x55: {  	_ =	swait.ge [sflag:s7], $0x10000  }
0x56: {  	[sflag:s7] =	ssyncset.done $0x0  }
0x57: {  	s16 =	sadd.s32 $0x93800, s31;
	[sflag:s7] =	ssyncadd.s32 $0xFFFF0000  }
0x58: {  	[hbm4b:s16+s2] =	stream.linear.scatter [tilespmem:s6], [sflag:$0x2], $0x10000, $0x38;
	[tilespmem:$0x12000] =	vst v63  }
0x59: {  	_ =	swait.ge [sflag:s3], $0x10000  }
0x5a: {  	[sflag:s3] =	ssyncset.done $0x0  }
0x5b: {  	s17 =	simm.s32 $0x1200;
	[sflag:s3] =	ssyncadd.s32 $0xFFFF0000  }
0x5c: {  	[tilespmem:s6], [sflag:$0x1] =	stream.indirect.gather [hbm4b:s4+s5], $0x80, s17, s5, $0xb8;
	[tilespmem:$0x12000] =	vst v63  }
0x5d: {  	_ =	swait.ge [sflag:s7], $0x10000  }
0x5e: {  	[sflag:s7] =	ssyncset.done $0x0  }
0x5f: {  	s18 =	sadd.s32 $0x95800, s31;
	[sflag:s7] =	ssyncadd.s32 $0xFFFF0000  }
0x60: {  	[hbm4b:s18+s2] =	stream.linear.scatter [tilespmem:s6], [sflag:$0x2], $0x10000, $0x38;
	[tilespmem:$0x12000] =	vst v63  }
0x61: {  	_ =	swait.ge [sflag:s3], $0x10000  }
0x62: {  	[sflag:s3] =	ssyncset.done $0x0  }
0x63: {  	s19 =	simm.s32 $0x1400;
	[sflag:s3] =	ssyncadd.s32 $0xFFFF0000  }
0x64: {  	[tilespmem:s6], [sflag:$0x1] =	stream.indirect.gather [hbm4b:s4+s5], $0x80, s19, s5, $0xb8;
	[tilespmem:$0x12000] =	vst v63  }
0x65: {  	_ =	swait.ge [sflag:s7], $0x10000  }
0x66: {  	[sflag:s7] =	ssyncset.done $0x0  }
0x67: {  	s20 =	sadd.s32 $0x97800, s31;
	[sflag:s7] =	ssyncadd.s32 $0xFFFF0000  }
0x68: {  	[hbm4b:s20+s2] =	stream.linear.scatter [tilespmem:s6], [sflag:$0x2], $0x10000, $0x38;
	[tilespmem:$0x12000] =	vst v63  }
0x69: {  	_ =	swait.ge [sflag:s3], $0x10000  }
0x6a: {  	[sflag:s3] =	ssyncset.done $0x0  }
0x6b: {  	s21 =	simm.s32 $0x1600;
	[sflag:s3] =	ssyncadd.s32 $0xFFFF0000  }
0x6c: {  	[tilespmem:s6], [sflag:$0x1] =	stream.indirect.gather [hbm4b:s4+s5], $0x80, s21, s5, $0xb8;
	[tilespmem:$0x12000] =	vst v63  }
0x6d: {  	_ =	swait.ge [sflag:s7], $0x10000  }
0x6e: {  	[sflag:s7] =	ssyncset.done $0x0  }
0x6f: {  	s22 =	sadd.s32 $0x99800, s31;
	[sflag:s7] =	ssyncadd.s32 $0xFFFF0000  }
0x70: {  	[hbm4b:s22+s2] =	stream.linear.scatter [tilespmem:s6], [sflag:$0x2], $0x10000, $0x38;
	[tilespmem:$0x12000] =	vst v63  }
0x71: {  	_ =	swait.ge [sflag:s3], $0x10000  }
0x72: {  	[sflag:s3] =	ssyncset.done $0x0  }
0x73: {  	s23 =	simm.s32 $0x1800;
	[sflag:s3] =	ssyncadd.s32 $0xFFFF0000  }
0x74: {  	[tilespmem:s6], [sflag:$0x1] =	stream.indirect.gather [hbm4b:s4+s5], $0x80, s23, s5, $0xb8;
	[tilespmem:$0x12000] =	vst v63  }
0x75: {  	_ =	swait.ge [sflag:s7], $0x10000  }
0x76: {  	[sflag:s7] =	ssyncset.done $0x0  }
0x77: {  	s24 =	sadd.s32 $0x9B800, s31;
	[sflag:s7] =	ssyncadd.s32 $0xFFFF0000  }
0x78: {  	[hbm4b:s24+s2] =	stream.linear.scatter [tilespmem:s6], [sflag:$0x2], $0x10000, $0x38;
	[tilespmem:$0x12000] =	vst v63  }
0x79: {  	_ =	swait.ge [sflag:s3], $0x10000  }
0x7a: {  	[sflag:s3] =	ssyncset.done $0x0  }
0x7b: {  	s25 =	simm.s32 $0x1A00;
	[sflag:s3] =	ssyncadd.s32 $0xFFFF0000  }
0x7c: {  	[tilespmem:s6], [sflag:$0x1] =	stream.indirect.gather [hbm4b:s4+s5], $0x80, s25, s5, $0xb8;
	[tilespmem:$0x12000] =	vst v63  }
0x7d: {  	_ =	swait.ge [sflag:s7], $0x10000  }
0x7e: {  	[sflag:s7] =	ssyncset.done $0x0  }
0x7f: {  	s26 =	sadd.s32 $0x9D800, s31;
	[sflag:s7] =	ssyncadd.s32 $0xFFFF0000  }
0x80: {  	[hbm4b:s26+s2] =	stream.linear.scatter [tilespmem:s6], [sflag:$0x2], $0x10000, $0x38;
	[tilespmem:$0x12000] =	vst v63  }
0x81: {  	_ =	swait.ge [sflag:s3], $0x10000  }
0x82: {  	[sflag:s3] =	ssyncset.done $0x0  }
0x83: {  	s28 =	simm.s32 $0x1C00;
	[sflag:s3] =	ssyncadd.s32 $0xFFFF0000  }
0x84: {  	[tilespmem:s6], [sflag:$0x1] =	stream.indirect.gather [hbm4b:s4+s5], $0x80, s28, s5, $0xb8;
	[tilespmem:$0x12000] =	vst v63  }
0x85: {  	_ =	swait.ge [sflag:s7], $0x10000  }
0x86: {  	s1 =	ssub.s32 $0x2, s1;
	[sflag:s7] =	ssyncset.done $0x0  }
0x87: {  	s0 =	sshrl.u32 s1, $0x1;
	s29 =	sadd.s32 $0x9F800, s31;
	[sflag:s7] =	ssyncadd.s32 $0xFFFF0000  }
0x88: {  	[hbm4b:s29+s2] =	stream.linear.scatter [tilespmem:s6], [sflag:$0x2], $0x10000, $0x38;
	[tilespmem:$0x12000] =	vst v63  }
0x89: {  	s0 =	ssub.s32 s1, s0;
	_ =	swait.ge [sflag:s3], $0x10000  }
0x8a: {  	s0 =	smax.u32 s0, $0x1;
	[sflag:s3] =	ssyncset.done $0x0  }
0x8b: {  	s30 =	simm.s32 $0x1E00;
	p0 =	sne.s32 s0, $0x1;
	[sflag:s3] =	ssyncadd.s32 $0xFFFF0000  }
0x8c: {  	[tilespmem:s6], [sflag:$0x1] =	stream.indirect.gather [hbm4b:s4+s5], $0x80, s30, s5, $0xb8;
	[tilespmem:$0x12000] =	vst v63  }
.Ltmp0:
0x8d: {  	_ =	swait.ge [sflag:s7], $0x10000;
	(pc) =	sbr.rel @!p0 .LBB2_2-.Ltmp0, $4  }
0x8e: {  	[sflag:s7] =	ssyncset.done $0x0  }
0x8f: {  	s31 =	sadd.s32 $0xA1800, s31;
	[sflag:s7] =	ssyncadd.s32 $0xFFFF0000  }
0x90: {  	[hbm4b:s31+s2] =	stream.linear.scatter [tilespmem:s6], [sflag:$0x2], $0x10000, $0x38;
	[tilespmem:$0x12000] =	vst v63  }
0x91: {  	s1 =	sadd.s32 $0xFFFFFFFF, s0;
	_ =	swait.ge [sflag:s3], $0x10000  }
.LBB2_1:
0x92: {  	[sflag:s3] =	ssyncset.done $0x0  }
0x93: {  	s0 =	rddreg [dreg:$0x3];
	[sflag:s3] =	ssyncadd.s32 $0xFFFF0000  }
0x94: {  	[tilespmem:s2], [sflag:$0x2] =	stream.linear.gather [hbm4b:s0+s2], $0x2000, $0x38;
	[tilespmem:$0x12000] =	vst v63  }
0x95: {  	_ =	swait.ge [sflag:s3], $0x2000  }
0x96: {  	[sflag:s3] =	ssyncset.done $0x0  }
0x97: {  	[sflag:s3] =	ssyncadd.s32 $0xFFFFE000  }
0x98: {  	[tilespmem:s6], [sflag:$0x1] =	stream.indirect.gather [hbm4b:s4+s5], $0x80, s2, s5, $0xb8;
	[tilespmem:$0x12000] =	vst v63  }
0x99: {  	_ =	swait.ge [sflag:s7], $0x10000  }
0x9a: {  	[sflag:s7] =	ssyncset.done $0x0  }
0x9b: {  	s0 =	rddreg [dreg:$0x4];
	[sflag:s7] =	ssyncadd.s32 $0xFFFF0000  }
0x9c: {  	[hbm4b:s0+s2] =	stream.linear.scatter [tilespmem:s6], [sflag:$0x2], $0x10000, $0x38;
	[tilespmem:$0x12000] =	vst v63  }
0x9d: {  	_ =	swait.ge [sflag:s3], $0x10000  }
0x9e: {  	[sflag:s3] =	ssyncset.done $0x0  }
0x9f: {  	[sflag:s3] =	ssyncadd.s32 $0xFFFF0000  }
0xa0: {  	[tilespmem:s6], [sflag:$0x1] =	stream.indirect.gather [hbm4b:s4+s5], $0x80, s5, s5, $0xb8;
	[tilespmem:$0x12000] =	vst v63  }
0xa1: {  	_ =	swait.ge [sflag:s7], $0x10000  }
0xa2: {  	[sflag:s7] =	ssyncset.done $0x0  }
0xa3: {  	s0 =	rddreg [dreg:$0x5];
	[sflag:s7] =	ssyncadd.s32 $0xFFFF0000  }
0xa4: {  	[hbm4b:s0+s2] =	stream.linear.scatter [tilespmem:s6], [sflag:$0x2], $0x10000, $0x38;
	[tilespmem:$0x12000] =	vst v63  }
0xa5: {  	_ =	swait.ge [sflag:s3], $0x10000  }
0xa6: {  	[sflag:s3] =	ssyncset.done $0x0  }
0xa7: {  	[sflag:s3] =	ssyncadd.s32 $0xFFFF0000  }
0xa8: {  	[tilespmem:s6], [sflag:$0x1] =	stream.indirect.gather [hbm4b:s4+s5], $0x80, s8, s5, $0xb8;
	[tilespmem:$0x12000] =	vst v63  }
0xa9: {  	_ =	swait.ge [sflag:s7], $0x10000  }
0xaa: {  	[sflag:s7] =	ssyncset.done $0x0  }
0xab: {  	s0 =	rddreg [dreg:$0x6];
	[sflag:s7] =	ssyncadd.s32 $0xFFFF0000  }
0xac: {  	[hbm4b:s0+s2] =	stream.linear.scatter [tilespmem:s6], [sflag:$0x2], $0x10000, $0x38;
	[tilespmem:$0x12000] =	vst v63  }
0xad: {  	_ =	swait.ge [sflag:s3], $0x10000  }
0xae: {  	[sflag:s3] =	ssyncset.done $0x0  }
0xaf: {  	[sflag:s3] =	ssyncadd.s32 $0xFFFF0000  }
0xb0: {  	[tilespmem:s6], [sflag:$0x1] =	stream.indirect.gather [hbm4b:s4+s5], $0x80, s9, s5, $0xb8;
	[tilespmem:$0x12000] =	vst v63  }
0xb1: {  	_ =	swait.ge [sflag:s7], $0x10000  }
0xb2: {  	[sflag:s7] =	ssyncset.done $0x0  }
0xb3: {  	s0 =	rddreg [dreg:$0x7];
	[sflag:s7] =	ssyncadd.s32 $0xFFFF0000  }
0xb4: {  	[hbm4b:s0+s2] =	stream.linear.scatter [tilespmem:s6], [sflag:$0x2], $0x10000, $0x38;
	[tilespmem:$0x12000] =	vst v63  }
0xb5: {  	_ =	swait.ge [sflag:s3], $0x10000  }
0xb6: {  	[sflag:s3] =	ssyncset.done $0x0  }
0xb7: {  	[sflag:s3] =	ssyncadd.s32 $0xFFFF0000  }
0xb8: {  	[tilespmem:s6], [sflag:$0x1] =	stream.indirect.gather [hbm4b:s4+s5], $0x80, s10, s5, $0xb8;
	[tilespmem:$0x12000] =	vst v63  }
0xb9: {  	_ =	swait.ge [sflag:s7], $0x10000  }
0xba: {  	[sflag:s7] =	ssyncset.done $0x0  }
0xbb: {  	s0 =	rddreg [dreg:$0x8];
	[sflag:s7] =	ssyncadd.s32 $0xFFFF0000  }
0xbc: {  	[hbm4b:s0+s2] =	stream.linear.scatter [tilespmem:s6], [sflag:$0x2], $0x10000, $0x38;
	[tilespmem:$0x12000] =	vst v63  }
0xbd: {  	_ =	swait.ge [sflag:s3], $0x10000  }
0xbe: {  	[sflag:s3] =	ssyncset.done $0x0  }
0xbf: {  	[sflag:s3] =	ssyncadd.s32 $0xFFFF0000  }
0xc0: {  	[tilespmem:s6], [sflag:$0x1] =	stream.indirect.gather [hbm4b:s4+s5], $0x80, s11, s5, $0xb8;
	[tilespmem:$0x12000] =	vst v63  }
0xc1: {  	_ =	swait.ge [sflag:s7], $0x10000  }
0xc2: {  	[sflag:s7] =	ssyncset.done $0x0  }
0xc3: {  	s0 =	rddreg [dreg:$0x9];
	[sflag:s7] =	ssyncadd.s32 $0xFFFF0000  }
0xc4: {  	[hbm4b:s0+s2] =	stream.linear.scatter [tilespmem:s6], [sflag:$0x2], $0x10000, $0x38;
	[tilespmem:$0x12000] =	vst v63  }
0xc5: {  	_ =	swait.ge [sflag:s3], $0x10000  }
0xc6: {  	[sflag:s3] =	ssyncset.done $0x0  }
0xc7: {  	[sflag:s3] =	ssyncadd.s32 $0xFFFF0000  }
0xc8: {  	[tilespmem:s6], [sflag:$0x1] =	stream.indirect.gather [hbm4b:s4+s5], $0x80, s12, s5, $0xb8;
	[tilespmem:$0x12000] =	vst v63  }
0xc9: {  	_ =	swait.ge [sflag:s7], $0x10000  }
0xca: {  	[sflag:s7] =	ssyncset.done $0x0  }
0xcb: {  	s0 =	rddreg [dreg:$0xa];
	[sflag:s7] =	ssyncadd.s32 $0xFFFF0000  }
0xcc: {  	[hbm4b:s0+s2] =	stream.linear.scatter [tilespmem:s6], [sflag:$0x2], $0x10000, $0x38;
	[tilespmem:$0x12000] =	vst v63  }
0xcd: {  	_ =	swait.ge [sflag:s3], $0x10000  }
0xce: {  	[sflag:s3] =	ssyncset.done $0x0  }
0xcf: {  	[sflag:s3] =	ssyncadd.s32 $0xFFFF0000  }
0xd0: {  	[tilespmem:s6], [sflag:$0x1] =	stream.indirect.gather [hbm4b:s4+s5], $0x80, s13, s5, $0xb8;
	[tilespmem:$0x12000] =	vst v63  }
0xd1: {  	_ =	swait.ge [sflag:s7], $0x10000  }
0xd2: {  	[sflag:s7] =	ssyncset.done $0x0  }
0xd3: {  	[sflag:s7] =	ssyncadd.s32 $0xFFFF0000  }
0xd4: {  	[hbm4b:s14+s2] =	stream.linear.scatter [tilespmem:s6], [sflag:$0x2], $0x10000, $0x38;
	[tilespmem:$0x12000] =	vst v63  }
0xd5: {  	_ =	swait.ge [sflag:s3], $0x10000  }
0xd6: {  	[sflag:s3] =	ssyncset.done $0x0  }
0xd7: {  	[sflag:s3] =	ssyncadd.s32 $0xFFFF0000  }
0xd8: {  	[tilespmem:s6], [sflag:$0x1] =	stream.indirect.gather [hbm4b:s4+s5], $0x80, s15, s5, $0xb8;
	[tilespmem:$0x12000] =	vst v63  }
0xd9: {  	_ =	swait.ge [sflag:s7], $0x10000  }
0xda: {  	[sflag:s7] =	ssyncset.done $0x0  }
0xdb: {  	[sflag:s7] =	ssyncadd.s32 $0xFFFF0000  }
0xdc: {  	[hbm4b:s16+s2] =	stream.linear.scatter [tilespmem:s6], [sflag:$0x2], $0x10000, $0x38;
	[tilespmem:$0x12000] =	vst v63  }
0xdd: {  	_ =	swait.ge [sflag:s3], $0x10000  }
0xde: {  	[sflag:s3] =	ssyncset.done $0x0  }
0xdf: {  	[sflag:s3] =	ssyncadd.s32 $0xFFFF0000  }
0xe0: {  	[tilespmem:s6], [sflag:$0x1] =	stream.indirect.gather [hbm4b:s4+s5], $0x80, s17, s5, $0xb8;
	[tilespmem:$0x12000] =	vst v63  }
0xe1: {  	_ =	swait.ge [sflag:s7], $0x10000  }
0xe2: {  	[sflag:s7] =	ssyncset.done $0x0  }
0xe3: {  	[sflag:s7] =	ssyncadd.s32 $0xFFFF0000  }
0xe4: {  	[hbm4b:s18+s2] =	stream.linear.scatter [tilespmem:s6], [sflag:$0x2], $0x10000, $0x38;
	[tilespmem:$0x12000] =	vst v63  }
0xe5: {  	_ =	swait.ge [sflag:s3], $0x10000  }
0xe6: {  	[sflag:s3] =	ssyncset.done $0x0  }
0xe7: {  	[sflag:s3] =	ssyncadd.s32 $0xFFFF0000  }
0xe8: {  	[tilespmem:s6], [sflag:$0x1] =	stream.indirect.gather [hbm4b:s4+s5], $0x80, s19, s5, $0xb8;
	[tilespmem:$0x12000] =	vst v63  }
0xe9: {  	_ =	swait.ge [sflag:s7], $0x10000  }
0xea: {  	[sflag:s7] =	ssyncset.done $0x0  }
0xeb: {  	[sflag:s7] =	ssyncadd.s32 $0xFFFF0000  }
0xec: {  	[hbm4b:s20+s2] =	stream.linear.scatter [tilespmem:s6], [sflag:$0x2], $0x10000, $0x38;
	[tilespmem:$0x12000] =	vst v63  }
0xed: {  	_ =	swait.ge [sflag:s3], $0x10000  }
0xee: {  	[sflag:s3] =	ssyncset.done $0x0  }
0xef: {  	[sflag:s3] =	ssyncadd.s32 $0xFFFF0000  }
0xf0: {  	[tilespmem:s6], [sflag:$0x1] =	stream.indirect.gather [hbm4b:s4+s5], $0x80, s21, s5, $0xb8;
	[tilespmem:$0x12000] =	vst v63  }
0xf1: {  	_ =	swait.ge [sflag:s7], $0x10000  }
0xf2: {  	[sflag:s7] =	ssyncset.done $0x0  }
0xf3: {  	[sflag:s7] =	ssyncadd.s32 $0xFFFF0000  }
0xf4: {  	[hbm4b:s22+s2] =	stream.linear.scatter [tilespmem:s6], [sflag:$0x2], $0x10000, $0x38;
	[tilespmem:$0x12000] =	vst v63  }
0xf5: {  	_ =	swait.ge [sflag:s3], $0x10000  }
0xf6: {  	[sflag:s3] =	ssyncset.done $0x0  }
0xf7: {  	[sflag:s3] =	ssyncadd.s32 $0xFFFF0000  }
0xf8: {  	[tilespmem:s6], [sflag:$0x1] =	stream.indirect.gather [hbm4b:s4+s5], $0x80, s23, s5, $0xb8;
	[tilespmem:$0x12000] =	vst v63  }
0xf9: {  	_ =	swait.ge [sflag:s7], $0x10000  }
0xfa: {  	[sflag:s7] =	ssyncset.done $0x0  }
0xfb: {  	[sflag:s7] =	ssyncadd.s32 $0xFFFF0000  }
0xfc: {  	[hbm4b:s24+s2] =	stream.linear.scatter [tilespmem:s6], [sflag:$0x2], $0x10000, $0x38;
	[tilespmem:$0x12000] =	vst v63  }
0xfd: {  	_ =	swait.ge [sflag:s3], $0x10000  }
0xfe: {  	[sflag:s3] =	ssyncset.done $0x0  }
0xff: {  	[sflag:s3] =	ssyncadd.s32 $0xFFFF0000  }
0x100: {  	[tilespmem:s6], [sflag:$0x1] =	stream.indirect.gather [hbm4b:s4+s5], $0x80, s25, s5, $0xb8;
	[tilespmem:$0x12000] =	vst v63  }
0x101: {  	_ =	swait.ge [sflag:s7], $0x10000  }
0x102: {  	[sflag:s7] =	ssyncset.done $0x0  }
0x103: {  	[sflag:s7] =	ssyncadd.s32 $0xFFFF0000  }
0x104: {  	[hbm4b:s26+s2] =	stream.linear.scatter [tilespmem:s6], [sflag:$0x2], $0x10000, $0x38;
	[tilespmem:$0x12000] =	vst v63  }
0x105: {  	_ =	swait.ge [sflag:s3], $0x10000  }
0x106: {  	[sflag:s3] =	ssyncset.done $0x0  }
0x107: {  	[sflag:s3] =	ssyncadd.s32 $0xFFFF0000  }
0x108: {  	[tilespmem:s6], [sflag:$0x1] =	stream.indirect.gather [hbm4b:s4+s5], $0x80, s28, s5, $0xb8;
	[tilespmem:$0x12000] =	vst v63  }
0x109: {  	_ =	swait.ge [sflag:s7], $0x10000  }
0x10a: {  	[sflag:s7] =	ssyncset.done $0x0  }
0x10b: {  	[sflag:s7] =	ssyncadd.s32 $0xFFFF0000  }
0x10c: {  	[hbm4b:s29+s2] =	stream.linear.scatter [tilespmem:s6], [sflag:$0x2], $0x10000, $0x38;
	[tilespmem:$0x12000] =	vst v63  }
0x10d: {  	_ =	swait.ge [sflag:s3], $0x10000  }
0x10e: {  	[sflag:s3] =	ssyncset.done $0x0  }
0x10f: {  	p0 =	sne.s32 s1, $0x1;
	[sflag:s3] =	ssyncadd.s32 $0xFFFF0000  }
0x110: {  	[tilespmem:s6], [sflag:$0x1] =	stream.indirect.gather [hbm4b:s4+s5], $0x80, s30, s5, $0xb8;
	[tilespmem:$0x12000] =	vst v63  }
.Ltmp1:
0x111: {  	_ =	swait.ge [sflag:s7], $0x10000;
	(pc) =	sbr.rel @p0 .LBB2_1-.Ltmp1, $4  }
0x112: {  	[sflag:s7] =	ssyncset.done $0x0  }
0x113: {  	[sflag:s7] =	ssyncadd.s32 $0xFFFF0000  }
0x114: {  	[hbm4b:s31+s2] =	stream.linear.scatter [tilespmem:s6], [sflag:$0x2], $0x10000, $0x38;
	[tilespmem:$0x12000] =	vst v63  }
0x115: {  	s1 =	sadd.s32 $0xFFFFFFFF, s1;
	_ =	swait.ge [sflag:s3], $0x10000  }
.LBB2_2:
0x116: {  	[sflag:s3] =	ssyncset.done $0x0  }
0x117: {  	[sflag:s3] =	ssyncadd.s32 $0xFFFF0000  }
0x118: {  	_ =	sfence.sel $0x180000  }
0x119: {  	[bflag:$0x0] =	sbarrier.arrive $0xFFFF  }
0x11a: {  	_ =	strace $0x90000047  }
0x11b: {  	s0 =	stileid.u32;
	[bflag:$0x2] =	sbarrier.arrive $0xFFFF  }
0x11c: {  	p0 =	sne.s32 s0, $0x0;
	s0 =	rddreg [dreg:$0x2]  }
0x11d: {  	s0 =	sadd.s32 @!p0 $0x100000, s0  }
0x11e: {  	[sflag:s0] =	ssyncadd.tile.s32 @!p0 $0x1;
	_ =	shalt  }
.Lfunc_end2:
_tile_overlayer_lowered:
.L_overlay_start_2:
0x11f: {  	(tag) =	ssettag $0x2  }
0x120: {  	s0 =	rddreg [dreg:$0x0];
	s2 =	stileid.u32  }
0x121: {  	s1 =	rddreg [dreg:$0x1];
	p0 =	sne.s32 s2, $0x0  }
0x122: {  	s3 =	rddreg [dreg:$0x2];
	[bflag:$0x3] =	sbarrier.arrive $0xFFFF;
	s2 =	simm.s32 @!p0 $0x1C02  }
0x123: {  	[timem:s3], [sflag:s2] =	dma.local @!p0 [hbm:s0], s1  }
0x124: {  	s0 =	simm.s32 @!p0 $0x2  }
0x125: {  	_ =	swait.ge @!p0 [sflag:s0], s1  }
0x126: {  	s1 =	ssub.s32 @!p0 $0x0, s1;
	[sflag:s0] =	ssyncset.done @!p0 $0x0  }
0x127: {  	[sflag:s0] =	ssyncadd.s32 @!p0 s1  }
0x128: {  	[bflag:$0x3] =	sbarrier.arrive $0xFFFF  }
0x129: {  	_ =	shalt  }

</sc_bundles>
